<compile_context>
chip_gen: v7x
topology: tpu7x:2x2x1
jax: 0.10.2.dev20260603
libtpu: 0.0.44.dev20260713+nightly
codegen_flags: <defaults>
</compile_context>

<pallas_src>
import jax
import jax.numpy as jnp
from jax import lax
from jax.experimental import pallas as pl
from jax.experimental.pallas import tpu as pltpu
from jax.experimental.pallas import tpu_sc as plsc

_B = 16
_L = 4096
_D = 512
_ROWS = _B * _L
_NC = 2
_NS = 16
_LANES = 16
_NW = _NC * _NS
_RPW = _ROWS // _NW
_CHUNK = 32
_NCHUNK = _RPW // _CHUNK
_NBUF = 4
_NWAVES = _NCHUNK // _NBUF


def _sc_body(table, lens_hbm, out, len_v, idx_v, bufs, gsems, ssems):
    wid = lax.axis_index("s") * _NC + lax.axis_index("c")
    base = wid * _RPW

    pltpu.sync_copy(lens_hbm, len_v.at[pl.ds(8, _B)])
    len_b = [plsc.load_gather(len_v, [jnp.full((_LANES,), 8 + k, jnp.int32)])
             for k in range(_B)]
    cum_b = []
    invpref_b = []
    acc_v = jnp.zeros((_LANES,), jnp.int32)
    acc_i = jnp.zeros((_LANES,), jnp.int32)
    for k in range(_B):
        acc_v = acc_v + len_b[k]
        cum_b.append(acc_v)
        invpref_b.append(acc_i)
        acc_i = acc_i + (_L - len_b[k])
    total = acc_v

    iota = lax.broadcasted_iota(jnp.int32, (_LANES,), 0)

    def idx_chunk(c, _):
        for u in range(_CHUNK // _LANES):
            i = base + c * _CHUNK + u * _LANES + iota
            j = i - total
            src_v = i
            src_i = j
            for k in range(_B):
                src_v = src_v + jnp.where(i >= cum_b[k], _L - len_b[k], 0)
                src_i = src_i + jnp.where(j >= invpref_b[k], len_b[k], 0)
            idx_v[c, pl.ds(u * _LANES, _LANES)] = jnp.where(
                i < total, src_v, src_i)
        return 0

    def start_gather(c, b):
        pltpu.async_copy(table.at[idx_v.at[c]], bufs[b], gsems[b])

    def start_scatter(c, b):
        pltpu.async_copy(bufs[b], out.at[pl.ds(base + c * _CHUNK, _CHUNK)],
                         ssems[b])

    def wait_gather(b):
        pltpu.make_async_copy(table.at[idx_v.at[0]], bufs[b], gsems[b]).wait()

    def wait_scatter(b):
        pltpu.make_async_copy(bufs[b], out.at[pl.ds(0, _CHUNK)],
                              ssems[b]).wait()

    for b in range(_NBUF):
        idx_chunk(b, 0)
        start_gather(b, b)
    lax.fori_loop(_NBUF, _NCHUNK, idx_chunk, 0, unroll=False)

    def wave(g, _):
        for b in range(_NBUF):
            c = g * _NBUF + b
            wait_gather(b)
            start_scatter(c, b)

        @pl.when(g + 1 < _NWAVES)
        def _():
            for b in range(_NBUF):
                wait_scatter(b)
                start_gather(g * _NBUF + b + _NBUF, b)

        return 0

    lax.fori_loop(0, _NWAVES, wave, 0, unroll=False)

    for b in range(_NBUF):
        wait_scatter(b)


_mesh = plsc.VectorSubcoreMesh(core_axis_name="c", subcore_axis_name="s",
                               num_cores=_NC, num_subcores=_NS)

def _sc_entry(table, lens, out, len_v, idx_v, *rest):
    _sc_body(table, lens, out, len_v, idx_v,
             list(rest[:_NBUF]), list(rest[_NBUF:2 * _NBUF]),
             list(rest[2 * _NBUF:]))


_sc_pack = pl.kernel(
    _sc_entry,
    out_type=jax.ShapeDtypeStruct((_ROWS, _D), jnp.float32),
    mesh=_mesh,
    compiler_params=pltpu.CompilerParams(needs_layout_passes=False,
                                         disable_bounds_checks=True,
                                         disable_semaphore_checks=True),
    scratch_types=[
        pltpu.VMEM((8 + _B,), jnp.int32),
        pltpu.VMEM((_NCHUNK, _CHUNK), jnp.int32),
    ] + [pltpu.VMEM((_CHUNK, _D), jnp.float32) for _ in range(_NBUF)]
      + [pltpu.SemaphoreType.DMA for _ in range(2 * _NBUF)],
)


@jax.jit
def kernel(environment, policy_dense, row_lengths):
    del environment
    table = policy_dense.reshape(_ROWS, _D)
    return _sc_pack(table, row_lengths)

# --- scband reference (transcript-rebuilt; emitter-appended) ---
"""Pipeline reference for scband-rag-policy-21672404975927 (READ-ONLY COPY).

The authoritative reference and input builder live on the scoring server;
editing this copy changes nothing except your own understanding.
"""

import jax, jax.numpy as jnp
import numpy as np


def setup_inputs(seed: int = 0) -> dict:
    key = jax.random.key(seed)
    k1, k2, k3 = jax.random.split(key, 3)
    environment = jax.random.normal(k1, (16, 8), dtype=jnp.float32)
    policy_dense = jax.random.normal(k2, (16, 4096, 512), dtype=jnp.float32)
    row_lengths = jax.random.randint(k3, (16,), 0, 4096, dtype=jnp.int32)
    return {"environment": environment, "policy_dense": policy_dense, "row_lengths": row_lengths}


def reference(environment, policy_dense, row_lengths):
    # Faithful JAX analog of tf.RaggedTensor.from_tensor(policy_dense, row_lengths, ragged_rank=1):
    # the ragged tensor's flat_values are the valid rows of policy_dense, packed contiguously.
    # Since JAX requires static shapes, we produce a fixed-size [B*L, D] buffer where the first
    # sum(row_lengths) rows are the packed flat_values (stable permutation moving valid tokens
    # to the front), which is the dense encoding of the ragged result.
    B, L, D = policy_dense.shape
    positions = jnp.arange(L, dtype=jnp.int32)
    mask = positions[None, :] < row_lengths[:, None]
    flat_mask = mask.reshape(-1)
    order = jnp.argsort(jnp.where(flat_mask, 0, 1))  # stable sort: valid tokens first, in order
    flat_values = policy_dense.reshape(B * L, D)[order]
    return flat_values

if __name__ == "__main__":
    import jax
    _d = setup_inputs()
    print(jax.jit(kernel)(*tuple(_d.values())))

</pallas_src>

<mosaic_0001>
#map = affine_map<(d0, d1) -> (0, 0)>
#map1 = affine_map<(d0, d1) -> (0)>
module attributes {stable_mosaic.version = 14 : i64} {
  func.func @_sc_entry(%arg0: i32, %arg1: i32, %arg2: memref<65536x512xf32, #tpu.memory_space<hbm>>, %arg3: memref<16xi32, #tpu.memory_space<hbm>>, %arg4: memref<65536x512xf32, #tpu.memory_space<hbm>>, %arg5: memref<24xi32, #tpu.memory_space<vmem>>, %arg6: memref<64x32xi32, #tpu.memory_space<vmem>>, %arg7: memref<32x512xf32, #tpu.memory_space<vmem>>, %arg8: memref<32x512xf32, #tpu.memory_space<vmem>>, %arg9: memref<32x512xf32, #tpu.memory_space<vmem>>, %arg10: memref<32x512xf32, #tpu.memory_space<vmem>>, %arg11: memref<!tpu.dma_semaphore, #tpu.memory_space<semaphore_mem>>, %arg12: memref<!tpu.dma_semaphore, #tpu.memory_space<semaphore_mem>>, %arg13: memref<!tpu.dma_semaphore, #tpu.memory_space<semaphore_mem>>, %arg14: memref<!tpu.dma_semaphore, #tpu.memory_space<semaphore_mem>>, %arg15: memref<!tpu.dma_semaphore, #tpu.memory_space<semaphore_mem>>, %arg16: memref<!tpu.dma_semaphore, #tpu.memory_space<semaphore_mem>>, %arg17: memref<!tpu.dma_semaphore, #tpu.memory_space<semaphore_mem>>, %arg18: memref<!tpu.dma_semaphore, #tpu.memory_space<semaphore_mem>>) attributes {dimension_semantics = [#tpu.dimension_semantics<core_parallel>, #tpu.dimension_semantics<subcore_parallel>], iteration_bounds = array<i64: 2, 16>, scalar_prefetch = 0 : i64, scratch_operands = 14 : i64, tpu.core_type = #tpu.core_type<sc_vector_subcore>, window_params = [{transform_indices = #map}, {transform_indices = #map1}, {transform_indices = #map}]} {
    %mul3A = arith.constant 2 : i32
    %mul3A_0 = arith.muli %arg1, %mul3A : i32
    %add3A = arith.addi %mul3A_0, %arg0 : i32
    %mul3A_1 = arith.constant 2048 : i32
    %mul3A_2 = arith.muli %add3A, %mul3A_1 : i32
    "tpu.region"() ({
      %run_scoped3A = tpu.sem_alloc : memref<!tpu.dma_semaphore, #tpu.memory_space<semaphore_mem>>
      %dma_start3A_1958 = arith.constant 8 : i32
      %dma_start3A_1959 = tpu.memref_slice %arg5[%dma_start3A_1958] : memref<24xi32, #tpu.memory_space<vmem>> -> memref<16xi32, #tpu.memory_space<vmem>>
      %dma_start3A_1960 = arith.constant 8 : i32
      %dma_start3A_1961 = tpu.memref_slice %arg5[%dma_start3A_1960] : memref<24xi32, #tpu.memory_space<vmem>> -> memref<16xi32, #tpu.memory_space<vmem>>
      tpu.enqueue_dma source(%arg3 : memref<16xi32, #tpu.memory_space<hbm>>) target(%dma_start3A_1961 : memref<16xi32, #tpu.memory_space<vmem>>) target_semaphore(%run_scoped3A : memref<!tpu.dma_semaphore, #tpu.memory_space<semaphore_mem>>)
      %dma_wait3A_1962 = arith.constant 8 : i32
      %dma_wait3A_1963 = tpu.memref_slice %arg5[%dma_wait3A_1962] : memref<24xi32, #tpu.memory_space<vmem>> -> memref<16xi32, #tpu.memory_space<vmem>>
      %dma_wait3A_1964 = arith.constant 8 : i32
      %dma_wait3A_1965 = tpu.memref_slice %arg5[%dma_wait3A_1964] : memref<24xi32, #tpu.memory_space<vmem>> -> memref<16xi32, #tpu.memory_space<vmem>>
      tpu.wait_dma2 semaphore(%run_scoped3A : memref<!tpu.dma_semaphore, #tpu.memory_space<semaphore_mem>>) src(%arg3 : memref<16xi32, #tpu.memory_space<hbm>>) dst(%dma_wait3A_1965 : memref<16xi32, #tpu.memory_space<vmem>>)
      tpu.yield
    }) : () -> ()
    %broadcast_in_dim3A = arith.constant 8 : i32
    %broadcast_in_dim3A_3 = vector.broadcast %broadcast_in_dim3A : i32 to vector<16xi32>
    %gather3A = tpu.vector_load_idx %arg5[%broadcast_in_dim3A_3] : memref<24xi32, #tpu.memory_space<vmem>>[vector<16xi32>], vector<16xi32>,
    %broadcast_in_dim3A_4 = arith.constant 9 : i32
    %broadcast_in_dim3A_5 = vector.broadcast %broadcast_in_dim3A_4 : i32 to vector<16xi32>
    %gather3A_6 = tpu.vector_load_idx %arg5[%broadcast_in_dim3A_5] : memref<24xi32, #tpu.memory_space<vmem>>[vector<16xi32>], vector<16xi32>,
    %broadcast_in_dim3A_7 = arith.constant 10 : i32
    %broadcast_in_dim3A_8 = vector.broadcast %broadcast_in_dim3A_7 : i32 to vector<16xi32>
    %gather3A_9 = tpu.vector_load_idx %arg5[%broadcast_in_dim3A_8] : memref<24xi32, #tpu.memory_space<vmem>>[vector<16xi32>], vector<16xi32>,
    %broadcast_in_dim3A_10 = arith.constant 11 : i32
    %broadcast_in_dim3A_11 = vector.broadcast %broadcast_in_dim3A_10 : i32 to vector<16xi32>
    %gather3A_12 = tpu.vector_load_idx %arg5[%broadcast_in_dim3A_11] : memref<24xi32, #tpu.memory_space<vmem>>[vector<16xi32>], vector<16xi32>,
    %broadcast_in_dim3A_13 = arith.constant 12 : i32
    %broadcast_in_dim3A_14 = vector.broadcast %broadcast_in_dim3A_13 : i32 to vector<16xi32>
    %gather3A_15 = tpu.vector_load_idx %arg5[%broadcast_in_dim3A_14] : memref<24xi32, #tpu.memory_space<vmem>>[vector<16xi32>], vector<16xi32>,
    %broadcast_in_dim3A_16 = arith.constant 13 : i32
    %broadcast_in_dim3A_17 = vector.broadcast %broadcast_in_dim3A_16 : i32 to vector<16xi32>
    %gather3A_18 = tpu.vector_load_idx %arg5[%broadcast_in_dim3A_17] : memref<24xi32, #tpu.memory_space<vmem>>[vector<16xi32>], vector<16xi32>,
    %broadcast_in_dim3A_19 = arith.constant 14 : i32
    %broadcast_in_dim3A_20 = vector.broadcast %broadcast_in_dim3A_19 : i32 to vector<16xi32>
    %gather3A_21 = tpu.vector_load_idx %arg5[%broadcast_in_dim3A_20] : memref<24xi32, #tpu.memory_space<vmem>>[vector<16xi32>], vector<16xi32>,
    %broadcast_in_dim3A_22 = arith.constant 15 : i32
    %broadcast_in_dim3A_23 = vector.broadcast %broadcast_in_dim3A_22 : i32 to vector<16xi32>
    %gather3A_24 = tpu.vector_load_idx %arg5[%broadcast_in_dim3A_23] : memref<24xi32, #tpu.memory_space<vmem>>[vector<16xi32>], vector<16xi32>,
    %broadcast_in_dim3A_25 = arith.constant 16 : i32
    %broadcast_in_dim3A_26 = vector.broadcast %broadcast_in_dim3A_25 : i32 to vector<16xi32>
    %gather3A_27 = tpu.vector_load_idx %arg5[%broadcast_in_dim3A_26] : memref<24xi32, #tpu.memory_space<vmem>>[vector<16xi32>], vector<16xi32>,
    %broadcast_in_dim3A_28 = arith.constant 17 : i32
    %broadcast_in_dim3A_29 = vector.broadcast %broadcast_in_dim3A_28 : i32 to vector<16xi32>
    %gather3A_30 = tpu.vector_load_idx %arg5[%broadcast_in_dim3A_29] : memref<24xi32, #tpu.memory_space<vmem>>[vector<16xi32>], vector<16xi32>,
    %broadcast_in_dim3A_31 = arith.constant 18 : i32
    %broadcast_in_dim3A_32 = vector.broadcast %broadcast_in_dim3A_31 : i32 to vector<16xi32>
    %gather3A_33 = tpu.vector_load_idx %arg5[%broadcast_in_dim3A_32] : memref<24xi32, #tpu.memory_space<vmem>>[vector<16xi32>], vector<16xi32>,
    %broadcast_in_dim3A_34 = arith.constant 19 : i32
    %broadcast_in_dim3A_35 = vector.broadcast %broadcast_in_dim3A_34 : i32 to vector<16xi32>
    %gather3A_36 = tpu.vector_load_idx %arg5[%broadcast_in_dim3A_35] : memref<24xi32, #tpu.memory_space<vmem>>[vector<16xi32>], vector<16xi32>,
    %broadcast_in_dim3A_37 = arith.constant 20 : i32
    %broadcast_in_dim3A_38 = vector.broadcast %broadcast_in_dim3A_37 : i32 to vector<16xi32>
    %gather3A_39 = tpu.vector_load_idx %arg5[%broadcast_in_dim3A_38] : memref<24xi32, #tpu.memory_space<vmem>>[vector<16xi32>], vector<16xi32>,
    %broadcast_in_dim3A_40 = arith.constant 21 : i32
    %broadcast_in_dim3A_41 = vector.broadcast %broadcast_in_dim3A_40 : i32 to vector<16xi32>
    %gather3A_42 = tpu.vector_load_idx %arg5[%broadcast_in_dim3A_41] : memref<24xi32, #tpu.memory_space<vmem>>[vector<16xi32>], vector<16xi32>,
    %broadcast_in_dim3A_43 = arith.constant 22 : i32
    %broadcast_in_dim3A_44 = vector.broadcast %broadcast_in_dim3A_43 : i32 to vector<16xi32>
    %gather3A_45 = tpu.vector_load_idx %arg5[%broadcast_in_dim3A_44] : memref<24xi32, #tpu.memory_space<vmem>>[vector<16xi32>], vector<16xi32>,
    %broadcast_in_dim3A_46 = arith.constant 23 : i32
    %broadcast_in_dim3A_47 = vector.broadcast %broadcast_in_dim3A_46 : i32 to vector<16xi32>
    %gather3A_48 = tpu.vector_load_idx %arg5[%broadcast_in_dim3A_47] : memref<24xi32, #tpu.memory_space<vmem>>[vector<16xi32>], vector<16xi32>,
    %broadcast_in_dim3A_49 = arith.constant 0 : i32
    %broadcast_in_dim3A_50 = vector.broadcast %broadcast_in_dim3A_49 : i32 to vector<16xi32>
    %broadcast_in_dim3A_51 = arith.constant 0 : i32
    %broadcast_in_dim3A_52 = vector.broadcast %broadcast_in_dim3A_51 : i32 to vector<16xi32>
    %add3A_53 = arith.addi %broadcast_in_dim3A_50, %gather3A : vector<16xi32>
    %sub3A = arith.constant 4096 : i32
    %sub3A_54 = vector.broadcast %sub3A : i32 to vector<16xi32>
    %sub3A_55 = arith.subi %sub3A_54, %gather3A : vector<16xi32>
    %add3A_56 = arith.addi %broadcast_in_dim3A_52, %sub3A_55 : vector<16xi32>
    %add3A_57 = arith.addi %add3A_53, %gather3A_6 : vector<16xi32>
    %sub3A_58 = arith.constant 4096 : i32
    %sub3A_59 = vector.broadcast %sub3A_58 : i32 to vector<16xi32>
    %sub3A_60 = arith.subi %sub3A_59, %gather3A_6 : vector<16xi32>
    %add3A_61 = arith.addi %add3A_56, %sub3A_60 : vector<16xi32>
    %add3A_62 = arith.addi %add3A_57, %gather3A_9 : vector<16xi32>
    %sub3A_63 = arith.constant 4096 : i32
    %sub3A_64 = vector.broadcast %sub3A_63 : i32 to vector<16xi32>
    %sub3A_65 = arith.subi %sub3A_64, %gather3A_9 : vector<16xi32>
    %add3A_66 = arith.addi %add3A_61, %sub3A_65 : vector<16xi32>
    %add3A_67 = arith.addi %add3A_62, %gather3A_12 : vector<16xi32>
    %sub3A_68 = arith.constant 4096 : i32
    %sub3A_69 = vector.broadcast %sub3A_68 : i32 to vector<16xi32>
    %sub3A_70 = arith.subi %sub3A_69, %gather3A_12 : vector<16xi32>
    %add3A_71 = arith.addi %add3A_66, %sub3A_70 : vector<16xi32>
    %add3A_72 = arith.addi %add3A_67, %gather3A_15 : vector<16xi32>
    %sub3A_73 = arith.constant 4096 : i32
    %sub3A_74 = vector.broadcast %sub3A_73 : i32 to vector<16xi32>
    %sub3A_75 = arith.subi %sub3A_74, %gather3A_15 : vector<16xi32>
    %add3A_76 = arith.addi %add3A_71, %sub3A_75 : vector<16xi32>
    %add3A_77 = arith.addi %add3A_72, %gather3A_18 : vector<16xi32>
    %sub3A_78 = arith.constant 4096 : i32
    %sub3A_79 = vector.broadcast %sub3A_78 : i32 to vector<16xi32>
    %sub3A_80 = arith.subi %sub3A_79, %gather3A_18 : vector<16xi32>
    %add3A_81 = arith.addi %add3A_76, %sub3A_80 : vector<16xi32>
    %add3A_82 = arith.addi %add3A_77, %gather3A_21 : vector<16xi32>
    %sub3A_83 = arith.constant 4096 : i32
    %sub3A_84 = vector.broadcast %sub3A_83 : i32 to vector<16xi32>
    %sub3A_85 = arith.subi %sub3A_84, %gather3A_21 : vector<16xi32>
    %add3A_86 = arith.addi %add3A_81, %sub3A_85 : vector<16xi32>
    %add3A_87 = arith.addi %add3A_82, %gather3A_24 : vector<16xi32>
    %sub3A_88 = arith.constant 4096 : i32
    %sub3A_89 = vector.broadcast %sub3A_88 : i32 to vector<16xi32>
    %sub3A_90 = arith.subi %sub3A_89, %gather3A_24 : vector<16xi32>
    %add3A_91 = arith.addi %add3A_86, %sub3A_90 : vector<16xi32>
    %add3A_92 = arith.addi %add3A_87, %gather3A_27 : vector<16xi32>
    %sub3A_93 = arith.constant 4096 : i32
    %sub3A_94 = vector.broadcast %sub3A_93 : i32 to vector<16xi32>
    %sub3A_95 = arith.subi %sub3A_94, %gather3A_27 : vector<16xi32>
    %add3A_96 = arith.addi %add3A_91, %sub3A_95 : vector<16xi32>
    %add3A_97 = arith.addi %add3A_92, %gather3A_30 : vector<16xi32>
    %sub3A_98 = arith.constant 4096 : i32
    %sub3A_99 = vector.broadcast %sub3A_98 : i32 to vector<16xi32>
    %sub3A_100 = arith.subi %sub3A_99, %gather3A_30 : vector<16xi32>
    %add3A_101 = arith.addi %add3A_96, %sub3A_100 : vector<16xi32>
    %add3A_102 = arith.addi %add3A_97, %gather3A_33 : vector<16xi32>
    %sub3A_103 = arith.constant 4096 : i32
    %sub3A_104 = vector.broadcast %sub3A_103 : i32 to vector<16xi32>
    %sub3A_105 = arith.subi %sub3A_104, %gather3A_33 : vector<16xi32>
    %add3A_106 = arith.addi %add3A_101, %sub3A_105 : vector<16xi32>
    %add3A_107 = arith.addi %add3A_102, %gather3A_36 : vector<16xi32>
    %sub3A_108 = arith.constant 4096 : i32
    %sub3A_109 = vector.broadcast %sub3A_108 : i32 to vector<16xi32>
    %sub3A_110 = arith.subi %sub3A_109, %gather3A_36 : vector<16xi32>
    %add3A_111 = arith.addi %add3A_106, %sub3A_110 : vector<16xi32>
    %add3A_112 = arith.addi %add3A_107, %gather3A_39 : vector<16xi32>
    %sub3A_113 = arith.constant 4096 : i32
    %sub3A_114 = vector.broadcast %sub3A_113 : i32 to vector<16xi32>
    %sub3A_115 = arith.subi %sub3A_114, %gather3A_39 : vector<16xi32>
    %add3A_116 = arith.addi %add3A_111, %sub3A_115 : vector<16xi32>
    %add3A_117 = arith.addi %add3A_112, %gather3A_42 : vector<16xi32>
    %sub3A_118 = arith.constant 4096 : i32
    %sub3A_119 = vector.broadcast %sub3A_118 : i32 to vector<16xi32>
    %sub3A_120 = arith.subi %sub3A_119, %gather3A_42 : vector<16xi32>
    %add3A_121 = arith.addi %add3A_116, %sub3A_120 : vector<16xi32>
    %add3A_122 = arith.addi %add3A_117, %gather3A_45 : vector<16xi32>
    %sub3A_123 = arith.constant 4096 : i32
    %sub3A_124 = vector.broadcast %sub3A_123 : i32 to vector<16xi32>
    %sub3A_125 = arith.subi %sub3A_124, %gather3A_45 : vector<16xi32>
    %add3A_126 = arith.addi %add3A_121, %sub3A_125 : vector<16xi32>
    %add3A_127 = arith.addi %add3A_122, %gather3A_48 : vector<16xi32>
    %sub3A_128 = arith.constant 4096 : i32
    %sub3A_129 = vector.broadcast %sub3A_128 : i32 to vector<16xi32>
    %sub3A_130 = arith.subi %sub3A_129, %gather3A_48 : vector<16xi32>
    %add3A_131 = arith.addi %add3A_126, %sub3A_130 : vector<16xi32>
    %iota3A = tpu.iota {dimensions = array<i32: 0>} : vector<16xi32>
    %add3A_132 = arith.constant 0 : i32
    %add3A_133 = arith.addi %mul3A_2, %add3A_132 : i32
    %add3A_134 = arith.constant 0 : i32
    %add3A_135 = arith.addi %add3A_133, %add3A_134 : i32
    %add3A_136 = vector.broadcast %add3A_135 : i32 to vector<16xi32>
    %add3A_137 = arith.addi %add3A_136, %iota3A : vector<16xi32>
    %sub3A_138 = arith.subi %add3A_137, %add3A_127 : vector<16xi32>
    %ge3A = arith.cmpi sge, %add3A_137, %add3A_53 : vector<16xi32>
    %sub3A_139 = arith.constant 4096 : i32
    %sub3A_140 = vector.broadcast %sub3A_139 : i32 to vector<16xi32>
    %sub3A_141 = arith.subi %sub3A_140, %gather3A : vector<16xi32>
    %jit3A = arith.constant 0 : i32
    %broadcast_in_dim3A_142 = vector.broadcast %jit3A : i32 to vector<16xi32>
    %select_n3A = arith.select %ge3A, %sub3A_141, %broadcast_in_dim3A_142 : vector<16xi1>, vector<16xi32>
    %add3A_143 = arith.addi %add3A_137, %select_n3A : vector<16xi32>
    %ge3A_144 = arith.cmpi sge, %sub3A_138, %broadcast_in_dim3A_52 : vector<16xi32>
    %jit3A_145 = arith.constant 0 : i32
    %broadcast_in_dim3A_146 = vector.broadcast %jit3A_145 : i32 to vector<16xi32>
    %select_n3A_147 = arith.select %ge3A_144, %gather3A, %broadcast_in_dim3A_146 : vector<16xi1>, vector<16xi32>
    %add3A_148 = arith.addi %sub3A_138, %select_n3A_147 : vector<16xi32>
    %ge3A_149 = arith.cmpi sge, %add3A_137, %add3A_57 : vector<16xi32>
    %sub3A_150 = arith.constant 4096 : i32
    %sub3A_151 = vector.broadcast %sub3A_150 : i32 to vector<16xi32>
    %sub3A_152 = arith.subi %sub3A_151, %gather3A_6 : vector<16xi32>
    %jit3A_153 = arith.constant 0 : i32
    %broadcast_in_dim3A_154 = vector.broadcast %jit3A_153 : i32 to vector<16xi32>
    %select_n3A_155 = arith.select %ge3A_149, %sub3A_152, %broadcast_in_dim3A_154 : vector<16xi1>, vector<16xi32>
    %add3A_156 = arith.addi %add3A_143, %select_n3A_155 : vector<16xi32>
    %ge3A_157 = arith.cmpi sge, %sub3A_138, %add3A_56 : vector<16xi32>
    %jit3A_158 = arith.constant 0 : i32
    %broadcast_in_dim3A_159 = vector.broadcast %jit3A_158 : i32 to vector<16xi32>
    %select_n3A_160 = arith.select %ge3A_157, %gather3A_6, %broadcast_in_dim3A_159 : vector<16xi1>, vector<16xi32>
    %add3A_161 = arith.addi %add3A_148, %select_n3A_160 : vector<16xi32>
    %ge3A_162 = arith.cmpi sge, %add3A_137, %add3A_62 : vector<16xi32>
    %sub3A_163 = arith.constant 4096 : i32
    %sub3A_164 = vector.broadcast %sub3A_163 : i32 to vector<16xi32>
    %sub3A_165 = arith.subi %sub3A_164, %gather3A_9 : vector<16xi32>
    %jit3A_166 = arith.constant 0 : i32
    %broadcast_in_dim3A_167 = vector.broadcast %jit3A_166 : i32 to vector<16xi32>
    %select_n3A_168 = arith.select %ge3A_162, %sub3A_165, %broadcast_in_dim3A_167 : vector<16xi1>, vector<16xi32>
    %add3A_169 = arith.addi %add3A_156, %select_n3A_168 : vector<16xi32>
    %ge3A_170 = arith.cmpi sge, %sub3A_138, %add3A_61 : vector<16xi32>
    %jit3A_171 = arith.constant 0 : i32
    %broadcast_in_dim3A_172 = vector.broadcast %jit3A_171 : i32 to vector<16xi32>
    %select_n3A_173 = arith.select %ge3A_170, %gather3A_9, %broadcast_in_dim3A_172 : vector<16xi1>, vector<16xi32>
    %add3A_174 = arith.addi %add3A_161, %select_n3A_173 : vector<16xi32>
    %ge3A_175 = arith.cmpi sge, %add3A_137, %add3A_67 : vector<16xi32>
    %sub3A_176 = arith.constant 4096 : i32
    %sub3A_177 = vector.broadcast %sub3A_176 : i32 to vector<16xi32>
    %sub3A_178 = arith.subi %sub3A_177, %gather3A_12 : vector<16xi32>
    %jit3A_179 = arith.constant 0 : i32
    %broadcast_in_dim3A_180 = vector.broadcast %jit3A_179 : i32 to vector<16xi32>
    %select_n3A_181 = arith.select %ge3A_175, %sub3A_178, %broadcast_in_dim3A_180 : vector<16xi1>, vector<16xi32>
    %add3A_182 = arith.addi %add3A_169, %select_n3A_181 : vector<16xi32>
    %ge3A_183 = arith.cmpi sge, %sub3A_138, %add3A_66 : vector<16xi32>
    %jit3A_184 = arith.constant 0 : i32
    %broadcast_in_dim3A_185 = vector.broadcast %jit3A_184 : i32 to vector<16xi32>
    %select_n3A_186 = arith.select %ge3A_183, %gather3A_12, %broadcast_in_dim3A_185 : vector<16xi1>, vector<16xi32>
    %add3A_187 = arith.addi %add3A_174, %select_n3A_186 : vector<16xi32>
    %ge3A_188 = arith.cmpi sge, %add3A_137, %add3A_72 : vector<16xi32>
    %sub3A_189 = arith.constant 4096 : i32
    %sub3A_190 = vector.broadcast %sub3A_189 : i32 to vector<16xi32>
    %sub3A_191 = arith.subi %sub3A_190, %gather3A_15 : vector<16xi32>
    %jit3A_192 = arith.constant 0 : i32
    %broadcast_in_dim3A_193 = vector.broadcast %jit3A_192 : i32 to vector<16xi32>
    %select_n3A_194 = arith.select %ge3A_188, %sub3A_191, %broadcast_in_dim3A_193 : vector<16xi1>, vector<16xi32>
    %add3A_195 = arith.addi %add3A_182, %select_n3A_194 : vector<16xi32>
    %ge3A_196 = arith.cmpi sge, %sub3A_138, %add3A_71 : vector<16xi32>
    %jit3A_197 = arith.constant 0 : i32
    %broadcast_in_dim3A_198 = vector.broadcast %jit3A_197 : i32 to vector<16xi32>
    %select_n3A_199 = arith.select %ge3A_196, %gather3A_15, %broadcast_in_dim3A_198 : vector<16xi1>, vector<16xi32>
    %add3A_200 = arith.addi %add3A_187, %select_n3A_199 : vector<16xi32>
    %ge3A_201 = arith.cmpi sge, %add3A_137, %add3A_77 : vector<16xi32>
    %sub3A_202 = arith.constant 4096 : i32
    %sub3A_203 = vector.broadcast %sub3A_202 : i32 to vector<16xi32>
    %sub3A_204 = arith.subi %sub3A_203, %gather3A_18 : vector<16xi32>
    %jit3A_205 = arith.constant 0 : i32
    %broadcast_in_dim3A_206 = vector.broadcast %jit3A_205 : i32 to vector<16xi32>
    %select_n3A_207 = arith.select %ge3A_201, %sub3A_204, %broadcast_in_dim3A_206 : vector<16xi1>, vector<16xi32>
    %add3A_208 = arith.addi %add3A_195, %select_n3A_207 : vector<16xi32>
    %ge3A_209 = arith.cmpi sge, %sub3A_138, %add3A_76 : vector<16xi32>
    %jit3A_210 = arith.constant 0 : i32
    %broadcast_in_dim3A_211 = vector.broadcast %jit3A_210 : i32 to vector<16xi32>
    %select_n3A_212 = arith.select %ge3A_209, %gather3A_18, %broadcast_in_dim3A_211 : vector<16xi1>, vector<16xi32>
    %add3A_213 = arith.addi %add3A_200, %select_n3A_212 : vector<16xi32>
    %ge3A_214 = arith.cmpi sge, %add3A_137, %add3A_82 : vector<16xi32>
    %sub3A_215 = arith.constant 4096 : i32
    %sub3A_216 = vector.broadcast %sub3A_215 : i32 to vector<16xi32>
    %sub3A_217 = arith.subi %sub3A_216, %gather3A_21 : vector<16xi32>
    %jit3A_218 = arith.constant 0 : i32
    %broadcast_in_dim3A_219 = vector.broadcast %jit3A_218 : i32 to vector<16xi32>
    %select_n3A_220 = arith.select %ge3A_214, %sub3A_217, %broadcast_in_dim3A_219 : vector<16xi1>, vector<16xi32>
    %add3A_221 = arith.addi %add3A_208, %select_n3A_220 : vector<16xi32>
    %ge3A_222 = arith.cmpi sge, %sub3A_138, %add3A_81 : vector<16xi32>
    %jit3A_223 = arith.constant 0 : i32
    %broadcast_in_dim3A_224 = vector.broadcast %jit3A_223 : i32 to vector<16xi32>
    %select_n3A_225 = arith.select %ge3A_222, %gather3A_21, %broadcast_in_dim3A_224 : vector<16xi1>, vector<16xi32>
    %add3A_226 = arith.addi %add3A_213, %select_n3A_225 : vector<16xi32>
    %ge3A_227 = arith.cmpi sge, %add3A_137, %add3A_87 : vector<16xi32>
    %sub3A_228 = arith.constant 4096 : i32
    %sub3A_229 = vector.broadcast %sub3A_228 : i32 to vector<16xi32>
    %sub3A_230 = arith.subi %sub3A_229, %gather3A_24 : vector<16xi32>
    %jit3A_231 = arith.constant 0 : i32
    %broadcast_in_dim3A_232 = vector.broadcast %jit3A_231 : i32 to vector<16xi32>
    %select_n3A_233 = arith.select %ge3A_227, %sub3A_230, %broadcast_in_dim3A_232 : vector<16xi1>, vector<16xi32>
    %add3A_234 = arith.addi %add3A_221, %select_n3A_233 : vector<16xi32>
    %ge3A_235 = arith.cmpi sge, %sub3A_138, %add3A_86 : vector<16xi32>
    %jit3A_236 = arith.constant 0 : i32
    %broadcast_in_dim3A_237 = vector.broadcast %jit3A_236 : i32 to vector<16xi32>
    %select_n3A_238 = arith.select %ge3A_235, %gather3A_24, %broadcast_in_dim3A_237 : vector<16xi1>, vector<16xi32>
    %add3A_239 = arith.addi %add3A_226, %select_n3A_238 : vector<16xi32>
    %ge3A_240 = arith.cmpi sge, %add3A_137, %add3A_92 : vector<16xi32>
    %sub3A_241 = arith.constant 4096 : i32
    %sub3A_242 = vector.broadcast %sub3A_241 : i32 to vector<16xi32>
    %sub3A_243 = arith.subi %sub3A_242, %gather3A_27 : vector<16xi32>
    %jit3A_244 = arith.constant 0 : i32
    %broadcast_in_dim3A_245 = vector.broadcast %jit3A_244 : i32 to vector<16xi32>
    %select_n3A_246 = arith.select %ge3A_240, %sub3A_243, %broadcast_in_dim3A_245 : vector<16xi1>, vector<16xi32>
    %add3A_247 = arith.addi %add3A_234, %select_n3A_246 : vector<16xi32>
    %ge3A_248 = arith.cmpi sge, %sub3A_138, %add3A_91 : vector<16xi32>
    %jit3A_249 = arith.constant 0 : i32
    %broadcast_in_dim3A_250 = vector.broadcast %jit3A_249 : i32 to vector<16xi32>
    %select_n3A_251 = arith.select %ge3A_248, %gather3A_27, %broadcast_in_dim3A_250 : vector<16xi1>, vector<16xi32>
    %add3A_252 = arith.addi %add3A_239, %select_n3A_251 : vector<16xi32>
    %ge3A_253 = arith.cmpi sge, %add3A_137, %add3A_97 : vector<16xi32>
    %sub3A_254 = arith.constant 4096 : i32
    %sub3A_255 = vector.broadcast %sub3A_254 : i32 to vector<16xi32>
    %sub3A_256 = arith.subi %sub3A_255, %gather3A_30 : vector<16xi32>
    %jit3A_257 = arith.constant 0 : i32
    %broadcast_in_dim3A_258 = vector.broadcast %jit3A_257 : i32 to vector<16xi32>
    %select_n3A_259 = arith.select %ge3A_253, %sub3A_256, %broadcast_in_dim3A_258 : vector<16xi1>, vector<16xi32>
    %add3A_260 = arith.addi %add3A_247, %select_n3A_259 : vector<16xi32>
    %ge3A_261 = arith.cmpi sge, %sub3A_138, %add3A_96 : vector<16xi32>
    %jit3A_262 = arith.constant 0 : i32
    %broadcast_in_dim3A_263 = vector.broadcast %jit3A_262 : i32 to vector<16xi32>
    %select_n3A_264 = arith.select %ge3A_261, %gather3A_30, %broadcast_in_dim3A_263 : vector<16xi1>, vector<16xi32>
    %add3A_265 = arith.addi %add3A_252, %select_n3A_264 : vector<16xi32>
    %ge3A_266 = arith.cmpi sge, %add3A_137, %add3A_102 : vector<16xi32>
    %sub3A_267 = arith.constant 4096 : i32
    %sub3A_268 = vector.broadcast %sub3A_267 : i32 to vector<16xi32>
    %sub3A_269 = arith.subi %sub3A_268, %gather3A_33 : vector<16xi32>
    %jit3A_270 = arith.constant 0 : i32
    %broadcast_in_dim3A_271 = vector.broadcast %jit3A_270 : i32 to vector<16xi32>
    %select_n3A_272 = arith.select %ge3A_266, %sub3A_269, %broadcast_in_dim3A_271 : vector<16xi1>, vector<16xi32>
    %add3A_273 = arith.addi %add3A_260, %select_n3A_272 : vector<16xi32>
    %ge3A_274 = arith.cmpi sge, %sub3A_138, %add3A_101 : vector<16xi32>
    %jit3A_275 = arith.constant 0 : i32
    %broadcast_in_dim3A_276 = vector.broadcast %jit3A_275 : i32 to vector<16xi32>
    %select_n3A_277 = arith.select %ge3A_274, %gather3A_33, %broadcast_in_dim3A_276 : vector<16xi1>, vector<16xi32>
    %add3A_278 = arith.addi %add3A_265, %select_n3A_277 : vector<16xi32>
    %ge3A_279 = arith.cmpi sge, %add3A_137, %add3A_107 : vector<16xi32>
    %sub3A_280 = arith.constant 4096 : i32
    %sub3A_281 = vector.broadcast %sub3A_280 : i32 to vector<16xi32>
    %sub3A_282 = arith.subi %sub3A_281, %gather3A_36 : vector<16xi32>
    %jit3A_283 = arith.constant 0 : i32
    %broadcast_in_dim3A_284 = vector.broadcast %jit3A_283 : i32 to vector<16xi32>
    %select_n3A_285 = arith.select %ge3A_279, %sub3A_282, %broadcast_in_dim3A_284 : vector<16xi1>, vector<16xi32>
    %add3A_286 = arith.addi %add3A_273, %select_n3A_285 : vector<16xi32>
    %ge3A_287 = arith.cmpi sge, %sub3A_138, %add3A_106 : vector<16xi32>
    %jit3A_288 = arith.constant 0 : i32
    %broadcast_in_dim3A_289 = vector.broadcast %jit3A_288 : i32 to vector<16xi32>
    %select_n3A_290 = arith.select %ge3A_287, %gather3A_36, %broadcast_in_dim3A_289 : vector<16xi1>, vector<16xi32>
    %add3A_291 = arith.addi %add3A_278, %select_n3A_290 : vector<16xi32>
    %ge3A_292 = arith.cmpi sge, %add3A_137, %add3A_112 : vector<16xi32>
    %sub3A_293 = arith.constant 4096 : i32
    %sub3A_294 = vector.broadcast %sub3A_293 : i32 to vector<16xi32>
    %sub3A_295 = arith.subi %sub3A_294, %gather3A_39 : vector<16xi32>
    %jit3A_296 = arith.constant 0 : i32
    %broadcast_in_dim3A_297 = vector.broadcast %jit3A_296 : i32 to vector<16xi32>
    %select_n3A_298 = arith.select %ge3A_292, %sub3A_295, %broadcast_in_dim3A_297 : vector<16xi1>, vector<16xi32>
    %add3A_299 = arith.addi %add3A_286, %select_n3A_298 : vector<16xi32>
    %ge3A_300 = arith.cmpi sge, %sub3A_138, %add3A_111 : vector<16xi32>
    %jit3A_301 = arith.constant 0 : i32
    %broadcast_in_dim3A_302 = vector.broadcast %jit3A_301 : i32 to vector<16xi32>
    %select_n3A_303 = arith.select %ge3A_300, %gather3A_39, %broadcast_in_dim3A_302 : vector<16xi1>, vector<16xi32>
    %add3A_304 = arith.addi %add3A_291, %select_n3A_303 : vector<16xi32>
    %ge3A_305 = arith.cmpi sge, %add3A_137, %add3A_117 : vector<16xi32>
    %sub3A_306 = arith.constant 4096 : i32
    %sub3A_307 = vector.broadcast %sub3A_306 : i32 to vector<16xi32>
    %sub3A_308 = arith.subi %sub3A_307, %gather3A_42 : vector<16xi32>
    %jit3A_309 = arith.constant 0 : i32
    %broadcast_in_dim3A_310 = vector.broadcast %jit3A_309 : i32 to vector<16xi32>
    %select_n3A_311 = arith.select %ge3A_305, %sub3A_308, %broadcast_in_dim3A_310 : vector<16xi1>, vector<16xi32>
    %add3A_312 = arith.addi %add3A_299, %select_n3A_311 : vector<16xi32>
    %ge3A_313 = arith.cmpi sge, %sub3A_138, %add3A_116 : vector<16xi32>
    %jit3A_314 = arith.constant 0 : i32
    %broadcast_in_dim3A_315 = vector.broadcast %jit3A_314 : i32 to vector<16xi32>
    %select_n3A_316 = arith.select %ge3A_313, %gather3A_42, %broadcast_in_dim3A_315 : vector<16xi1>, vector<16xi32>
    %add3A_317 = arith.addi %add3A_304, %select_n3A_316 : vector<16xi32>
    %ge3A_318 = arith.cmpi sge, %add3A_137, %add3A_122 : vector<16xi32>
    %sub3A_319 = arith.constant 4096 : i32
    %sub3A_320 = vector.broadcast %sub3A_319 : i32 to vector<16xi32>
    %sub3A_321 = arith.subi %sub3A_320, %gather3A_45 : vector<16xi32>
    %jit3A_322 = arith.constant 0 : i32
    %broadcast_in_dim3A_323 = vector.broadcast %jit3A_322 : i32 to vector<16xi32>
    %select_n3A_324 = arith.select %ge3A_318, %sub3A_321, %broadcast_in_dim3A_323 : vector<16xi1>, vector<16xi32>
    %add3A_325 = arith.addi %add3A_312, %select_n3A_324 : vector<16xi32>
    %ge3A_326 = arith.cmpi sge, %sub3A_138, %add3A_121 : vector<16xi32>
    %jit3A_327 = arith.constant 0 : i32
    %broadcast_in_dim3A_328 = vector.broadcast %jit3A_327 : i32 to vector<16xi32>
    %select_n3A_329 = arith.select %ge3A_326, %gather3A_45, %broadcast_in_dim3A_328 : vector<16xi1>, vector<16xi32>
    %add3A_330 = arith.addi %add3A_317, %select_n3A_329 : vector<16xi32>
    %ge3A_331 = arith.cmpi sge, %add3A_137, %add3A_127 : vector<16xi32>
    %sub3A_332 = arith.constant 4096 : i32
    %sub3A_333 = vector.broadcast %sub3A_332 : i32 to vector<16xi32>
    %sub3A_334 = arith.subi %sub3A_333, %gather3A_48 : vector<16xi32>
    %jit3A_335 = arith.constant 0 : i32
    %broadcast_in_dim3A_336 = vector.broadcast %jit3A_335 : i32 to vector<16xi32>
    %select_n3A_337 = arith.select %ge3A_331, %sub3A_334, %broadcast_in_dim3A_336 : vector<16xi1>, vector<16xi32>
    %add3A_338 = arith.addi %add3A_325, %select_n3A_337 : vector<16xi32>
    %ge3A_339 = arith.cmpi sge, %sub3A_138, %add3A_126 : vector<16xi32>
    %jit3A_340 = arith.constant 0 : i32
    %broadcast_in_dim3A_341 = vector.broadcast %jit3A_340 : i32 to vector<16xi32>
    %select_n3A_342 = arith.select %ge3A_339, %gather3A_48, %broadcast_in_dim3A_341 : vector<16xi1>, vector<16xi32>
    %add3A_343 = arith.addi %add3A_330, %select_n3A_342 : vector<16xi32>
    %lt3A = arith.cmpi slt, %add3A_137, %add3A_127 : vector<16xi32>
    %select_n3A_344 = arith.select %lt3A, %add3A_338, %add3A_343 : vector<16xi1>, vector<16xi32>
    %swap3A = arith.constant 0 : i32
    %swap3A_345 = arith.index_cast %swap3A : i32 to index
    %swap3A_346 = arith.constant 0 : index
    %swap3A_347 = tpu.vector_load %arg6[%swap3A_345, %swap3A_346] {strides = array<i32>} : memref<64x32xi32, #tpu.memory_space<vmem>>, vector<16xi32>,
    tpu.vector_store %arg6[%swap3A_345, %swap3A_346], %select_n3A_344 {strides = array<i32>} : memref<64x32xi32, #tpu.memory_space<vmem>>, vector<16xi32>,
    %add3A_348 = arith.constant 0 : i32
    %add3A_349 = arith.addi %mul3A_2, %add3A_348 : i32
    %add3A_350 = arith.constant 16 : i32
    %add3A_351 = arith.addi %add3A_349, %add3A_350 : i32
    %add3A_352 = vector.broadcast %add3A_351 : i32 to vector<16xi32>
    %add3A_353 = arith.addi %add3A_352, %iota3A : vector<16xi32>
    %sub3A_354 = arith.subi %add3A_353, %add3A_127 : vector<16xi32>
    %ge3A_355 = arith.cmpi sge, %add3A_353, %add3A_53 : vector<16xi32>
    %sub3A_356 = arith.constant 4096 : i32
    %sub3A_357 = vector.broadcast %sub3A_356 : i32 to vector<16xi32>
    %sub3A_358 = arith.subi %sub3A_357, %gather3A : vector<16xi32>
    %jit3A_359 = arith.constant 0 : i32
    %broadcast_in_dim3A_360 = vector.broadcast %jit3A_359 : i32 to vector<16xi32>
    %select_n3A_361 = arith.select %ge3A_355, %sub3A_358, %broadcast_in_dim3A_360 : vector<16xi1>, vector<16xi32>
    %add3A_362 = arith.addi %add3A_353, %select_n3A_361 : vector<16xi32>
    %ge3A_363 = arith.cmpi sge, %sub3A_354, %broadcast_in_dim3A_52 : vector<16xi32>
    %jit3A_364 = arith.constant 0 : i32
    %broadcast_in_dim3A_365 = vector.broadcast %jit3A_364 : i32 to vector<16xi32>
    %select_n3A_366 = arith.select %ge3A_363, %gather3A, %broadcast_in_dim3A_365 : vector<16xi1>, vector<16xi32>
    %add3A_367 = arith.addi %sub3A_354, %select_n3A_366 : vector<16xi32>
    %ge3A_368 = arith.cmpi sge, %add3A_353, %add3A_57 : vector<16xi32>
    %sub3A_369 = arith.constant 4096 : i32
    %sub3A_370 = vector.broadcast %sub3A_369 : i32 to vector<16xi32>
    %sub3A_371 = arith.subi %sub3A_370, %gather3A_6 : vector<16xi32>
    %jit3A_372 = arith.constant 0 : i32
    %broadcast_in_dim3A_373 = vector.broadcast %jit3A_372 : i32 to vector<16xi32>
    %select_n3A_374 = arith.select %ge3A_368, %sub3A_371, %broadcast_in_dim3A_373 : vector<16xi1>, vector<16xi32>
    %add3A_375 = arith.addi %add3A_362, %select_n3A_374 : vector<16xi32>
    %ge3A_376 = arith.cmpi sge, %sub3A_354, %add3A_56 : vector<16xi32>
    %jit3A_377 = arith.constant 0 : i32
    %broadcast_in_dim3A_378 = vector.broadcast %jit3A_377 : i32 to vector<16xi32>
    %select_n3A_379 = arith.select %ge3A_376, %gather3A_6, %broadcast_in_dim3A_378 : vector<16xi1>, vector<16xi32>
    %add3A_380 = arith.addi %add3A_367, %select_n3A_379 : vector<16xi32>
    %ge3A_381 = arith.cmpi sge, %add3A_353, %add3A_62 : vector<16xi32>
    %sub3A_382 = arith.constant 4096 : i32
    %sub3A_383 = vector.broadcast %sub3A_382 : i32 to vector<16xi32>
    %sub3A_384 = arith.subi %sub3A_383, %gather3A_9 : vector<16xi32>
    %jit3A_385 = arith.constant 0 : i32
    %broadcast_in_dim3A_386 = vector.broadcast %jit3A_385 : i32 to vector<16xi32>
    %select_n3A_387 = arith.select %ge3A_381, %sub3A_384, %broadcast_in_dim3A_386 : vector<16xi1>, vector<16xi32>
    %add3A_388 = arith.addi %add3A_375, %select_n3A_387 : vector<16xi32>
    %ge3A_389 = arith.cmpi sge, %sub3A_354, %add3A_61 : vector<16xi32>
    %jit3A_390 = arith.constant 0 : i32
    %broadcast_in_dim3A_391 = vector.broadcast %jit3A_390 : i32 to vector<16xi32>
    %select_n3A_392 = arith.select %ge3A_389, %gather3A_9, %broadcast_in_dim3A_391 : vector<16xi1>, vector<16xi32>
    %add3A_393 = arith.addi %add3A_380, %select_n3A_392 : vector<16xi32>
    %ge3A_394 = arith.cmpi sge, %add3A_353, %add3A_67 : vector<16xi32>
    %sub3A_395 = arith.constant 4096 : i32
    %sub3A_396 = vector.broadcast %sub3A_395 : i32 to vector<16xi32>
    %sub3A_397 = arith.subi %sub3A_396, %gather3A_12 : vector<16xi32>
    %jit3A_398 = arith.constant 0 : i32
    %broadcast_in_dim3A_399 = vector.broadcast %jit3A_398 : i32 to vector<16xi32>
    %select_n3A_400 = arith.select %ge3A_394, %sub3A_397, %broadcast_in_dim3A_399 : vector<16xi1>, vector<16xi32>
    %add3A_401 = arith.addi %add3A_388, %select_n3A_400 : vector<16xi32>
    %ge3A_402 = arith.cmpi sge, %sub3A_354, %add3A_66 : vector<16xi32>
    %jit3A_403 = arith.constant 0 : i32
    %broadcast_in_dim3A_404 = vector.broadcast %jit3A_403 : i32 to vector<16xi32>
    %select_n3A_405 = arith.select %ge3A_402, %gather3A_12, %broadcast_in_dim3A_404 : vector<16xi1>, vector<16xi32>
    %add3A_406 = arith.addi %add3A_393, %select_n3A_405 : vector<16xi32>
    %ge3A_407 = arith.cmpi sge, %add3A_353, %add3A_72 : vector<16xi32>
    %sub3A_408 = arith.constant 4096 : i32
    %sub3A_409 = vector.broadcast %sub3A_408 : i32 to vector<16xi32>
    %sub3A_410 = arith.subi %sub3A_409, %gather3A_15 : vector<16xi32>
    %jit3A_411 = arith.constant 0 : i32
    %broadcast_in_dim3A_412 = vector.broadcast %jit3A_411 : i32 to vector<16xi32>
    %select_n3A_413 = arith.select %ge3A_407, %sub3A_410, %broadcast_in_dim3A_412 : vector<16xi1>, vector<16xi32>
    %add3A_414 = arith.addi %add3A_401, %select_n3A_413 : vector<16xi32>
    %ge3A_415 = arith.cmpi sge, %sub3A_354, %add3A_71 : vector<16xi32>
    %jit3A_416 = arith.constant 0 : i32
    %broadcast_in_dim3A_417 = vector.broadcast %jit3A_416 : i32 to vector<16xi32>
    %select_n3A_418 = arith.select %ge3A_415, %gather3A_15, %broadcast_in_dim3A_417 : vector<16xi1>, vector<16xi32>
    %add3A_419 = arith.addi %add3A_406, %select_n3A_418 : vector<16xi32>
    %ge3A_420 = arith.cmpi sge, %add3A_353, %add3A_77 : vector<16xi32>
    %sub3A_421 = arith.constant 4096 : i32
    %sub3A_422 = vector.broadcast %sub3A_421 : i32 to vector<16xi32>
    %sub3A_423 = arith.subi %sub3A_422, %gather3A_18 : vector<16xi32>
    %jit3A_424 = arith.constant 0 : i32
    %broadcast_in_dim3A_425 = vector.broadcast %jit3A_424 : i32 to vector<16xi32>
    %select_n3A_426 = arith.select %ge3A_420, %sub3A_423, %broadcast_in_dim3A_425 : vector<16xi1>, vector<16xi32>
    %add3A_427 = arith.addi %add3A_414, %select_n3A_426 : vector<16xi32>
    %ge3A_428 = arith.cmpi sge, %sub3A_354, %add3A_76 : vector<16xi32>
    %jit3A_429 = arith.constant 0 : i32
    %broadcast_in_dim3A_430 = vector.broadcast %jit3A_429 : i32 to vector<16xi32>
    %select_n3A_431 = arith.select %ge3A_428, %gather3A_18, %broadcast_in_dim3A_430 : vector<16xi1>, vector<16xi32>
    %add3A_432 = arith.addi %add3A_419, %select_n3A_431 : vector<16xi32>
    %ge3A_433 = arith.cmpi sge, %add3A_353, %add3A_82 : vector<16xi32>
    %sub3A_434 = arith.constant 4096 : i32
    %sub3A_435 = vector.broadcast %sub3A_434 : i32 to vector<16xi32>
    %sub3A_436 = arith.subi %sub3A_435, %gather3A_21 : vector<16xi32>
    %jit3A_437 = arith.constant 0 : i32
    %broadcast_in_dim3A_438 = vector.broadcast %jit3A_437 : i32 to vector<16xi32>
    %select_n3A_439 = arith.select %ge3A_433, %sub3A_436, %broadcast_in_dim3A_438 : vector<16xi1>, vector<16xi32>
    %add3A_440 = arith.addi %add3A_427, %select_n3A_439 : vector<16xi32>
    %ge3A_441 = arith.cmpi sge, %sub3A_354, %add3A_81 : vector<16xi32>
    %jit3A_442 = arith.constant 0 : i32
    %broadcast_in_dim3A_443 = vector.broadcast %jit3A_442 : i32 to vector<16xi32>
    %select_n3A_444 = arith.select %ge3A_441, %gather3A_21, %broadcast_in_dim3A_443 : vector<16xi1>, vector<16xi32>
    %add3A_445 = arith.addi %add3A_432, %select_n3A_444 : vector<16xi32>
    %ge3A_446 = arith.cmpi sge, %add3A_353, %add3A_87 : vector<16xi32>
    %sub3A_447 = arith.constant 4096 : i32
    %sub3A_448 = vector.broadcast %sub3A_447 : i32 to vector<16xi32>
    %sub3A_449 = arith.subi %sub3A_448, %gather3A_24 : vector<16xi32>
    %jit3A_450 = arith.constant 0 : i32
    %broadcast_in_dim3A_451 = vector.broadcast %jit3A_450 : i32 to vector<16xi32>
    %select_n3A_452 = arith.select %ge3A_446, %sub3A_449, %broadcast_in_dim3A_451 : vector<16xi1>, vector<16xi32>
    %add3A_453 = arith.addi %add3A_440, %select_n3A_452 : vector<16xi32>
    %ge3A_454 = arith.cmpi sge, %sub3A_354, %add3A_86 : vector<16xi32>
    %jit3A_455 = arith.constant 0 : i32
    %broadcast_in_dim3A_456 = vector.broadcast %jit3A_455 : i32 to vector<16xi32>
    %select_n3A_457 = arith.select %ge3A_454, %gather3A_24, %broadcast_in_dim3A_456 : vector<16xi1>, vector<16xi32>
    %add3A_458 = arith.addi %add3A_445, %select_n3A_457 : vector<16xi32>
    %ge3A_459 = arith.cmpi sge, %add3A_353, %add3A_92 : vector<16xi32>
    %sub3A_460 = arith.constant 4096 : i32
    %sub3A_461 = vector.broadcast %sub3A_460 : i32 to vector<16xi32>
    %sub3A_462 = arith.subi %sub3A_461, %gather3A_27 : vector<16xi32>
    %jit3A_463 = arith.constant 0 : i32
    %broadcast_in_dim3A_464 = vector.broadcast %jit3A_463 : i32 to vector<16xi32>
    %select_n3A_465 = arith.select %ge3A_459, %sub3A_462, %broadcast_in_dim3A_464 : vector<16xi1>, vector<16xi32>
    %add3A_466 = arith.addi %add3A_453, %select_n3A_465 : vector<16xi32>
    %ge3A_467 = arith.cmpi sge, %sub3A_354, %add3A_91 : vector<16xi32>
    %jit3A_468 = arith.constant 0 : i32
    %broadcast_in_dim3A_469 = vector.broadcast %jit3A_468 : i32 to vector<16xi32>
    %select_n3A_470 = arith.select %ge3A_467, %gather3A_27, %broadcast_in_dim3A_469 : vector<16xi1>, vector<16xi32>
    %add3A_471 = arith.addi %add3A_458, %select_n3A_470 : vector<16xi32>
    %ge3A_472 = arith.cmpi sge, %add3A_353, %add3A_97 : vector<16xi32>
    %sub3A_473 = arith.constant 4096 : i32
    %sub3A_474 = vector.broadcast %sub3A_473 : i32 to vector<16xi32>
    %sub3A_475 = arith.subi %sub3A_474, %gather3A_30 : vector<16xi32>
    %jit3A_476 = arith.constant 0 : i32
    %broadcast_in_dim3A_477 = vector.broadcast %jit3A_476 : i32 to vector<16xi32>
    %select_n3A_478 = arith.select %ge3A_472, %sub3A_475, %broadcast_in_dim3A_477 : vector<16xi1>, vector<16xi32>
    %add3A_479 = arith.addi %add3A_466, %select_n3A_478 : vector<16xi32>
    %ge3A_480 = arith.cmpi sge, %sub3A_354, %add3A_96 : vector<16xi32>
    %jit3A_481 = arith.constant 0 : i32
    %broadcast_in_dim3A_482 = vector.broadcast %jit3A_481 : i32 to vector<16xi32>
    %select_n3A_483 = arith.select %ge3A_480, %gather3A_30, %broadcast_in_dim3A_482 : vector<16xi1>, vector<16xi32>
    %add3A_484 = arith.addi %add3A_471, %select_n3A_483 : vector<16xi32>
    %ge3A_485 = arith.cmpi sge, %add3A_353, %add3A_102 : vector<16xi32>
    %sub3A_486 = arith.constant 4096 : i32
    %sub3A_487 = vector.broadcast %sub3A_486 : i32 to vector<16xi32>
    %sub3A_488 = arith.subi %sub3A_487, %gather3A_33 : vector<16xi32>
    %jit3A_489 = arith.constant 0 : i32
    %broadcast_in_dim3A_490 = vector.broadcast %jit3A_489 : i32 to vector<16xi32>
    %select_n3A_491 = arith.select %ge3A_485, %sub3A_488, %broadcast_in_dim3A_490 : vector<16xi1>, vector<16xi32>
    %add3A_492 = arith.addi %add3A_479, %select_n3A_491 : vector<16xi32>
    %ge3A_493 = arith.cmpi sge, %sub3A_354, %add3A_101 : vector<16xi32>
    %jit3A_494 = arith.constant 0 : i32
    %broadcast_in_dim3A_495 = vector.broadcast %jit3A_494 : i32 to vector<16xi32>
    %select_n3A_496 = arith.select %ge3A_493, %gather3A_33, %broadcast_in_dim3A_495 : vector<16xi1>, vector<16xi32>
    %add3A_497 = arith.addi %add3A_484, %select_n3A_496 : vector<16xi32>
    %ge3A_498 = arith.cmpi sge, %add3A_353, %add3A_107 : vector<16xi32>
    %sub3A_499 = arith.constant 4096 : i32
    %sub3A_500 = vector.broadcast %sub3A_499 : i32 to vector<16xi32>
    %sub3A_501 = arith.subi %sub3A_500, %gather3A_36 : vector<16xi32>
    %jit3A_502 = arith.constant 0 : i32
    %broadcast_in_dim3A_503 = vector.broadcast %jit3A_502 : i32 to vector<16xi32>
    %select_n3A_504 = arith.select %ge3A_498, %sub3A_501, %broadcast_in_dim3A_503 : vector<16xi1>, vector<16xi32>
    %add3A_505 = arith.addi %add3A_492, %select_n3A_504 : vector<16xi32>
    %ge3A_506 = arith.cmpi sge, %sub3A_354, %add3A_106 : vector<16xi32>
    %jit3A_507 = arith.constant 0 : i32
    %broadcast_in_dim3A_508 = vector.broadcast %jit3A_507 : i32 to vector<16xi32>
    %select_n3A_509 = arith.select %ge3A_506, %gather3A_36, %broadcast_in_dim3A_508 : vector<16xi1>, vector<16xi32>
    %add3A_510 = arith.addi %add3A_497, %select_n3A_509 : vector<16xi32>
    %ge3A_511 = arith.cmpi sge, %add3A_353, %add3A_112 : vector<16xi32>
    %sub3A_512 = arith.constant 4096 : i32
    %sub3A_513 = vector.broadcast %sub3A_512 : i32 to vector<16xi32>
    %sub3A_514 = arith.subi %sub3A_513, %gather3A_39 : vector<16xi32>
    %jit3A_515 = arith.constant 0 : i32
    %broadcast_in_dim3A_516 = vector.broadcast %jit3A_515 : i32 to vector<16xi32>
    %select_n3A_517 = arith.select %ge3A_511, %sub3A_514, %broadcast_in_dim3A_516 : vector<16xi1>, vector<16xi32>
    %add3A_518 = arith.addi %add3A_505, %select_n3A_517 : vector<16xi32>
    %ge3A_519 = arith.cmpi sge, %sub3A_354, %add3A_111 : vector<16xi32>
    %jit3A_520 = arith.constant 0 : i32
    %broadcast_in_dim3A_521 = vector.broadcast %jit3A_520 : i32 to vector<16xi32>
    %select_n3A_522 = arith.select %ge3A_519, %gather3A_39, %broadcast_in_dim3A_521 : vector<16xi1>, vector<16xi32>
    %add3A_523 = arith.addi %add3A_510, %select_n3A_522 : vector<16xi32>
    %ge3A_524 = arith.cmpi sge, %add3A_353, %add3A_117 : vector<16xi32>
    %sub3A_525 = arith.constant 4096 : i32
    %sub3A_526 = vector.broadcast %sub3A_525 : i32 to vector<16xi32>
    %sub3A_527 = arith.subi %sub3A_526, %gather3A_42 : vector<16xi32>
    %jit3A_528 = arith.constant 0 : i32
    %broadcast_in_dim3A_529 = vector.broadcast %jit3A_528 : i32 to vector<16xi32>
    %select_n3A_530 = arith.select %ge3A_524, %sub3A_527, %broadcast_in_dim3A_529 : vector<16xi1>, vector<16xi32>
    %add3A_531 = arith.addi %add3A_518, %select_n3A_530 : vector<16xi32>
    %ge3A_532 = arith.cmpi sge, %sub3A_354, %add3A_116 : vector<16xi32>
    %jit3A_533 = arith.constant 0 : i32
    %broadcast_in_dim3A_534 = vector.broadcast %jit3A_533 : i32 to vector<16xi32>
    %select_n3A_535 = arith.select %ge3A_532, %gather3A_42, %broadcast_in_dim3A_534 : vector<16xi1>, vector<16xi32>
    %add3A_536 = arith.addi %add3A_523, %select_n3A_535 : vector<16xi32>
    %ge3A_537 = arith.cmpi sge, %add3A_353, %add3A_122 : vector<16xi32>
    %sub3A_538 = arith.constant 4096 : i32
    %sub3A_539 = vector.broadcast %sub3A_538 : i32 to vector<16xi32>
    %sub3A_540 = arith.subi %sub3A_539, %gather3A_45 : vector<16xi32>
    %jit3A_541 = arith.constant 0 : i32
    %broadcast_in_dim3A_542 = vector.broadcast %jit3A_541 : i32 to vector<16xi32>
    %select_n3A_543 = arith.select %ge3A_537, %sub3A_540, %broadcast_in_dim3A_542 : vector<16xi1>, vector<16xi32>
    %add3A_544 = arith.addi %add3A_531, %select_n3A_543 : vector<16xi32>
    %ge3A_545 = arith.cmpi sge, %sub3A_354, %add3A_121 : vector<16xi32>
    %jit3A_546 = arith.constant 0 : i32
    %broadcast_in_dim3A_547 = vector.broadcast %jit3A_546 : i32 to vector<16xi32>
    %select_n3A_548 = arith.select %ge3A_545, %gather3A_45, %broadcast_in_dim3A_547 : vector<16xi1>, vector<16xi32>
    %add3A_549 = arith.addi %add3A_536, %select_n3A_548 : vector<16xi32>
    %ge3A_550 = arith.cmpi sge, %add3A_353, %add3A_127 : vector<16xi32>
    %sub3A_551 = arith.constant 4096 : i32
    %sub3A_552 = vector.broadcast %sub3A_551 : i32 to vector<16xi32>
    %sub3A_553 = arith.subi %sub3A_552, %gather3A_48 : vector<16xi32>
    %jit3A_554 = arith.constant 0 : i32
    %broadcast_in_dim3A_555 = vector.broadcast %jit3A_554 : i32 to vector<16xi32>
    %select_n3A_556 = arith.select %ge3A_550, %sub3A_553, %broadcast_in_dim3A_555 : vector<16xi1>, vector<16xi32>
    %add3A_557 = arith.addi %add3A_544, %select_n3A_556 : vector<16xi32>
    %ge3A_558 = arith.cmpi sge, %sub3A_354, %add3A_126 : vector<16xi32>
    %jit3A_559 = arith.constant 0 : i32
    %broadcast_in_dim3A_560 = vector.broadcast %jit3A_559 : i32 to vector<16xi32>
    %select_n3A_561 = arith.select %ge3A_558, %gather3A_48, %broadcast_in_dim3A_560 : vector<16xi1>, vector<16xi32>
    %add3A_562 = arith.addi %add3A_549, %select_n3A_561 : vector<16xi32>
    %lt3A_563 = arith.cmpi slt, %add3A_353, %add3A_127 : vector<16xi32>
    %select_n3A_564 = arith.select %lt3A_563, %add3A_557, %add3A_562 : vector<16xi1>, vector<16xi32>
    %swap3A_565 = arith.constant 0 : i32
    %swap3A_566 = arith.index_cast %swap3A_565 : i32 to index
    %swap3A_567 = arith.constant 16 : index
    %swap3A_568 = tpu.vector_load %arg6[%swap3A_566, %swap3A_567] {strides = array<i32>} : memref<64x32xi32, #tpu.memory_space<vmem>>, vector<16xi32>,
    tpu.vector_store %arg6[%swap3A_566, %swap3A_567], %select_n3A_564 {strides = array<i32>} : memref<64x32xi32, #tpu.memory_space<vmem>>, vector<16xi32>,
    %dma_start3A = arith.constant 0 : i32
    %dma_start3A_569 = arith.constant 0 : i32
    %dma_start3A_570 = tpu.memref_slice %arg6[%dma_start3A, %dma_start3A_569] : memref<64x32xi32, #tpu.memory_space<vmem>> -> memref<1x32xi32, #tpu.memory_space<vmem>>
    %dma_start3A_571 = tpu.memref_squeeze %dma_start3A_570 : memref<1x32xi32, #tpu.memory_space<vmem>> -> memref<32xi32, #tpu.memory_space<vmem>>
    %dma_start3A_572 = arith.constant 0 : i32
    %dma_start3A_573 = arith.constant 0 : i32
    %dma_start3A_574 = tpu.memref_slice %arg2[%dma_start3A_572, %dma_start3A_573] : memref<65536x512xf32, #tpu.memory_space<hbm>> -> memref<65536x512xf32, #tpu.memory_space<hbm>>
    tpu.enqueue_indirect_dma source(%dma_start3A_574 : memref<65536x512xf32, #tpu.memory_space<hbm>>) target(%arg7 : memref<32x512xf32, #tpu.memory_space<vmem>>) offsets(%dma_start3A_571 : memref<32xi32, #tpu.memory_space<vmem>>) semaphore(%arg11 : memref<!tpu.dma_semaphore, #tpu.memory_space<semaphore_mem>>)
    %add3A_575 = arith.constant 32 : i32
    %add3A_576 = arith.addi %mul3A_2, %add3A_575 : i32
    %add3A_577 = arith.constant 0 : i32
    %add3A_578 = arith.addi %add3A_576, %add3A_577 : i32
    %add3A_579 = vector.broadcast %add3A_578 : i32 to vector<16xi32>
    %add3A_580 = arith.addi %add3A_579, %iota3A : vector<16xi32>
    %sub3A_581 = arith.subi %add3A_580, %add3A_127 : vector<16xi32>
    %ge3A_582 = arith.cmpi sge, %add3A_580, %add3A_53 : vector<16xi32>
    %sub3A_583 = arith.constant 4096 : i32
    %sub3A_584 = vector.broadcast %sub3A_583 : i32 to vector<16xi32>
    %sub3A_585 = arith.subi %sub3A_584, %gather3A : vector<16xi32>
    %jit3A_586 = arith.constant 0 : i32
    %broadcast_in_dim3A_587 = vector.broadcast %jit3A_586 : i32 to vector<16xi32>
    %select_n3A_588 = arith.select %ge3A_582, %sub3A_585, %broadcast_in_dim3A_587 : vector<16xi1>, vector<16xi32>
    %add3A_589 = arith.addi %add3A_580, %select_n3A_588 : vector<16xi32>
    %ge3A_590 = arith.cmpi sge, %sub3A_581, %broadcast_in_dim3A_52 : vector<16xi32>
    %jit3A_591 = arith.constant 0 : i32
    %broadcast_in_dim3A_592 = vector.broadcast %jit3A_591 : i32 to vector<16xi32>
    %select_n3A_593 = arith.select %ge3A_590, %gather3A, %broadcast_in_dim3A_592 : vector<16xi1>, vector<16xi32>
    %add3A_594 = arith.addi %sub3A_581, %select_n3A_593 : vector<16xi32>
    %ge3A_595 = arith.cmpi sge, %add3A_580, %add3A_57 : vector<16xi32>
    %sub3A_596 = arith.constant 4096 : i32
    %sub3A_597 = vector.broadcast %sub3A_596 : i32 to vector<16xi32>
    %sub3A_598 = arith.subi %sub3A_597, %gather3A_6 : vector<16xi32>
    %jit3A_599 = arith.constant 0 : i32
    %broadcast_in_dim3A_600 = vector.broadcast %jit3A_599 : i32 to vector<16xi32>
    %select_n3A_601 = arith.select %ge3A_595, %sub3A_598, %broadcast_in_dim3A_600 : vector<16xi1>, vector<16xi32>
    %add3A_602 = arith.addi %add3A_589, %select_n3A_601 : vector<16xi32>
    %ge3A_603 = arith.cmpi sge, %sub3A_581, %add3A_56 : vector<16xi32>
    %jit3A_604 = arith.constant 0 : i32
    %broadcast_in_dim3A_605 = vector.broadcast %jit3A_604 : i32 to vector<16xi32>
    %select_n3A_606 = arith.select %ge3A_603, %gather3A_6, %broadcast_in_dim3A_605 : vector<16xi1>, vector<16xi32>
    %add3A_607 = arith.addi %add3A_594, %select_n3A_606 : vector<16xi32>
    %ge3A_608 = arith.cmpi sge, %add3A_580, %add3A_62 : vector<16xi32>
    %sub3A_609 = arith.constant 4096 : i32
    %sub3A_610 = vector.broadcast %sub3A_609 : i32 to vector<16xi32>
    %sub3A_611 = arith.subi %sub3A_610, %gather3A_9 : vector<16xi32>
    %jit3A_612 = arith.constant 0 : i32
    %broadcast_in_dim3A_613 = vector.broadcast %jit3A_612 : i32 to vector<16xi32>
    %select_n3A_614 = arith.select %ge3A_608, %sub3A_611, %broadcast_in_dim3A_613 : vector<16xi1>, vector<16xi32>
    %add3A_615 = arith.addi %add3A_602, %select_n3A_614 : vector<16xi32>
    %ge3A_616 = arith.cmpi sge, %sub3A_581, %add3A_61 : vector<16xi32>
    %jit3A_617 = arith.constant 0 : i32
    %broadcast_in_dim3A_618 = vector.broadcast %jit3A_617 : i32 to vector<16xi32>
    %select_n3A_619 = arith.select %ge3A_616, %gather3A_9, %broadcast_in_dim3A_618 : vector<16xi1>, vector<16xi32>
    %add3A_620 = arith.addi %add3A_607, %select_n3A_619 : vector<16xi32>
    %ge3A_621 = arith.cmpi sge, %add3A_580, %add3A_67 : vector<16xi32>
    %sub3A_622 = arith.constant 4096 : i32
    %sub3A_623 = vector.broadcast %sub3A_622 : i32 to vector<16xi32>
    %sub3A_624 = arith.subi %sub3A_623, %gather3A_12 : vector<16xi32>
    %jit3A_625 = arith.constant 0 : i32
    %broadcast_in_dim3A_626 = vector.broadcast %jit3A_625 : i32 to vector<16xi32>
    %select_n3A_627 = arith.select %ge3A_621, %sub3A_624, %broadcast_in_dim3A_626 : vector<16xi1>, vector<16xi32>
    %add3A_628 = arith.addi %add3A_615, %select_n3A_627 : vector<16xi32>
    %ge3A_629 = arith.cmpi sge, %sub3A_581, %add3A_66 : vector<16xi32>
    %jit3A_630 = arith.constant 0 : i32
    %broadcast_in_dim3A_631 = vector.broadcast %jit3A_630 : i32 to vector<16xi32>
    %select_n3A_632 = arith.select %ge3A_629, %gather3A_12, %broadcast_in_dim3A_631 : vector<16xi1>, vector<16xi32>
    %add3A_633 = arith.addi %add3A_620, %select_n3A_632 : vector<16xi32>
    %ge3A_634 = arith.cmpi sge, %add3A_580, %add3A_72 : vector<16xi32>
    %sub3A_635 = arith.constant 4096 : i32
    %sub3A_636 = vector.broadcast %sub3A_635 : i32 to vector<16xi32>
    %sub3A_637 = arith.subi %sub3A_636, %gather3A_15 : vector<16xi32>
    %jit3A_638 = arith.constant 0 : i32
    %broadcast_in_dim3A_639 = vector.broadcast %jit3A_638 : i32 to vector<16xi32>
    %select_n3A_640 = arith.select %ge3A_634, %sub3A_637, %broadcast_in_dim3A_639 : vector<16xi1>, vector<16xi32>
    %add3A_641 = arith.addi %add3A_628, %select_n3A_640 : vector<16xi32>
    %ge3A_642 = arith.cmpi sge, %sub3A_581, %add3A_71 : vector<16xi32>
    %jit3A_643 = arith.constant 0 : i32
    %broadcast_in_dim3A_644 = vector.broadcast %jit3A_643 : i32 to vector<16xi32>
    %select_n3A_645 = arith.select %ge3A_642, %gather3A_15, %broadcast_in_dim3A_644 : vector<16xi1>, vector<16xi32>
    %add3A_646 = arith.addi %add3A_633, %select_n3A_645 : vector<16xi32>
    %ge3A_647 = arith.cmpi sge, %add3A_580, %add3A_77 : vector<16xi32>
    %sub3A_648 = arith.constant 4096 : i32
    %sub3A_649 = vector.broadcast %sub3A_648 : i32 to vector<16xi32>
    %sub3A_650 = arith.subi %sub3A_649, %gather3A_18 : vector<16xi32>
    %jit3A_651 = arith.constant 0 : i32
    %broadcast_in_dim3A_652 = vector.broadcast %jit3A_651 : i32 to vector<16xi32>
    %select_n3A_653 = arith.select %ge3A_647, %sub3A_650, %broadcast_in_dim3A_652 : vector<16xi1>, vector<16xi32>
    %add3A_654 = arith.addi %add3A_641, %select_n3A_653 : vector<16xi32>
    %ge3A_655 = arith.cmpi sge, %sub3A_581, %add3A_76 : vector<16xi32>
    %jit3A_656 = arith.constant 0 : i32
    %broadcast_in_dim3A_657 = vector.broadcast %jit3A_656 : i32 to vector<16xi32>
    %select_n3A_658 = arith.select %ge3A_655, %gather3A_18, %broadcast_in_dim3A_657 : vector<16xi1>, vector<16xi32>
    %add3A_659 = arith.addi %add3A_646, %select_n3A_658 : vector<16xi32>
    %ge3A_660 = arith.cmpi sge, %add3A_580, %add3A_82 : vector<16xi32>
    %sub3A_661 = arith.constant 4096 : i32
    %sub3A_662 = vector.broadcast %sub3A_661 : i32 to vector<16xi32>
    %sub3A_663 = arith.subi %sub3A_662, %gather3A_21 : vector<16xi32>
    %jit3A_664 = arith.constant 0 : i32
    %broadcast_in_dim3A_665 = vector.broadcast %jit3A_664 : i32 to vector<16xi32>
    %select_n3A_666 = arith.select %ge3A_660, %sub3A_663, %broadcast_in_dim3A_665 : vector<16xi1>, vector<16xi32>
    %add3A_667 = arith.addi %add3A_654, %select_n3A_666 : vector<16xi32>
    %ge3A_668 = arith.cmpi sge, %sub3A_581, %add3A_81 : vector<16xi32>
    %jit3A_669 = arith.constant 0 : i32
    %broadcast_in_dim3A_670 = vector.broadcast %jit3A_669 : i32 to vector<16xi32>
    %select_n3A_671 = arith.select %ge3A_668, %gather3A_21, %broadcast_in_dim3A_670 : vector<16xi1>, vector<16xi32>
    %add3A_672 = arith.addi %add3A_659, %select_n3A_671 : vector<16xi32>
    %ge3A_673 = arith.cmpi sge, %add3A_580, %add3A_87 : vector<16xi32>
    %sub3A_674 = arith.constant 4096 : i32
    %sub3A_675 = vector.broadcast %sub3A_674 : i32 to vector<16xi32>
    %sub3A_676 = arith.subi %sub3A_675, %gather3A_24 : vector<16xi32>
    %jit3A_677 = arith.constant 0 : i32
    %broadcast_in_dim3A_678 = vector.broadcast %jit3A_677 : i32 to vector<16xi32>
    %select_n3A_679 = arith.select %ge3A_673, %sub3A_676, %broadcast_in_dim3A_678 : vector<16xi1>, vector<16xi32>
    %add3A_680 = arith.addi %add3A_667, %select_n3A_679 : vector<16xi32>
    %ge3A_681 = arith.cmpi sge, %sub3A_581, %add3A_86 : vector<16xi32>
    %jit3A_682 = arith.constant 0 : i32
    %broadcast_in_dim3A_683 = vector.broadcast %jit3A_682 : i32 to vector<16xi32>
    %select_n3A_684 = arith.select %ge3A_681, %gather3A_24, %broadcast_in_dim3A_683 : vector<16xi1>, vector<16xi32>
    %add3A_685 = arith.addi %add3A_672, %select_n3A_684 : vector<16xi32>
    %ge3A_686 = arith.cmpi sge, %add3A_580, %add3A_92 : vector<16xi32>
    %sub3A_687 = arith.constant 4096 : i32
    %sub3A_688 = vector.broadcast %sub3A_687 : i32 to vector<16xi32>
    %sub3A_689 = arith.subi %sub3A_688, %gather3A_27 : vector<16xi32>
    %jit3A_690 = arith.constant 0 : i32
    %broadcast_in_dim3A_691 = vector.broadcast %jit3A_690 : i32 to vector<16xi32>
    %select_n3A_692 = arith.select %ge3A_686, %sub3A_689, %broadcast_in_dim3A_691 : vector<16xi1>, vector<16xi32>
    %add3A_693 = arith.addi %add3A_680, %select_n3A_692 : vector<16xi32>
    %ge3A_694 = arith.cmpi sge, %sub3A_581, %add3A_91 : vector<16xi32>
    %jit3A_695 = arith.constant 0 : i32
    %broadcast_in_dim3A_696 = vector.broadcast %jit3A_695 : i32 to vector<16xi32>
    %select_n3A_697 = arith.select %ge3A_694, %gather3A_27, %broadcast_in_dim3A_696 : vector<16xi1>, vector<16xi32>
    %add3A_698 = arith.addi %add3A_685, %select_n3A_697 : vector<16xi32>
    %ge3A_699 = arith.cmpi sge, %add3A_580, %add3A_97 : vector<16xi32>
    %sub3A_700 = arith.constant 4096 : i32
    %sub3A_701 = vector.broadcast %sub3A_700 : i32 to vector<16xi32>
    %sub3A_702 = arith.subi %sub3A_701, %gather3A_30 : vector<16xi32>
    %jit3A_703 = arith.constant 0 : i32
    %broadcast_in_dim3A_704 = vector.broadcast %jit3A_703 : i32 to vector<16xi32>
    %select_n3A_705 = arith.select %ge3A_699, %sub3A_702, %broadcast_in_dim3A_704 : vector<16xi1>, vector<16xi32>
    %add3A_706 = arith.addi %add3A_693, %select_n3A_705 : vector<16xi32>
    %ge3A_707 = arith.cmpi sge, %sub3A_581, %add3A_96 : vector<16xi32>
    %jit3A_708 = arith.constant 0 : i32
    %broadcast_in_dim3A_709 = vector.broadcast %jit3A_708 : i32 to vector<16xi32>
    %select_n3A_710 = arith.select %ge3A_707, %gather3A_30, %broadcast_in_dim3A_709 : vector<16xi1>, vector<16xi32>
    %add3A_711 = arith.addi %add3A_698, %select_n3A_710 : vector<16xi32>
    %ge3A_712 = arith.cmpi sge, %add3A_580, %add3A_102 : vector<16xi32>
    %sub3A_713 = arith.constant 4096 : i32
    %sub3A_714 = vector.broadcast %sub3A_713 : i32 to vector<16xi32>
    %sub3A_715 = arith.subi %sub3A_714, %gather3A_33 : vector<16xi32>
    %jit3A_716 = arith.constant 0 : i32
    %broadcast_in_dim3A_717 = vector.broadcast %jit3A_716 : i32 to vector<16xi32>
    %select_n3A_718 = arith.select %ge3A_712, %sub3A_715, %broadcast_in_dim3A_717 : vector<16xi1>, vector<16xi32>
    %add3A_719 = arith.addi %add3A_706, %select_n3A_718 : vector<16xi32>
    %ge3A_720 = arith.cmpi sge, %sub3A_581, %add3A_101 : vector<16xi32>
    %jit3A_721 = arith.constant 0 : i32
    %broadcast_in_dim3A_722 = vector.broadcast %jit3A_721 : i32 to vector<16xi32>
    %select_n3A_723 = arith.select %ge3A_720, %gather3A_33, %broadcast_in_dim3A_722 : vector<16xi1>, vector<16xi32>
    %add3A_724 = arith.addi %add3A_711, %select_n3A_723 : vector<16xi32>
    %ge3A_725 = arith.cmpi sge, %add3A_580, %add3A_107 : vector<16xi32>
    %sub3A_726 = arith.constant 4096 : i32
    %sub3A_727 = vector.broadcast %sub3A_726 : i32 to vector<16xi32>
    %sub3A_728 = arith.subi %sub3A_727, %gather3A_36 : vector<16xi32>
    %jit3A_729 = arith.constant 0 : i32
    %broadcast_in_dim3A_730 = vector.broadcast %jit3A_729 : i32 to vector<16xi32>
    %select_n3A_731 = arith.select %ge3A_725, %sub3A_728, %broadcast_in_dim3A_730 : vector<16xi1>, vector<16xi32>
    %add3A_732 = arith.addi %add3A_719, %select_n3A_731 : vector<16xi32>
    %ge3A_733 = arith.cmpi sge, %sub3A_581, %add3A_106 : vector<16xi32>
    %jit3A_734 = arith.constant 0 : i32
    %broadcast_in_dim3A_735 = vector.broadcast %jit3A_734 : i32 to vector<16xi32>
    %select_n3A_736 = arith.select %ge3A_733, %gather3A_36, %broadcast_in_dim3A_735 : vector<16xi1>, vector<16xi32>
    %add3A_737 = arith.addi %add3A_724, %select_n3A_736 : vector<16xi32>
    %ge3A_738 = arith.cmpi sge, %add3A_580, %add3A_112 : vector<16xi32>
    %sub3A_739 = arith.constant 4096 : i32
    %sub3A_740 = vector.broadcast %sub3A_739 : i32 to vector<16xi32>
    %sub3A_741 = arith.subi %sub3A_740, %gather3A_39 : vector<16xi32>
    %jit3A_742 = arith.constant 0 : i32
    %broadcast_in_dim3A_743 = vector.broadcast %jit3A_742 : i32 to vector<16xi32>
    %select_n3A_744 = arith.select %ge3A_738, %sub3A_741, %broadcast_in_dim3A_743 : vector<16xi1>, vector<16xi32>
    %add3A_745 = arith.addi %add3A_732, %select_n3A_744 : vector<16xi32>
    %ge3A_746 = arith.cmpi sge, %sub3A_581, %add3A_111 : vector<16xi32>
    %jit3A_747 = arith.constant 0 : i32
    %broadcast_in_dim3A_748 = vector.broadcast %jit3A_747 : i32 to vector<16xi32>
    %select_n3A_749 = arith.select %ge3A_746, %gather3A_39, %broadcast_in_dim3A_748 : vector<16xi1>, vector<16xi32>
    %add3A_750 = arith.addi %add3A_737, %select_n3A_749 : vector<16xi32>
    %ge3A_751 = arith.cmpi sge, %add3A_580, %add3A_117 : vector<16xi32>
    %sub3A_752 = arith.constant 4096 : i32
    %sub3A_753 = vector.broadcast %sub3A_752 : i32 to vector<16xi32>
    %sub3A_754 = arith.subi %sub3A_753, %gather3A_42 : vector<16xi32>
    %jit3A_755 = arith.constant 0 : i32
    %broadcast_in_dim3A_756 = vector.broadcast %jit3A_755 : i32 to vector<16xi32>
    %select_n3A_757 = arith.select %ge3A_751, %sub3A_754, %broadcast_in_dim3A_756 : vector<16xi1>, vector<16xi32>
    %add3A_758 = arith.addi %add3A_745, %select_n3A_757 : vector<16xi32>
    %ge3A_759 = arith.cmpi sge, %sub3A_581, %add3A_116 : vector<16xi32>
    %jit3A_760 = arith.constant 0 : i32
    %broadcast_in_dim3A_761 = vector.broadcast %jit3A_760 : i32 to vector<16xi32>
    %select_n3A_762 = arith.select %ge3A_759, %gather3A_42, %broadcast_in_dim3A_761 : vector<16xi1>, vector<16xi32>
    %add3A_763 = arith.addi %add3A_750, %select_n3A_762 : vector<16xi32>
    %ge3A_764 = arith.cmpi sge, %add3A_580, %add3A_122 : vector<16xi32>
    %sub3A_765 = arith.constant 4096 : i32
    %sub3A_766 = vector.broadcast %sub3A_765 : i32 to vector<16xi32>
    %sub3A_767 = arith.subi %sub3A_766, %gather3A_45 : vector<16xi32>
    %jit3A_768 = arith.constant 0 : i32
    %broadcast_in_dim3A_769 = vector.broadcast %jit3A_768 : i32 to vector<16xi32>
    %select_n3A_770 = arith.select %ge3A_764, %sub3A_767, %broadcast_in_dim3A_769 : vector<16xi1>, vector<16xi32>
    %add3A_771 = arith.addi %add3A_758, %select_n3A_770 : vector<16xi32>
    %ge3A_772 = arith.cmpi sge, %sub3A_581, %add3A_121 : vector<16xi32>
    %jit3A_773 = arith.constant 0 : i32
    %broadcast_in_dim3A_774 = vector.broadcast %jit3A_773 : i32 to vector<16xi32>
    %select_n3A_775 = arith.select %ge3A_772, %gather3A_45, %broadcast_in_dim3A_774 : vector<16xi1>, vector<16xi32>
    %add3A_776 = arith.addi %add3A_763, %select_n3A_775 : vector<16xi32>
    %ge3A_777 = arith.cmpi sge, %add3A_580, %add3A_127 : vector<16xi32>
    %sub3A_778 = arith.constant 4096 : i32
    %sub3A_779 = vector.broadcast %sub3A_778 : i32 to vector<16xi32>
    %sub3A_780 = arith.subi %sub3A_779, %gather3A_48 : vector<16xi32>
    %jit3A_781 = arith.constant 0 : i32
    %broadcast_in_dim3A_782 = vector.broadcast %jit3A_781 : i32 to vector<16xi32>
    %select_n3A_783 = arith.select %ge3A_777, %sub3A_780, %broadcast_in_dim3A_782 : vector<16xi1>, vector<16xi32>
    %add3A_784 = arith.addi %add3A_771, %select_n3A_783 : vector<16xi32>
    %ge3A_785 = arith.cmpi sge, %sub3A_581, %add3A_126 : vector<16xi32>
    %jit3A_786 = arith.constant 0 : i32
    %broadcast_in_dim3A_787 = vector.broadcast %jit3A_786 : i32 to vector<16xi32>
    %select_n3A_788 = arith.select %ge3A_785, %gather3A_48, %broadcast_in_dim3A_787 : vector<16xi1>, vector<16xi32>
    %add3A_789 = arith.addi %add3A_776, %select_n3A_788 : vector<16xi32>
    %lt3A_790 = arith.cmpi slt, %add3A_580, %add3A_127 : vector<16xi32>
    %select_n3A_791 = arith.select %lt3A_790, %add3A_784, %add3A_789 : vector<16xi1>, vector<16xi32>
    %swap3A_792 = arith.constant 1 : i32
    %swap3A_793 = arith.index_cast %swap3A_792 : i32 to index
    %swap3A_794 = arith.constant 0 : index
    %swap3A_795 = tpu.vector_load %arg6[%swap3A_793, %swap3A_794] {strides = array<i32>} : memref<64x32xi32, #tpu.memory_space<vmem>>, vector<16xi32>,
    tpu.vector_store %arg6[%swap3A_793, %swap3A_794], %select_n3A_791 {strides = array<i32>} : memref<64x32xi32, #tpu.memory_space<vmem>>, vector<16xi32>,
    %add3A_796 = arith.constant 32 : i32
    %add3A_797 = arith.addi %mul3A_2, %add3A_796 : i32
    %add3A_798 = arith.constant 16 : i32
    %add3A_799 = arith.addi %add3A_797, %add3A_798 : i32
    %add3A_800 = vector.broadcast %add3A_799 : i32 to vector<16xi32>
    %add3A_801 = arith.addi %add3A_800, %iota3A : vector<16xi32>
    %sub3A_802 = arith.subi %add3A_801, %add3A_127 : vector<16xi32>
    %ge3A_803 = arith.cmpi sge, %add3A_801, %add3A_53 : vector<16xi32>
    %sub3A_804 = arith.constant 4096 : i32
    %sub3A_805 = vector.broadcast %sub3A_804 : i32 to vector<16xi32>
    %sub3A_806 = arith.subi %sub3A_805, %gather3A : vector<16xi32>
    %jit3A_807 = arith.constant 0 : i32
    %broadcast_in_dim3A_808 = vector.broadcast %jit3A_807 : i32 to vector<16xi32>
    %select_n3A_809 = arith.select %ge3A_803, %sub3A_806, %broadcast_in_dim3A_808 : vector<16xi1>, vector<16xi32>
    %add3A_810 = arith.addi %add3A_801, %select_n3A_809 : vector<16xi32>
    %ge3A_811 = arith.cmpi sge, %sub3A_802, %broadcast_in_dim3A_52 : vector<16xi32>
    %jit3A_812 = arith.constant 0 : i32
    %broadcast_in_dim3A_813 = vector.broadcast %jit3A_812 : i32 to vector<16xi32>
    %select_n3A_814 = arith.select %ge3A_811, %gather3A, %broadcast_in_dim3A_813 : vector<16xi1>, vector<16xi32>
    %add3A_815 = arith.addi %sub3A_802, %select_n3A_814 : vector<16xi32>
    %ge3A_816 = arith.cmpi sge, %add3A_801, %add3A_57 : vector<16xi32>
    %sub3A_817 = arith.constant 4096 : i32
    %sub3A_818 = vector.broadcast %sub3A_817 : i32 to vector<16xi32>
    %sub3A_819 = arith.subi %sub3A_818, %gather3A_6 : vector<16xi32>
    %jit3A_820 = arith.constant 0 : i32
    %broadcast_in_dim3A_821 = vector.broadcast %jit3A_820 : i32 to vector<16xi32>
    %select_n3A_822 = arith.select %ge3A_816, %sub3A_819, %broadcast_in_dim3A_821 : vector<16xi1>, vector<16xi32>
    %add3A_823 = arith.addi %add3A_810, %select_n3A_822 : vector<16xi32>
    %ge3A_824 = arith.cmpi sge, %sub3A_802, %add3A_56 : vector<16xi32>
    %jit3A_825 = arith.constant 0 : i32
    %broadcast_in_dim3A_826 = vector.broadcast %jit3A_825 : i32 to vector<16xi32>
    %select_n3A_827 = arith.select %ge3A_824, %gather3A_6, %broadcast_in_dim3A_826 : vector<16xi1>, vector<16xi32>
    %add3A_828 = arith.addi %add3A_815, %select_n3A_827 : vector<16xi32>
    %ge3A_829 = arith.cmpi sge, %add3A_801, %add3A_62 : vector<16xi32>
    %sub3A_830 = arith.constant 4096 : i32
    %sub3A_831 = vector.broadcast %sub3A_830 : i32 to vector<16xi32>
    %sub3A_832 = arith.subi %sub3A_831, %gather3A_9 : vector<16xi32>
    %jit3A_833 = arith.constant 0 : i32
    %broadcast_in_dim3A_834 = vector.broadcast %jit3A_833 : i32 to vector<16xi32>
    %select_n3A_835 = arith.select %ge3A_829, %sub3A_832, %broadcast_in_dim3A_834 : vector<16xi1>, vector<16xi32>
    %add3A_836 = arith.addi %add3A_823, %select_n3A_835 : vector<16xi32>
    %ge3A_837 = arith.cmpi sge, %sub3A_802, %add3A_61 : vector<16xi32>
    %jit3A_838 = arith.constant 0 : i32
    %broadcast_in_dim3A_839 = vector.broadcast %jit3A_838 : i32 to vector<16xi32>
    %select_n3A_840 = arith.select %ge3A_837, %gather3A_9, %broadcast_in_dim3A_839 : vector<16xi1>, vector<16xi32>
    %add3A_841 = arith.addi %add3A_828, %select_n3A_840 : vector<16xi32>
    %ge3A_842 = arith.cmpi sge, %add3A_801, %add3A_67 : vector<16xi32>
    %sub3A_843 = arith.constant 4096 : i32
    %sub3A_844 = vector.broadcast %sub3A_843 : i32 to vector<16xi32>
    %sub3A_845 = arith.subi %sub3A_844, %gather3A_12 : vector<16xi32>
    %jit3A_846 = arith.constant 0 : i32
    %broadcast_in_dim3A_847 = vector.broadcast %jit3A_846 : i32 to vector<16xi32>
    %select_n3A_848 = arith.select %ge3A_842, %sub3A_845, %broadcast_in_dim3A_847 : vector<16xi1>, vector<16xi32>
    %add3A_849 = arith.addi %add3A_836, %select_n3A_848 : vector<16xi32>
    %ge3A_850 = arith.cmpi sge, %sub3A_802, %add3A_66 : vector<16xi32>
    %jit3A_851 = arith.constant 0 : i32
    %broadcast_in_dim3A_852 = vector.broadcast %jit3A_851 : i32 to vector<16xi32>
    %select_n3A_853 = arith.select %ge3A_850, %gather3A_12, %broadcast_in_dim3A_852 : vector<16xi1>, vector<16xi32>
    %add3A_854 = arith.addi %add3A_841, %select_n3A_853 : vector<16xi32>
    %ge3A_855 = arith.cmpi sge, %add3A_801, %add3A_72 : vector<16xi32>
    %sub3A_856 = arith.constant 4096 : i32
    %sub3A_857 = vector.broadcast %sub3A_856 : i32 to vector<16xi32>
    %sub3A_858 = arith.subi %sub3A_857, %gather3A_15 : vector<16xi32>
    %jit3A_859 = arith.constant 0 : i32
    %broadcast_in_dim3A_860 = vector.broadcast %jit3A_859 : i32 to vector<16xi32>
    %select_n3A_861 = arith.select %ge3A_855, %sub3A_858, %broadcast_in_dim3A_860 : vector<16xi1>, vector<16xi32>
    %add3A_862 = arith.addi %add3A_849, %select_n3A_861 : vector<16xi32>
    %ge3A_863 = arith.cmpi sge, %sub3A_802, %add3A_71 : vector<16xi32>
    %jit3A_864 = arith.constant 0 : i32
    %broadcast_in_dim3A_865 = vector.broadcast %jit3A_864 : i32 to vector<16xi32>
    %select_n3A_866 = arith.select %ge3A_863, %gather3A_15, %broadcast_in_dim3A_865 : vector<16xi1>, vector<16xi32>
    %add3A_867 = arith.addi %add3A_854, %select_n3A_866 : vector<16xi32>
    %ge3A_868 = arith.cmpi sge, %add3A_801, %add3A_77 : vector<16xi32>
    %sub3A_869 = arith.constant 4096 : i32
    %sub3A_870 = vector.broadcast %sub3A_869 : i32 to vector<16xi32>
    %sub3A_871 = arith.subi %sub3A_870, %gather3A_18 : vector<16xi32>
    %jit3A_872 = arith.constant 0 : i32
    %broadcast_in_dim3A_873 = vector.broadcast %jit3A_872 : i32 to vector<16xi32>
    %select_n3A_874 = arith.select %ge3A_868, %sub3A_871, %broadcast_in_dim3A_873 : vector<16xi1>, vector<16xi32>
    %add3A_875 = arith.addi %add3A_862, %select_n3A_874 : vector<16xi32>
    %ge3A_876 = arith.cmpi sge, %sub3A_802, %add3A_76 : vector<16xi32>
    %jit3A_877 = arith.constant 0 : i32
    %broadcast_in_dim3A_878 = vector.broadcast %jit3A_877 : i32 to vector<16xi32>
    %select_n3A_879 = arith.select %ge3A_876, %gather3A_18, %broadcast_in_dim3A_878 : vector<16xi1>, vector<16xi32>
    %add3A_880 = arith.addi %add3A_867, %select_n3A_879 : vector<16xi32>
    %ge3A_881 = arith.cmpi sge, %add3A_801, %add3A_82 : vector<16xi32>
    %sub3A_882 = arith.constant 4096 : i32
    %sub3A_883 = vector.broadcast %sub3A_882 : i32 to vector<16xi32>
    %sub3A_884 = arith.subi %sub3A_883, %gather3A_21 : vector<16xi32>
    %jit3A_885 = arith.constant 0 : i32
    %broadcast_in_dim3A_886 = vector.broadcast %jit3A_885 : i32 to vector<16xi32>
    %select_n3A_887 = arith.select %ge3A_881, %sub3A_884, %broadcast_in_dim3A_886 : vector<16xi1>, vector<16xi32>
    %add3A_888 = arith.addi %add3A_875, %select_n3A_887 : vector<16xi32>
    %ge3A_889 = arith.cmpi sge, %sub3A_802, %add3A_81 : vector<16xi32>
    %jit3A_890 = arith.constant 0 : i32
    %broadcast_in_dim3A_891 = vector.broadcast %jit3A_890 : i32 to vector<16xi32>
    %select_n3A_892 = arith.select %ge3A_889, %gather3A_21, %broadcast_in_dim3A_891 : vector<16xi1>, vector<16xi32>
    %add3A_893 = arith.addi %add3A_880, %select_n3A_892 : vector<16xi32>
    %ge3A_894 = arith.cmpi sge, %add3A_801, %add3A_87 : vector<16xi32>
    %sub3A_895 = arith.constant 4096 : i32
    %sub3A_896 = vector.broadcast %sub3A_895 : i32 to vector<16xi32>
    %sub3A_897 = arith.subi %sub3A_896, %gather3A_24 : vector<16xi32>
    %jit3A_898 = arith.constant 0 : i32
    %broadcast_in_dim3A_899 = vector.broadcast %jit3A_898 : i32 to vector<16xi32>
    %select_n3A_900 = arith.select %ge3A_894, %sub3A_897, %broadcast_in_dim3A_899 : vector<16xi1>, vector<16xi32>
    %add3A_901 = arith.addi %add3A_888, %select_n3A_900 : vector<16xi32>
    %ge3A_902 = arith.cmpi sge, %sub3A_802, %add3A_86 : vector<16xi32>
    %jit3A_903 = arith.constant 0 : i32
    %broadcast_in_dim3A_904 = vector.broadcast %jit3A_903 : i32 to vector<16xi32>
    %select_n3A_905 = arith.select %ge3A_902, %gather3A_24, %broadcast_in_dim3A_904 : vector<16xi1>, vector<16xi32>
    %add3A_906 = arith.addi %add3A_893, %select_n3A_905 : vector<16xi32>
    %ge3A_907 = arith.cmpi sge, %add3A_801, %add3A_92 : vector<16xi32>
    %sub3A_908 = arith.constant 4096 : i32
    %sub3A_909 = vector.broadcast %sub3A_908 : i32 to vector<16xi32>
    %sub3A_910 = arith.subi %sub3A_909, %gather3A_27 : vector<16xi32>
    %jit3A_911 = arith.constant 0 : i32
    %broadcast_in_dim3A_912 = vector.broadcast %jit3A_911 : i32 to vector<16xi32>
    %select_n3A_913 = arith.select %ge3A_907, %sub3A_910, %broadcast_in_dim3A_912 : vector<16xi1>, vector<16xi32>
    %add3A_914 = arith.addi %add3A_901, %select_n3A_913 : vector<16xi32>
    %ge3A_915 = arith.cmpi sge, %sub3A_802, %add3A_91 : vector<16xi32>
    %jit3A_916 = arith.constant 0 : i32
    %broadcast_in_dim3A_917 = vector.broadcast %jit3A_916 : i32 to vector<16xi32>
    %select_n3A_918 = arith.select %ge3A_915, %gather3A_27, %broadcast_in_dim3A_917 : vector<16xi1>, vector<16xi32>
    %add3A_919 = arith.addi %add3A_906, %select_n3A_918 : vector<16xi32>
    %ge3A_920 = arith.cmpi sge, %add3A_801, %add3A_97 : vector<16xi32>
    %sub3A_921 = arith.constant 4096 : i32
    %sub3A_922 = vector.broadcast %sub3A_921 : i32 to vector<16xi32>
    %sub3A_923 = arith.subi %sub3A_922, %gather3A_30 : vector<16xi32>
    %jit3A_924 = arith.constant 0 : i32
    %broadcast_in_dim3A_925 = vector.broadcast %jit3A_924 : i32 to vector<16xi32>
    %select_n3A_926 = arith.select %ge3A_920, %sub3A_923, %broadcast_in_dim3A_925 : vector<16xi1>, vector<16xi32>
    %add3A_927 = arith.addi %add3A_914, %select_n3A_926 : vector<16xi32>
    %ge3A_928 = arith.cmpi sge, %sub3A_802, %add3A_96 : vector<16xi32>
    %jit3A_929 = arith.constant 0 : i32
    %broadcast_in_dim3A_930 = vector.broadcast %jit3A_929 : i32 to vector<16xi32>
    %select_n3A_931 = arith.select %ge3A_928, %gather3A_30, %broadcast_in_dim3A_930 : vector<16xi1>, vector<16xi32>
    %add3A_932 = arith.addi %add3A_919, %select_n3A_931 : vector<16xi32>
    %ge3A_933 = arith.cmpi sge, %add3A_801, %add3A_102 : vector<16xi32>
    %sub3A_934 = arith.constant 4096 : i32
    %sub3A_935 = vector.broadcast %sub3A_934 : i32 to vector<16xi32>
    %sub3A_936 = arith.subi %sub3A_935, %gather3A_33 : vector<16xi32>
    %jit3A_937 = arith.constant 0 : i32
    %broadcast_in_dim3A_938 = vector.broadcast %jit3A_937 : i32 to vector<16xi32>
    %select_n3A_939 = arith.select %ge3A_933, %sub3A_936, %broadcast_in_dim3A_938 : vector<16xi1>, vector<16xi32>
    %add3A_940 = arith.addi %add3A_927, %select_n3A_939 : vector<16xi32>
    %ge3A_941 = arith.cmpi sge, %sub3A_802, %add3A_101 : vector<16xi32>
    %jit3A_942 = arith.constant 0 : i32
    %broadcast_in_dim3A_943 = vector.broadcast %jit3A_942 : i32 to vector<16xi32>
    %select_n3A_944 = arith.select %ge3A_941, %gather3A_33, %broadcast_in_dim3A_943 : vector<16xi1>, vector<16xi32>
    %add3A_945 = arith.addi %add3A_932, %select_n3A_944 : vector<16xi32>
    %ge3A_946 = arith.cmpi sge, %add3A_801, %add3A_107 : vector<16xi32>
    %sub3A_947 = arith.constant 4096 : i32
    %sub3A_948 = vector.broadcast %sub3A_947 : i32 to vector<16xi32>
    %sub3A_949 = arith.subi %sub3A_948, %gather3A_36 : vector<16xi32>
    %jit3A_950 = arith.constant 0 : i32
    %broadcast_in_dim3A_951 = vector.broadcast %jit3A_950 : i32 to vector<16xi32>
    %select_n3A_952 = arith.select %ge3A_946, %sub3A_949, %broadcast_in_dim3A_951 : vector<16xi1>, vector<16xi32>
    %add3A_953 = arith.addi %add3A_940, %select_n3A_952 : vector<16xi32>
    %ge3A_954 = arith.cmpi sge, %sub3A_802, %add3A_106 : vector<16xi32>
    %jit3A_955 = arith.constant 0 : i32
    %broadcast_in_dim3A_956 = vector.broadcast %jit3A_955 : i32 to vector<16xi32>
    %select_n3A_957 = arith.select %ge3A_954, %gather3A_36, %broadcast_in_dim3A_956 : vector<16xi1>, vector<16xi32>
    %add3A_958 = arith.addi %add3A_945, %select_n3A_957 : vector<16xi32>
    %ge3A_959 = arith.cmpi sge, %add3A_801, %add3A_112 : vector<16xi32>
    %sub3A_960 = arith.constant 4096 : i32
    %sub3A_961 = vector.broadcast %sub3A_960 : i32 to vector<16xi32>
    %sub3A_962 = arith.subi %sub3A_961, %gather3A_39 : vector<16xi32>
    %jit3A_963 = arith.constant 0 : i32
    %broadcast_in_dim3A_964 = vector.broadcast %jit3A_963 : i32 to vector<16xi32>
    %select_n3A_965 = arith.select %ge3A_959, %sub3A_962, %broadcast_in_dim3A_964 : vector<16xi1>, vector<16xi32>
    %add3A_966 = arith.addi %add3A_953, %select_n3A_965 : vector<16xi32>
    %ge3A_967 = arith.cmpi sge, %sub3A_802, %add3A_111 : vector<16xi32>
    %jit3A_968 = arith.constant 0 : i32
    %broadcast_in_dim3A_969 = vector.broadcast %jit3A_968 : i32 to vector<16xi32>
    %select_n3A_970 = arith.select %ge3A_967, %gather3A_39, %broadcast_in_dim3A_969 : vector<16xi1>, vector<16xi32>
    %add3A_971 = arith.addi %add3A_958, %select_n3A_970 : vector<16xi32>
    %ge3A_972 = arith.cmpi sge, %add3A_801, %add3A_117 : vector<16xi32>
    %sub3A_973 = arith.constant 4096 : i32
    %sub3A_974 = vector.broadcast %sub3A_973 : i32 to vector<16xi32>
    %sub3A_975 = arith.subi %sub3A_974, %gather3A_42 : vector<16xi32>
    %jit3A_976 = arith.constant 0 : i32
    %broadcast_in_dim3A_977 = vector.broadcast %jit3A_976 : i32 to vector<16xi32>
    %select_n3A_978 = arith.select %ge3A_972, %sub3A_975, %broadcast_in_dim3A_977 : vector<16xi1>, vector<16xi32>
    %add3A_979 = arith.addi %add3A_966, %select_n3A_978 : vector<16xi32>
    %ge3A_980 = arith.cmpi sge, %sub3A_802, %add3A_116 : vector<16xi32>
    %jit3A_981 = arith.constant 0 : i32
    %broadcast_in_dim3A_982 = vector.broadcast %jit3A_981 : i32 to vector<16xi32>
    %select_n3A_983 = arith.select %ge3A_980, %gather3A_42, %broadcast_in_dim3A_982 : vector<16xi1>, vector<16xi32>
    %add3A_984 = arith.addi %add3A_971, %select_n3A_983 : vector<16xi32>
    %ge3A_985 = arith.cmpi sge, %add3A_801, %add3A_122 : vector<16xi32>
    %sub3A_986 = arith.constant 4096 : i32
    %sub3A_987 = vector.broadcast %sub3A_986 : i32 to vector<16xi32>
    %sub3A_988 = arith.subi %sub3A_987, %gather3A_45 : vector<16xi32>
    %jit3A_989 = arith.constant 0 : i32
    %broadcast_in_dim3A_990 = vector.broadcast %jit3A_989 : i32 to vector<16xi32>
    %select_n3A_991 = arith.select %ge3A_985, %sub3A_988, %broadcast_in_dim3A_990 : vector<16xi1>, vector<16xi32>
    %add3A_992 = arith.addi %add3A_979, %select_n3A_991 : vector<16xi32>
    %ge3A_993 = arith.cmpi sge, %sub3A_802, %add3A_121 : vector<16xi32>
    %jit3A_994 = arith.constant 0 : i32
    %broadcast_in_dim3A_995 = vector.broadcast %jit3A_994 : i32 to vector<16xi32>
    %select_n3A_996 = arith.select %ge3A_993, %gather3A_45, %broadcast_in_dim3A_995 : vector<16xi1>, vector<16xi32>
    %add3A_997 = arith.addi %add3A_984, %select_n3A_996 : vector<16xi32>
    %ge3A_998 = arith.cmpi sge, %add3A_801, %add3A_127 : vector<16xi32>
    %sub3A_999 = arith.constant 4096 : i32
    %sub3A_1000 = vector.broadcast %sub3A_999 : i32 to vector<16xi32>
    %sub3A_1001 = arith.subi %sub3A_1000, %gather3A_48 : vector<16xi32>
    %jit3A_1002 = arith.constant 0 : i32
    %broadcast_in_dim3A_1003 = vector.broadcast %jit3A_1002 : i32 to vector<16xi32>
    %select_n3A_1004 = arith.select %ge3A_998, %sub3A_1001, %broadcast_in_dim3A_1003 : vector<16xi1>, vector<16xi32>
    %add3A_1005 = arith.addi %add3A_992, %select_n3A_1004 : vector<16xi32>
    %ge3A_1006 = arith.cmpi sge, %sub3A_802, %add3A_126 : vector<16xi32>
    %jit3A_1007 = arith.constant 0 : i32
    %broadcast_in_dim3A_1008 = vector.broadcast %jit3A_1007 : i32 to vector<16xi32>
    %select_n3A_1009 = arith.select %ge3A_1006, %gather3A_48, %broadcast_in_dim3A_1008 : vector<16xi1>, vector<16xi32>
    %add3A_1010 = arith.addi %add3A_997, %select_n3A_1009 : vector<16xi32>
    %lt3A_1011 = arith.cmpi slt, %add3A_801, %add3A_127 : vector<16xi32>
    %select_n3A_1012 = arith.select %lt3A_1011, %add3A_1005, %add3A_1010 : vector<16xi1>, vector<16xi32>
    %swap3A_1013 = arith.constant 1 : i32
    %swap3A_1014 = arith.index_cast %swap3A_1013 : i32 to index
    %swap3A_1015 = arith.constant 16 : index
    %swap3A_1016 = tpu.vector_load %arg6[%swap3A_1014, %swap3A_1015] {strides = array<i32>} : memref<64x32xi32, #tpu.memory_space<vmem>>, vector<16xi32>,
    tpu.vector_store %arg6[%swap3A_1014, %swap3A_1015], %select_n3A_1012 {strides = array<i32>} : memref<64x32xi32, #tpu.memory_space<vmem>>, vector<16xi32>,
    %dma_start3A_1017 = arith.constant 1 : i32
    %dma_start3A_1018 = arith.constant 0 : i32
    %dma_start3A_1019 = tpu.memref_slice %arg6[%dma_start3A_1017, %dma_start3A_1018] : memref<64x32xi32, #tpu.memory_space<vmem>> -> memref<1x32xi32, #tpu.memory_space<vmem>>
    %dma_start3A_1020 = tpu.memref_squeeze %dma_start3A_1019 : memref<1x32xi32, #tpu.memory_space<vmem>> -> memref<32xi32, #tpu.memory_space<vmem>>
    %dma_start3A_1021 = arith.constant 0 : i32
    %dma_start3A_1022 = arith.constant 0 : i32
    %dma_start3A_1023 = tpu.memref_slice %arg2[%dma_start3A_1021, %dma_start3A_1022] : memref<65536x512xf32, #tpu.memory_space<hbm>> -> memref<65536x512xf32, #tpu.memory_space<hbm>>
    tpu.enqueue_indirect_dma source(%dma_start3A_1023 : memref<65536x512xf32, #tpu.memory_space<hbm>>) target(%arg8 : memref<32x512xf32, #tpu.memory_space<vmem>>) offsets(%dma_start3A_1020 : memref<32xi32, #tpu.memory_space<vmem>>) semaphore(%arg12 : memref<!tpu.dma_semaphore, #tpu.memory_space<semaphore_mem>>)
    %add3A_1024 = arith.constant 64 : i32
    %add3A_1025 = arith.addi %mul3A_2, %add3A_1024 : i32
    %add3A_1026 = arith.constant 0 : i32
    %add3A_1027 = arith.addi %add3A_1025, %add3A_1026 : i32
    %add3A_1028 = vector.broadcast %add3A_1027 : i32 to vector<16xi32>
    %add3A_1029 = arith.addi %add3A_1028, %iota3A : vector<16xi32>
    %sub3A_1030 = arith.subi %add3A_1029, %add3A_127 : vector<16xi32>
    %ge3A_1031 = arith.cmpi sge, %add3A_1029, %add3A_53 : vector<16xi32>
    %sub3A_1032 = arith.constant 4096 : i32
    %sub3A_1033 = vector.broadcast %sub3A_1032 : i32 to vector<16xi32>
    %sub3A_1034 = arith.subi %sub3A_1033, %gather3A : vector<16xi32>
    %jit3A_1035 = arith.constant 0 : i32
    %broadcast_in_dim3A_1036 = vector.broadcast %jit3A_1035 : i32 to vector<16xi32>
    %select_n3A_1037 = arith.select %ge3A_1031, %sub3A_1034, %broadcast_in_dim3A_1036 : vector<16xi1>, vector<16xi32>
    %add3A_1038 = arith.addi %add3A_1029, %select_n3A_1037 : vector<16xi32>
    %ge3A_1039 = arith.cmpi sge, %sub3A_1030, %broadcast_in_dim3A_52 : vector<16xi32>
    %jit3A_1040 = arith.constant 0 : i32
    %broadcast_in_dim3A_1041 = vector.broadcast %jit3A_1040 : i32 to vector<16xi32>
    %select_n3A_1042 = arith.select %ge3A_1039, %gather3A, %broadcast_in_dim3A_1041 : vector<16xi1>, vector<16xi32>
    %add3A_1043 = arith.addi %sub3A_1030, %select_n3A_1042 : vector<16xi32>
    %ge3A_1044 = arith.cmpi sge, %add3A_1029, %add3A_57 : vector<16xi32>
    %sub3A_1045 = arith.constant 4096 : i32
    %sub3A_1046 = vector.broadcast %sub3A_1045 : i32 to vector<16xi32>
    %sub3A_1047 = arith.subi %sub3A_1046, %gather3A_6 : vector<16xi32>
    %jit3A_1048 = arith.constant 0 : i32
    %broadcast_in_dim3A_1049 = vector.broadcast %jit3A_1048 : i32 to vector<16xi32>
    %select_n3A_1050 = arith.select %ge3A_1044, %sub3A_1047, %broadcast_in_dim3A_1049 : vector<16xi1>, vector<16xi32>
    %add3A_1051 = arith.addi %add3A_1038, %select_n3A_1050 : vector<16xi32>
    %ge3A_1052 = arith.cmpi sge, %sub3A_1030, %add3A_56 : vector<16xi32>
    %jit3A_1053 = arith.constant 0 : i32
    %broadcast_in_dim3A_1054 = vector.broadcast %jit3A_1053 : i32 to vector<16xi32>
    %select_n3A_1055 = arith.select %ge3A_1052, %gather3A_6, %broadcast_in_dim3A_1054 : vector<16xi1>, vector<16xi32>
    %add3A_1056 = arith.addi %add3A_1043, %select_n3A_1055 : vector<16xi32>
    %ge3A_1057 = arith.cmpi sge, %add3A_1029, %add3A_62 : vector<16xi32>
    %sub3A_1058 = arith.constant 4096 : i32
    %sub3A_1059 = vector.broadcast %sub3A_1058 : i32 to vector<16xi32>
    %sub3A_1060 = arith.subi %sub3A_1059, %gather3A_9 : vector<16xi32>
    %jit3A_1061 = arith.constant 0 : i32
    %broadcast_in_dim3A_1062 = vector.broadcast %jit3A_1061 : i32 to vector<16xi32>
    %select_n3A_1063 = arith.select %ge3A_1057, %sub3A_1060, %broadcast_in_dim3A_1062 : vector<16xi1>, vector<16xi32>
    %add3A_1064 = arith.addi %add3A_1051, %select_n3A_1063 : vector<16xi32>
    %ge3A_1065 = arith.cmpi sge, %sub3A_1030, %add3A_61 : vector<16xi32>
    %jit3A_1066 = arith.constant 0 : i32
    %broadcast_in_dim3A_1067 = vector.broadcast %jit3A_1066 : i32 to vector<16xi32>
    %select_n3A_1068 = arith.select %ge3A_1065, %gather3A_9, %broadcast_in_dim3A_1067 : vector<16xi1>, vector<16xi32>
    %add3A_1069 = arith.addi %add3A_1056, %select_n3A_1068 : vector<16xi32>
    %ge3A_1070 = arith.cmpi sge, %add3A_1029, %add3A_67 : vector<16xi32>
    %sub3A_1071 = arith.constant 4096 : i32
    %sub3A_1072 = vector.broadcast %sub3A_1071 : i32 to vector<16xi32>
    %sub3A_1073 = arith.subi %sub3A_1072, %gather3A_12 : vector<16xi32>
    %jit3A_1074 = arith.constant 0 : i32
    %broadcast_in_dim3A_1075 = vector.broadcast %jit3A_1074 : i32 to vector<16xi32>
    %select_n3A_1076 = arith.select %ge3A_1070, %sub3A_1073, %broadcast_in_dim3A_1075 : vector<16xi1>, vector<16xi32>
    %add3A_1077 = arith.addi %add3A_1064, %select_n3A_1076 : vector<16xi32>
    %ge3A_1078 = arith.cmpi sge, %sub3A_1030, %add3A_66 : vector<16xi32>
    %jit3A_1079 = arith.constant 0 : i32
    %broadcast_in_dim3A_1080 = vector.broadcast %jit3A_1079 : i32 to vector<16xi32>
    %select_n3A_1081 = arith.select %ge3A_1078, %gather3A_12, %broadcast_in_dim3A_1080 : vector<16xi1>, vector<16xi32>
    %add3A_1082 = arith.addi %add3A_1069, %select_n3A_1081 : vector<16xi32>
    %ge3A_1083 = arith.cmpi sge, %add3A_1029, %add3A_72 : vector<16xi32>
    %sub3A_1084 = arith.constant 4096 : i32
    %sub3A_1085 = vector.broadcast %sub3A_1084 : i32 to vector<16xi32>
    %sub3A_1086 = arith.subi %sub3A_1085, %gather3A_15 : vector<16xi32>
    %jit3A_1087 = arith.constant 0 : i32
    %broadcast_in_dim3A_1088 = vector.broadcast %jit3A_1087 : i32 to vector<16xi32>
    %select_n3A_1089 = arith.select %ge3A_1083, %sub3A_1086, %broadcast_in_dim3A_1088 : vector<16xi1>, vector<16xi32>
    %add3A_1090 = arith.addi %add3A_1077, %select_n3A_1089 : vector<16xi32>
    %ge3A_1091 = arith.cmpi sge, %sub3A_1030, %add3A_71 : vector<16xi32>
    %jit3A_1092 = arith.constant 0 : i32
    %broadcast_in_dim3A_1093 = vector.broadcast %jit3A_1092 : i32 to vector<16xi32>
    %select_n3A_1094 = arith.select %ge3A_1091, %gather3A_15, %broadcast_in_dim3A_1093 : vector<16xi1>, vector<16xi32>
    %add3A_1095 = arith.addi %add3A_1082, %select_n3A_1094 : vector<16xi32>
    %ge3A_1096 = arith.cmpi sge, %add3A_1029, %add3A_77 : vector<16xi32>
    %sub3A_1097 = arith.constant 4096 : i32
    %sub3A_1098 = vector.broadcast %sub3A_1097 : i32 to vector<16xi32>
    %sub3A_1099 = arith.subi %sub3A_1098, %gather3A_18 : vector<16xi32>
    %jit3A_1100 = arith.constant 0 : i32
    %broadcast_in_dim3A_1101 = vector.broadcast %jit3A_1100 : i32 to vector<16xi32>
    %select_n3A_1102 = arith.select %ge3A_1096, %sub3A_1099, %broadcast_in_dim3A_1101 : vector<16xi1>, vector<16xi32>
    %add3A_1103 = arith.addi %add3A_1090, %select_n3A_1102 : vector<16xi32>
    %ge3A_1104 = arith.cmpi sge, %sub3A_1030, %add3A_76 : vector<16xi32>
    %jit3A_1105 = arith.constant 0 : i32
    %broadcast_in_dim3A_1106 = vector.broadcast %jit3A_1105 : i32 to vector<16xi32>
    %select_n3A_1107 = arith.select %ge3A_1104, %gather3A_18, %broadcast_in_dim3A_1106 : vector<16xi1>, vector<16xi32>
    %add3A_1108 = arith.addi %add3A_1095, %select_n3A_1107 : vector<16xi32>
    %ge3A_1109 = arith.cmpi sge, %add3A_1029, %add3A_82 : vector<16xi32>
    %sub3A_1110 = arith.constant 4096 : i32
    %sub3A_1111 = vector.broadcast %sub3A_1110 : i32 to vector<16xi32>
    %sub3A_1112 = arith.subi %sub3A_1111, %gather3A_21 : vector<16xi32>
    %jit3A_1113 = arith.constant 0 : i32
    %broadcast_in_dim3A_1114 = vector.broadcast %jit3A_1113 : i32 to vector<16xi32>
    %select_n3A_1115 = arith.select %ge3A_1109, %sub3A_1112, %broadcast_in_dim3A_1114 : vector<16xi1>, vector<16xi32>
    %add3A_1116 = arith.addi %add3A_1103, %select_n3A_1115 : vector<16xi32>
    %ge3A_1117 = arith.cmpi sge, %sub3A_1030, %add3A_81 : vector<16xi32>
    %jit3A_1118 = arith.constant 0 : i32
    %broadcast_in_dim3A_1119 = vector.broadcast %jit3A_1118 : i32 to vector<16xi32>
    %select_n3A_1120 = arith.select %ge3A_1117, %gather3A_21, %broadcast_in_dim3A_1119 : vector<16xi1>, vector<16xi32>
    %add3A_1121 = arith.addi %add3A_1108, %select_n3A_1120 : vector<16xi32>
    %ge3A_1122 = arith.cmpi sge, %add3A_1029, %add3A_87 : vector<16xi32>
    %sub3A_1123 = arith.constant 4096 : i32
    %sub3A_1124 = vector.broadcast %sub3A_1123 : i32 to vector<16xi32>
    %sub3A_1125 = arith.subi %sub3A_1124, %gather3A_24 : vector<16xi32>
    %jit3A_1126 = arith.constant 0 : i32
    %broadcast_in_dim3A_1127 = vector.broadcast %jit3A_1126 : i32 to vector<16xi32>
    %select_n3A_1128 = arith.select %ge3A_1122, %sub3A_1125, %broadcast_in_dim3A_1127 : vector<16xi1>, vector<16xi32>
    %add3A_1129 = arith.addi %add3A_1116, %select_n3A_1128 : vector<16xi32>
    %ge3A_1130 = arith.cmpi sge, %sub3A_1030, %add3A_86 : vector<16xi32>
    %jit3A_1131 = arith.constant 0 : i32
    %broadcast_in_dim3A_1132 = vector.broadcast %jit3A_1131 : i32 to vector<16xi32>
    %select_n3A_1133 = arith.select %ge3A_1130, %gather3A_24, %broadcast_in_dim3A_1132 : vector<16xi1>, vector<16xi32>
    %add3A_1134 = arith.addi %add3A_1121, %select_n3A_1133 : vector<16xi32>
    %ge3A_1135 = arith.cmpi sge, %add3A_1029, %add3A_92 : vector<16xi32>
    %sub3A_1136 = arith.constant 4096 : i32
    %sub3A_1137 = vector.broadcast %sub3A_1136 : i32 to vector<16xi32>
    %sub3A_1138 = arith.subi %sub3A_1137, %gather3A_27 : vector<16xi32>
    %jit3A_1139 = arith.constant 0 : i32
    %broadcast_in_dim3A_1140 = vector.broadcast %jit3A_1139 : i32 to vector<16xi32>
    %select_n3A_1141 = arith.select %ge3A_1135, %sub3A_1138, %broadcast_in_dim3A_1140 : vector<16xi1>, vector<16xi32>
    %add3A_1142 = arith.addi %add3A_1129, %select_n3A_1141 : vector<16xi32>
    %ge3A_1143 = arith.cmpi sge, %sub3A_1030, %add3A_91 : vector<16xi32>
    %jit3A_1144 = arith.constant 0 : i32
    %broadcast_in_dim3A_1145 = vector.broadcast %jit3A_1144 : i32 to vector<16xi32>
    %select_n3A_1146 = arith.select %ge3A_1143, %gather3A_27, %broadcast_in_dim3A_1145 : vector<16xi1>, vector<16xi32>
    %add3A_1147 = arith.addi %add3A_1134, %select_n3A_1146 : vector<16xi32>
    %ge3A_1148 = arith.cmpi sge, %add3A_1029, %add3A_97 : vector<16xi32>
    %sub3A_1149 = arith.constant 4096 : i32
    %sub3A_1150 = vector.broadcast %sub3A_1149 : i32 to vector<16xi32>
    %sub3A_1151 = arith.subi %sub3A_1150, %gather3A_30 : vector<16xi32>
    %jit3A_1152 = arith.constant 0 : i32
    %broadcast_in_dim3A_1153 = vector.broadcast %jit3A_1152 : i32 to vector<16xi32>
    %select_n3A_1154 = arith.select %ge3A_1148, %sub3A_1151, %broadcast_in_dim3A_1153 : vector<16xi1>, vector<16xi32>
    %add3A_1155 = arith.addi %add3A_1142, %select_n3A_1154 : vector<16xi32>
    %ge3A_1156 = arith.cmpi sge, %sub3A_1030, %add3A_96 : vector<16xi32>
    %jit3A_1157 = arith.constant 0 : i32
    %broadcast_in_dim3A_1158 = vector.broadcast %jit3A_1157 : i32 to vector<16xi32>
    %select_n3A_1159 = arith.select %ge3A_1156, %gather3A_30, %broadcast_in_dim3A_1158 : vector<16xi1>, vector<16xi32>
    %add3A_1160 = arith.addi %add3A_1147, %select_n3A_1159 : vector<16xi32>
    %ge3A_1161 = arith.cmpi sge, %add3A_1029, %add3A_102 : vector<16xi32>
    %sub3A_1162 = arith.constant 4096 : i32
    %sub3A_1163 = vector.broadcast %sub3A_1162 : i32 to vector<16xi32>
    %sub3A_1164 = arith.subi %sub3A_1163, %gather3A_33 : vector<16xi32>
    %jit3A_1165 = arith.constant 0 : i32
    %broadcast_in_dim3A_1166 = vector.broadcast %jit3A_1165 : i32 to vector<16xi32>
    %select_n3A_1167 = arith.select %ge3A_1161, %sub3A_1164, %broadcast_in_dim3A_1166 : vector<16xi1>, vector<16xi32>
    %add3A_1168 = arith.addi %add3A_1155, %select_n3A_1167 : vector<16xi32>
    %ge3A_1169 = arith.cmpi sge, %sub3A_1030, %add3A_101 : vector<16xi32>
    %jit3A_1170 = arith.constant 0 : i32
    %broadcast_in_dim3A_1171 = vector.broadcast %jit3A_1170 : i32 to vector<16xi32>
    %select_n3A_1172 = arith.select %ge3A_1169, %gather3A_33, %broadcast_in_dim3A_1171 : vector<16xi1>, vector<16xi32>
    %add3A_1173 = arith.addi %add3A_1160, %select_n3A_1172 : vector<16xi32>
    %ge3A_1174 = arith.cmpi sge, %add3A_1029, %add3A_107 : vector<16xi32>
    %sub3A_1175 = arith.constant 4096 : i32
    %sub3A_1176 = vector.broadcast %sub3A_1175 : i32 to vector<16xi32>
    %sub3A_1177 = arith.subi %sub3A_1176, %gather3A_36 : vector<16xi32>
    %jit3A_1178 = arith.constant 0 : i32
    %broadcast_in_dim3A_1179 = vector.broadcast %jit3A_1178 : i32 to vector<16xi32>
    %select_n3A_1180 = arith.select %ge3A_1174, %sub3A_1177, %broadcast_in_dim3A_1179 : vector<16xi1>, vector<16xi32>
    %add3A_1181 = arith.addi %add3A_1168, %select_n3A_1180 : vector<16xi32>
    %ge3A_1182 = arith.cmpi sge, %sub3A_1030, %add3A_106 : vector<16xi32>
    %jit3A_1183 = arith.constant 0 : i32
    %broadcast_in_dim3A_1184 = vector.broadcast %jit3A_1183 : i32 to vector<16xi32>
    %select_n3A_1185 = arith.select %ge3A_1182, %gather3A_36, %broadcast_in_dim3A_1184 : vector<16xi1>, vector<16xi32>
    %add3A_1186 = arith.addi %add3A_1173, %select_n3A_1185 : vector<16xi32>
    %ge3A_1187 = arith.cmpi sge, %add3A_1029, %add3A_112 : vector<16xi32>
    %sub3A_1188 = arith.constant 4096 : i32
    %sub3A_1189 = vector.broadcast %sub3A_1188 : i32 to vector<16xi32>
    %sub3A_1190 = arith.subi %sub3A_1189, %gather3A_39 : vector<16xi32>
    %jit3A_1191 = arith.constant 0 : i32
    %broadcast_in_dim3A_1192 = vector.broadcast %jit3A_1191 : i32 to vector<16xi32>
    %select_n3A_1193 = arith.select %ge3A_1187, %sub3A_1190, %broadcast_in_dim3A_1192 : vector<16xi1>, vector<16xi32>
    %add3A_1194 = arith.addi %add3A_1181, %select_n3A_1193 : vector<16xi32>
    %ge3A_1195 = arith.cmpi sge, %sub3A_1030, %add3A_111 : vector<16xi32>
    %jit3A_1196 = arith.constant 0 : i32
    %broadcast_in_dim3A_1197 = vector.broadcast %jit3A_1196 : i32 to vector<16xi32>
    %select_n3A_1198 = arith.select %ge3A_1195, %gather3A_39, %broadcast_in_dim3A_1197 : vector<16xi1>, vector<16xi32>
    %add3A_1199 = arith.addi %add3A_1186, %select_n3A_1198 : vector<16xi32>
    %ge3A_1200 = arith.cmpi sge, %add3A_1029, %add3A_117 : vector<16xi32>
    %sub3A_1201 = arith.constant 4096 : i32
    %sub3A_1202 = vector.broadcast %sub3A_1201 : i32 to vector<16xi32>
    %sub3A_1203 = arith.subi %sub3A_1202, %gather3A_42 : vector<16xi32>
    %jit3A_1204 = arith.constant 0 : i32
    %broadcast_in_dim3A_1205 = vector.broadcast %jit3A_1204 : i32 to vector<16xi32>
    %select_n3A_1206 = arith.select %ge3A_1200, %sub3A_1203, %broadcast_in_dim3A_1205 : vector<16xi1>, vector<16xi32>
    %add3A_1207 = arith.addi %add3A_1194, %select_n3A_1206 : vector<16xi32>
    %ge3A_1208 = arith.cmpi sge, %sub3A_1030, %add3A_116 : vector<16xi32>
    %jit3A_1209 = arith.constant 0 : i32
    %broadcast_in_dim3A_1210 = vector.broadcast %jit3A_1209 : i32 to vector<16xi32>
    %select_n3A_1211 = arith.select %ge3A_1208, %gather3A_42, %broadcast_in_dim3A_1210 : vector<16xi1>, vector<16xi32>
    %add3A_1212 = arith.addi %add3A_1199, %select_n3A_1211 : vector<16xi32>
    %ge3A_1213 = arith.cmpi sge, %add3A_1029, %add3A_122 : vector<16xi32>
    %sub3A_1214 = arith.constant 4096 : i32
    %sub3A_1215 = vector.broadcast %sub3A_1214 : i32 to vector<16xi32>
    %sub3A_1216 = arith.subi %sub3A_1215, %gather3A_45 : vector<16xi32>
    %jit3A_1217 = arith.constant 0 : i32
    %broadcast_in_dim3A_1218 = vector.broadcast %jit3A_1217 : i32 to vector<16xi32>
    %select_n3A_1219 = arith.select %ge3A_1213, %sub3A_1216, %broadcast_in_dim3A_1218 : vector<16xi1>, vector<16xi32>
    %add3A_1220 = arith.addi %add3A_1207, %select_n3A_1219 : vector<16xi32>
    %ge3A_1221 = arith.cmpi sge, %sub3A_1030, %add3A_121 : vector<16xi32>
    %jit3A_1222 = arith.constant 0 : i32
    %broadcast_in_dim3A_1223 = vector.broadcast %jit3A_1222 : i32 to vector<16xi32>
    %select_n3A_1224 = arith.select %ge3A_1221, %gather3A_45, %broadcast_in_dim3A_1223 : vector<16xi1>, vector<16xi32>
    %add3A_1225 = arith.addi %add3A_1212, %select_n3A_1224 : vector<16xi32>
    %ge3A_1226 = arith.cmpi sge, %add3A_1029, %add3A_127 : vector<16xi32>
    %sub3A_1227 = arith.constant 4096 : i32
    %sub3A_1228 = vector.broadcast %sub3A_1227 : i32 to vector<16xi32>
    %sub3A_1229 = arith.subi %sub3A_1228, %gather3A_48 : vector<16xi32>
    %jit3A_1230 = arith.constant 0 : i32
    %broadcast_in_dim3A_1231 = vector.broadcast %jit3A_1230 : i32 to vector<16xi32>
    %select_n3A_1232 = arith.select %ge3A_1226, %sub3A_1229, %broadcast_in_dim3A_1231 : vector<16xi1>, vector<16xi32>
    %add3A_1233 = arith.addi %add3A_1220, %select_n3A_1232 : vector<16xi32>
    %ge3A_1234 = arith.cmpi sge, %sub3A_1030, %add3A_126 : vector<16xi32>
    %jit3A_1235 = arith.constant 0 : i32
    %broadcast_in_dim3A_1236 = vector.broadcast %jit3A_1235 : i32 to vector<16xi32>
    %select_n3A_1237 = arith.select %ge3A_1234, %gather3A_48, %broadcast_in_dim3A_1236 : vector<16xi1>, vector<16xi32>
    %add3A_1238 = arith.addi %add3A_1225, %select_n3A_1237 : vector<16xi32>
    %lt3A_1239 = arith.cmpi slt, %add3A_1029, %add3A_127 : vector<16xi32>
    %select_n3A_1240 = arith.select %lt3A_1239, %add3A_1233, %add3A_1238 : vector<16xi1>, vector<16xi32>
    %swap3A_1241 = arith.constant 2 : i32
    %swap3A_1242 = arith.index_cast %swap3A_1241 : i32 to index
    %swap3A_1243 = arith.constant 0 : index
    %swap3A_1244 = tpu.vector_load %arg6[%swap3A_1242, %swap3A_1243] {strides = array<i32>} : memref<64x32xi32, #tpu.memory_space<vmem>>, vector<16xi32>,
    tpu.vector_store %arg6[%swap3A_1242, %swap3A_1243], %select_n3A_1240 {strides = array<i32>} : memref<64x32xi32, #tpu.memory_space<vmem>>, vector<16xi32>,
    %add3A_1245 = arith.constant 64 : i32
    %add3A_1246 = arith.addi %mul3A_2, %add3A_1245 : i32
    %add3A_1247 = arith.constant 16 : i32
    %add3A_1248 = arith.addi %add3A_1246, %add3A_1247 : i32
    %add3A_1249 = vector.broadcast %add3A_1248 : i32 to vector<16xi32>
    %add3A_1250 = arith.addi %add3A_1249, %iota3A : vector<16xi32>
    %sub3A_1251 = arith.subi %add3A_1250, %add3A_127 : vector<16xi32>
    %ge3A_1252 = arith.cmpi sge, %add3A_1250, %add3A_53 : vector<16xi32>
    %sub3A_1253 = arith.constant 4096 : i32
    %sub3A_1254 = vector.broadcast %sub3A_1253 : i32 to vector<16xi32>
    %sub3A_1255 = arith.subi %sub3A_1254, %gather3A : vector<16xi32>
    %jit3A_1256 = arith.constant 0 : i32
    %broadcast_in_dim3A_1257 = vector.broadcast %jit3A_1256 : i32 to vector<16xi32>
    %select_n3A_1258 = arith.select %ge3A_1252, %sub3A_1255, %broadcast_in_dim3A_1257 : vector<16xi1>, vector<16xi32>
    %add3A_1259 = arith.addi %add3A_1250, %select_n3A_1258 : vector<16xi32>
    %ge3A_1260 = arith.cmpi sge, %sub3A_1251, %broadcast_in_dim3A_52 : vector<16xi32>
    %jit3A_1261 = arith.constant 0 : i32
    %broadcast_in_dim3A_1262 = vector.broadcast %jit3A_1261 : i32 to vector<16xi32>
    %select_n3A_1263 = arith.select %ge3A_1260, %gather3A, %broadcast_in_dim3A_1262 : vector<16xi1>, vector<16xi32>
    %add3A_1264 = arith.addi %sub3A_1251, %select_n3A_1263 : vector<16xi32>
    %ge3A_1265 = arith.cmpi sge, %add3A_1250, %add3A_57 : vector<16xi32>
    %sub3A_1266 = arith.constant 4096 : i32
    %sub3A_1267 = vector.broadcast %sub3A_1266 : i32 to vector<16xi32>
    %sub3A_1268 = arith.subi %sub3A_1267, %gather3A_6 : vector<16xi32>
    %jit3A_1269 = arith.constant 0 : i32
    %broadcast_in_dim3A_1270 = vector.broadcast %jit3A_1269 : i32 to vector<16xi32>
    %select_n3A_1271 = arith.select %ge3A_1265, %sub3A_1268, %broadcast_in_dim3A_1270 : vector<16xi1>, vector<16xi32>
    %add3A_1272 = arith.addi %add3A_1259, %select_n3A_1271 : vector<16xi32>
    %ge3A_1273 = arith.cmpi sge, %sub3A_1251, %add3A_56 : vector<16xi32>
    %jit3A_1274 = arith.constant 0 : i32
    %broadcast_in_dim3A_1275 = vector.broadcast %jit3A_1274 : i32 to vector<16xi32>
    %select_n3A_1276 = arith.select %ge3A_1273, %gather3A_6, %broadcast_in_dim3A_1275 : vector<16xi1>, vector<16xi32>
    %add3A_1277 = arith.addi %add3A_1264, %select_n3A_1276 : vector<16xi32>
    %ge3A_1278 = arith.cmpi sge, %add3A_1250, %add3A_62 : vector<16xi32>
    %sub3A_1279 = arith.constant 4096 : i32
    %sub3A_1280 = vector.broadcast %sub3A_1279 : i32 to vector<16xi32>
    %sub3A_1281 = arith.subi %sub3A_1280, %gather3A_9 : vector<16xi32>
    %jit3A_1282 = arith.constant 0 : i32
    %broadcast_in_dim3A_1283 = vector.broadcast %jit3A_1282 : i32 to vector<16xi32>
    %select_n3A_1284 = arith.select %ge3A_1278, %sub3A_1281, %broadcast_in_dim3A_1283 : vector<16xi1>, vector<16xi32>
    %add3A_1285 = arith.addi %add3A_1272, %select_n3A_1284 : vector<16xi32>
    %ge3A_1286 = arith.cmpi sge, %sub3A_1251, %add3A_61 : vector<16xi32>
    %jit3A_1287 = arith.constant 0 : i32
    %broadcast_in_dim3A_1288 = vector.broadcast %jit3A_1287 : i32 to vector<16xi32>
    %select_n3A_1289 = arith.select %ge3A_1286, %gather3A_9, %broadcast_in_dim3A_1288 : vector<16xi1>, vector<16xi32>
    %add3A_1290 = arith.addi %add3A_1277, %select_n3A_1289 : vector<16xi32>
    %ge3A_1291 = arith.cmpi sge, %add3A_1250, %add3A_67 : vector<16xi32>
    %sub3A_1292 = arith.constant 4096 : i32
    %sub3A_1293 = vector.broadcast %sub3A_1292 : i32 to vector<16xi32>
    %sub3A_1294 = arith.subi %sub3A_1293, %gather3A_12 : vector<16xi32>
    %jit3A_1295 = arith.constant 0 : i32
    %broadcast_in_dim3A_1296 = vector.broadcast %jit3A_1295 : i32 to vector<16xi32>
    %select_n3A_1297 = arith.select %ge3A_1291, %sub3A_1294, %broadcast_in_dim3A_1296 : vector<16xi1>, vector<16xi32>
    %add3A_1298 = arith.addi %add3A_1285, %select_n3A_1297 : vector<16xi32>
    %ge3A_1299 = arith.cmpi sge, %sub3A_1251, %add3A_66 : vector<16xi32>
    %jit3A_1300 = arith.constant 0 : i32
    %broadcast_in_dim3A_1301 = vector.broadcast %jit3A_1300 : i32 to vector<16xi32>
    %select_n3A_1302 = arith.select %ge3A_1299, %gather3A_12, %broadcast_in_dim3A_1301 : vector<16xi1>, vector<16xi32>
    %add3A_1303 = arith.addi %add3A_1290, %select_n3A_1302 : vector<16xi32>
    %ge3A_1304 = arith.cmpi sge, %add3A_1250, %add3A_72 : vector<16xi32>
    %sub3A_1305 = arith.constant 4096 : i32
    %sub3A_1306 = vector.broadcast %sub3A_1305 : i32 to vector<16xi32>
    %sub3A_1307 = arith.subi %sub3A_1306, %gather3A_15 : vector<16xi32>
    %jit3A_1308 = arith.constant 0 : i32
    %broadcast_in_dim3A_1309 = vector.broadcast %jit3A_1308 : i32 to vector<16xi32>
    %select_n3A_1310 = arith.select %ge3A_1304, %sub3A_1307, %broadcast_in_dim3A_1309 : vector<16xi1>, vector<16xi32>
    %add3A_1311 = arith.addi %add3A_1298, %select_n3A_1310 : vector<16xi32>
    %ge3A_1312 = arith.cmpi sge, %sub3A_1251, %add3A_71 : vector<16xi32>
    %jit3A_1313 = arith.constant 0 : i32
    %broadcast_in_dim3A_1314 = vector.broadcast %jit3A_1313 : i32 to vector<16xi32>
    %select_n3A_1315 = arith.select %ge3A_1312, %gather3A_15, %broadcast_in_dim3A_1314 : vector<16xi1>, vector<16xi32>
    %add3A_1316 = arith.addi %add3A_1303, %select_n3A_1315 : vector<16xi32>
    %ge3A_1317 = arith.cmpi sge, %add3A_1250, %add3A_77 : vector<16xi32>
    %sub3A_1318 = arith.constant 4096 : i32
    %sub3A_1319 = vector.broadcast %sub3A_1318 : i32 to vector<16xi32>
    %sub3A_1320 = arith.subi %sub3A_1319, %gather3A_18 : vector<16xi32>
    %jit3A_1321 = arith.constant 0 : i32
    %broadcast_in_dim3A_1322 = vector.broadcast %jit3A_1321 : i32 to vector<16xi32>
    %select_n3A_1323 = arith.select %ge3A_1317, %sub3A_1320, %broadcast_in_dim3A_1322 : vector<16xi1>, vector<16xi32>
    %add3A_1324 = arith.addi %add3A_1311, %select_n3A_1323 : vector<16xi32>
    %ge3A_1325 = arith.cmpi sge, %sub3A_1251, %add3A_76 : vector<16xi32>
    %jit3A_1326 = arith.constant 0 : i32
    %broadcast_in_dim3A_1327 = vector.broadcast %jit3A_1326 : i32 to vector<16xi32>
    %select_n3A_1328 = arith.select %ge3A_1325, %gather3A_18, %broadcast_in_dim3A_1327 : vector<16xi1>, vector<16xi32>
    %add3A_1329 = arith.addi %add3A_1316, %select_n3A_1328 : vector<16xi32>
    %ge3A_1330 = arith.cmpi sge, %add3A_1250, %add3A_82 : vector<16xi32>
    %sub3A_1331 = arith.constant 4096 : i32
    %sub3A_1332 = vector.broadcast %sub3A_1331 : i32 to vector<16xi32>
    %sub3A_1333 = arith.subi %sub3A_1332, %gather3A_21 : vector<16xi32>
    %jit3A_1334 = arith.constant 0 : i32
    %broadcast_in_dim3A_1335 = vector.broadcast %jit3A_1334 : i32 to vector<16xi32>
    %select_n3A_1336 = arith.select %ge3A_1330, %sub3A_1333, %broadcast_in_dim3A_1335 : vector<16xi1>, vector<16xi32>
    %add3A_1337 = arith.addi %add3A_1324, %select_n3A_1336 : vector<16xi32>
    %ge3A_1338 = arith.cmpi sge, %sub3A_1251, %add3A_81 : vector<16xi32>
    %jit3A_1339 = arith.constant 0 : i32
    %broadcast_in_dim3A_1340 = vector.broadcast %jit3A_1339 : i32 to vector<16xi32>
    %select_n3A_1341 = arith.select %ge3A_1338, %gather3A_21, %broadcast_in_dim3A_1340 : vector<16xi1>, vector<16xi32>
    %add3A_1342 = arith.addi %add3A_1329, %select_n3A_1341 : vector<16xi32>
    %ge3A_1343 = arith.cmpi sge, %add3A_1250, %add3A_87 : vector<16xi32>
    %sub3A_1344 = arith.constant 4096 : i32
    %sub3A_1345 = vector.broadcast %sub3A_1344 : i32 to vector<16xi32>
    %sub3A_1346 = arith.subi %sub3A_1345, %gather3A_24 : vector<16xi32>
    %jit3A_1347 = arith.constant 0 : i32
    %broadcast_in_dim3A_1348 = vector.broadcast %jit3A_1347 : i32 to vector<16xi32>
    %select_n3A_1349 = arith.select %ge3A_1343, %sub3A_1346, %broadcast_in_dim3A_1348 : vector<16xi1>, vector<16xi32>
    %add3A_1350 = arith.addi %add3A_1337, %select_n3A_1349 : vector<16xi32>
    %ge3A_1351 = arith.cmpi sge, %sub3A_1251, %add3A_86 : vector<16xi32>
    %jit3A_1352 = arith.constant 0 : i32
    %broadcast_in_dim3A_1353 = vector.broadcast %jit3A_1352 : i32 to vector<16xi32>
    %select_n3A_1354 = arith.select %ge3A_1351, %gather3A_24, %broadcast_in_dim3A_1353 : vector<16xi1>, vector<16xi32>
    %add3A_1355 = arith.addi %add3A_1342, %select_n3A_1354 : vector<16xi32>
    %ge3A_1356 = arith.cmpi sge, %add3A_1250, %add3A_92 : vector<16xi32>
    %sub3A_1357 = arith.constant 4096 : i32
    %sub3A_1358 = vector.broadcast %sub3A_1357 : i32 to vector<16xi32>
    %sub3A_1359 = arith.subi %sub3A_1358, %gather3A_27 : vector<16xi32>
    %jit3A_1360 = arith.constant 0 : i32
    %broadcast_in_dim3A_1361 = vector.broadcast %jit3A_1360 : i32 to vector<16xi32>
    %select_n3A_1362 = arith.select %ge3A_1356, %sub3A_1359, %broadcast_in_dim3A_1361 : vector<16xi1>, vector<16xi32>
    %add3A_1363 = arith.addi %add3A_1350, %select_n3A_1362 : vector<16xi32>
    %ge3A_1364 = arith.cmpi sge, %sub3A_1251, %add3A_91 : vector<16xi32>
    %jit3A_1365 = arith.constant 0 : i32
    %broadcast_in_dim3A_1366 = vector.broadcast %jit3A_1365 : i32 to vector<16xi32>
    %select_n3A_1367 = arith.select %ge3A_1364, %gather3A_27, %broadcast_in_dim3A_1366 : vector<16xi1>, vector<16xi32>
    %add3A_1368 = arith.addi %add3A_1355, %select_n3A_1367 : vector<16xi32>
    %ge3A_1369 = arith.cmpi sge, %add3A_1250, %add3A_97 : vector<16xi32>
    %sub3A_1370 = arith.constant 4096 : i32
    %sub3A_1371 = vector.broadcast %sub3A_1370 : i32 to vector<16xi32>
    %sub3A_1372 = arith.subi %sub3A_1371, %gather3A_30 : vector<16xi32>
    %jit3A_1373 = arith.constant 0 : i32
    %broadcast_in_dim3A_1374 = vector.broadcast %jit3A_1373 : i32 to vector<16xi32>
    %select_n3A_1375 = arith.select %ge3A_1369, %sub3A_1372, %broadcast_in_dim3A_1374 : vector<16xi1>, vector<16xi32>
    %add3A_1376 = arith.addi %add3A_1363, %select_n3A_1375 : vector<16xi32>
    %ge3A_1377 = arith.cmpi sge, %sub3A_1251, %add3A_96 : vector<16xi32>
    %jit3A_1378 = arith.constant 0 : i32
    %broadcast_in_dim3A_1379 = vector.broadcast %jit3A_1378 : i32 to vector<16xi32>
    %select_n3A_1380 = arith.select %ge3A_1377, %gather3A_30, %broadcast_in_dim3A_1379 : vector<16xi1>, vector<16xi32>
    %add3A_1381 = arith.addi %add3A_1368, %select_n3A_1380 : vector<16xi32>
    %ge3A_1382 = arith.cmpi sge, %add3A_1250, %add3A_102 : vector<16xi32>
    %sub3A_1383 = arith.constant 4096 : i32
    %sub3A_1384 = vector.broadcast %sub3A_1383 : i32 to vector<16xi32>
    %sub3A_1385 = arith.subi %sub3A_1384, %gather3A_33 : vector<16xi32>
    %jit3A_1386 = arith.constant 0 : i32
    %broadcast_in_dim3A_1387 = vector.broadcast %jit3A_1386 : i32 to vector<16xi32>
    %select_n3A_1388 = arith.select %ge3A_1382, %sub3A_1385, %broadcast_in_dim3A_1387 : vector<16xi1>, vector<16xi32>
    %add3A_1389 = arith.addi %add3A_1376, %select_n3A_1388 : vector<16xi32>
    %ge3A_1390 = arith.cmpi sge, %sub3A_1251, %add3A_101 : vector<16xi32>
    %jit3A_1391 = arith.constant 0 : i32
    %broadcast_in_dim3A_1392 = vector.broadcast %jit3A_1391 : i32 to vector<16xi32>
    %select_n3A_1393 = arith.select %ge3A_1390, %gather3A_33, %broadcast_in_dim3A_1392 : vector<16xi1>, vector<16xi32>
    %add3A_1394 = arith.addi %add3A_1381, %select_n3A_1393 : vector<16xi32>
    %ge3A_1395 = arith.cmpi sge, %add3A_1250, %add3A_107 : vector<16xi32>
    %sub3A_1396 = arith.constant 4096 : i32
    %sub3A_1397 = vector.broadcast %sub3A_1396 : i32 to vector<16xi32>
    %sub3A_1398 = arith.subi %sub3A_1397, %gather3A_36 : vector<16xi32>
    %jit3A_1399 = arith.constant 0 : i32
    %broadcast_in_dim3A_1400 = vector.broadcast %jit3A_1399 : i32 to vector<16xi32>
    %select_n3A_1401 = arith.select %ge3A_1395, %sub3A_1398, %broadcast_in_dim3A_1400 : vector<16xi1>, vector<16xi32>
    %add3A_1402 = arith.addi %add3A_1389, %select_n3A_1401 : vector<16xi32>
    %ge3A_1403 = arith.cmpi sge, %sub3A_1251, %add3A_106 : vector<16xi32>
    %jit3A_1404 = arith.constant 0 : i32
    %broadcast_in_dim3A_1405 = vector.broadcast %jit3A_1404 : i32 to vector<16xi32>
    %select_n3A_1406 = arith.select %ge3A_1403, %gather3A_36, %broadcast_in_dim3A_1405 : vector<16xi1>, vector<16xi32>
    %add3A_1407 = arith.addi %add3A_1394, %select_n3A_1406 : vector<16xi32>
    %ge3A_1408 = arith.cmpi sge, %add3A_1250, %add3A_112 : vector<16xi32>
    %sub3A_1409 = arith.constant 4096 : i32
    %sub3A_1410 = vector.broadcast %sub3A_1409 : i32 to vector<16xi32>
    %sub3A_1411 = arith.subi %sub3A_1410, %gather3A_39 : vector<16xi32>
    %jit3A_1412 = arith.constant 0 : i32
    %broadcast_in_dim3A_1413 = vector.broadcast %jit3A_1412 : i32 to vector<16xi32>
    %select_n3A_1414 = arith.select %ge3A_1408, %sub3A_1411, %broadcast_in_dim3A_1413 : vector<16xi1>, vector<16xi32>
    %add3A_1415 = arith.addi %add3A_1402, %select_n3A_1414 : vector<16xi32>
    %ge3A_1416 = arith.cmpi sge, %sub3A_1251, %add3A_111 : vector<16xi32>
    %jit3A_1417 = arith.constant 0 : i32
    %broadcast_in_dim3A_1418 = vector.broadcast %jit3A_1417 : i32 to vector<16xi32>
    %select_n3A_1419 = arith.select %ge3A_1416, %gather3A_39, %broadcast_in_dim3A_1418 : vector<16xi1>, vector<16xi32>
    %add3A_1420 = arith.addi %add3A_1407, %select_n3A_1419 : vector<16xi32>
    %ge3A_1421 = arith.cmpi sge, %add3A_1250, %add3A_117 : vector<16xi32>
    %sub3A_1422 = arith.constant 4096 : i32
    %sub3A_1423 = vector.broadcast %sub3A_1422 : i32 to vector<16xi32>
    %sub3A_1424 = arith.subi %sub3A_1423, %gather3A_42 : vector<16xi32>
    %jit3A_1425 = arith.constant 0 : i32
    %broadcast_in_dim3A_1426 = vector.broadcast %jit3A_1425 : i32 to vector<16xi32>
    %select_n3A_1427 = arith.select %ge3A_1421, %sub3A_1424, %broadcast_in_dim3A_1426 : vector<16xi1>, vector<16xi32>
    %add3A_1428 = arith.addi %add3A_1415, %select_n3A_1427 : vector<16xi32>
    %ge3A_1429 = arith.cmpi sge, %sub3A_1251, %add3A_116 : vector<16xi32>
    %jit3A_1430 = arith.constant 0 : i32
    %broadcast_in_dim3A_1431 = vector.broadcast %jit3A_1430 : i32 to vector<16xi32>
    %select_n3A_1432 = arith.select %ge3A_1429, %gather3A_42, %broadcast_in_dim3A_1431 : vector<16xi1>, vector<16xi32>
    %add3A_1433 = arith.addi %add3A_1420, %select_n3A_1432 : vector<16xi32>
    %ge3A_1434 = arith.cmpi sge, %add3A_1250, %add3A_122 : vector<16xi32>
    %sub3A_1435 = arith.constant 4096 : i32
    %sub3A_1436 = vector.broadcast %sub3A_1435 : i32 to vector<16xi32>
    %sub3A_1437 = arith.subi %sub3A_1436, %gather3A_45 : vector<16xi32>
    %jit3A_1438 = arith.constant 0 : i32
    %broadcast_in_dim3A_1439 = vector.broadcast %jit3A_1438 : i32 to vector<16xi32>
    %select_n3A_1440 = arith.select %ge3A_1434, %sub3A_1437, %broadcast_in_dim3A_1439 : vector<16xi1>, vector<16xi32>
    %add3A_1441 = arith.addi %add3A_1428, %select_n3A_1440 : vector<16xi32>
    %ge3A_1442 = arith.cmpi sge, %sub3A_1251, %add3A_121 : vector<16xi32>
    %jit3A_1443 = arith.constant 0 : i32
    %broadcast_in_dim3A_1444 = vector.broadcast %jit3A_1443 : i32 to vector<16xi32>
    %select_n3A_1445 = arith.select %ge3A_1442, %gather3A_45, %broadcast_in_dim3A_1444 : vector<16xi1>, vector<16xi32>
    %add3A_1446 = arith.addi %add3A_1433, %select_n3A_1445 : vector<16xi32>
    %ge3A_1447 = arith.cmpi sge, %add3A_1250, %add3A_127 : vector<16xi32>
    %sub3A_1448 = arith.constant 4096 : i32
    %sub3A_1449 = vector.broadcast %sub3A_1448 : i32 to vector<16xi32>
    %sub3A_1450 = arith.subi %sub3A_1449, %gather3A_48 : vector<16xi32>
    %jit3A_1451 = arith.constant 0 : i32
    %broadcast_in_dim3A_1452 = vector.broadcast %jit3A_1451 : i32 to vector<16xi32>
    %select_n3A_1453 = arith.select %ge3A_1447, %sub3A_1450, %broadcast_in_dim3A_1452 : vector<16xi1>, vector<16xi32>
    %add3A_1454 = arith.addi %add3A_1441, %select_n3A_1453 : vector<16xi32>
    %ge3A_1455 = arith.cmpi sge, %sub3A_1251, %add3A_126 : vector<16xi32>
    %jit3A_1456 = arith.constant 0 : i32
    %broadcast_in_dim3A_1457 = vector.broadcast %jit3A_1456 : i32 to vector<16xi32>
    %select_n3A_1458 = arith.select %ge3A_1455, %gather3A_48, %broadcast_in_dim3A_1457 : vector<16xi1>, vector<16xi32>
    %add3A_1459 = arith.addi %add3A_1446, %select_n3A_1458 : vector<16xi32>
    %lt3A_1460 = arith.cmpi slt, %add3A_1250, %add3A_127 : vector<16xi32>
    %select_n3A_1461 = arith.select %lt3A_1460, %add3A_1454, %add3A_1459 : vector<16xi1>, vector<16xi32>
    %swap3A_1462 = arith.constant 2 : i32
    %swap3A_1463 = arith.index_cast %swap3A_1462 : i32 to index
    %swap3A_1464 = arith.constant 16 : index
    %swap3A_1465 = tpu.vector_load %arg6[%swap3A_1463, %swap3A_1464] {strides = array<i32>} : memref<64x32xi32, #tpu.memory_space<vmem>>, vector<16xi32>,
    tpu.vector_store %arg6[%swap3A_1463, %swap3A_1464], %select_n3A_1461 {strides = array<i32>} : memref<64x32xi32, #tpu.memory_space<vmem>>, vector<16xi32>,
    %dma_start3A_1466 = arith.constant 2 : i32
    %dma_start3A_1467 = arith.constant 0 : i32
    %dma_start3A_1468 = tpu.memref_slice %arg6[%dma_start3A_1466, %dma_start3A_1467] : memref<64x32xi32, #tpu.memory_space<vmem>> -> memref<1x32xi32, #tpu.memory_space<vmem>>
    %dma_start3A_1469 = tpu.memref_squeeze %dma_start3A_1468 : memref<1x32xi32, #tpu.memory_space<vmem>> -> memref<32xi32, #tpu.memory_space<vmem>>
    %dma_start3A_1470 = arith.constant 0 : i32
    %dma_start3A_1471 = arith.constant 0 : i32
    %dma_start3A_1472 = tpu.memref_slice %arg2[%dma_start3A_1470, %dma_start3A_1471] : memref<65536x512xf32, #tpu.memory_space<hbm>> -> memref<65536x512xf32, #tpu.memory_space<hbm>>
    tpu.enqueue_indirect_dma source(%dma_start3A_1472 : memref<65536x512xf32, #tpu.memory_space<hbm>>) target(%arg9 : memref<32x512xf32, #tpu.memory_space<vmem>>) offsets(%dma_start3A_1469 : memref<32xi32, #tpu.memory_space<vmem>>) semaphore(%arg13 : memref<!tpu.dma_semaphore, #tpu.memory_space<semaphore_mem>>)
    %add3A_1473 = arith.constant 96 : i32
    %add3A_1474 = arith.addi %mul3A_2, %add3A_1473 : i32
    %add3A_1475 = arith.constant 0 : i32
    %add3A_1476 = arith.addi %add3A_1474, %add3A_1475 : i32
    %add3A_1477 = vector.broadcast %add3A_1476 : i32 to vector<16xi32>
    %add3A_1478 = arith.addi %add3A_1477, %iota3A : vector<16xi32>
    %sub3A_1479 = arith.subi %add3A_1478, %add3A_127 : vector<16xi32>
    %ge3A_1480 = arith.cmpi sge, %add3A_1478, %add3A_53 : vector<16xi32>
    %sub3A_1481 = arith.constant 4096 : i32
    %sub3A_1482 = vector.broadcast %sub3A_1481 : i32 to vector<16xi32>
    %sub3A_1483 = arith.subi %sub3A_1482, %gather3A : vector<16xi32>
    %jit3A_1484 = arith.constant 0 : i32
    %broadcast_in_dim3A_1485 = vector.broadcast %jit3A_1484 : i32 to vector<16xi32>
    %select_n3A_1486 = arith.select %ge3A_1480, %sub3A_1483, %broadcast_in_dim3A_1485 : vector<16xi1>, vector<16xi32>
    %add3A_1487 = arith.addi %add3A_1478, %select_n3A_1486 : vector<16xi32>
    %ge3A_1488 = arith.cmpi sge, %sub3A_1479, %broadcast_in_dim3A_52 : vector<16xi32>
    %jit3A_1489 = arith.constant 0 : i32
    %broadcast_in_dim3A_1490 = vector.broadcast %jit3A_1489 : i32 to vector<16xi32>
    %select_n3A_1491 = arith.select %ge3A_1488, %gather3A, %broadcast_in_dim3A_1490 : vector<16xi1>, vector<16xi32>
    %add3A_1492 = arith.addi %sub3A_1479, %select_n3A_1491 : vector<16xi32>
    %ge3A_1493 = arith.cmpi sge, %add3A_1478, %add3A_57 : vector<16xi32>
    %sub3A_1494 = arith.constant 4096 : i32
    %sub3A_1495 = vector.broadcast %sub3A_1494 : i32 to vector<16xi32>
    %sub3A_1496 = arith.subi %sub3A_1495, %gather3A_6 : vector<16xi32>
    %jit3A_1497 = arith.constant 0 : i32
    %broadcast_in_dim3A_1498 = vector.broadcast %jit3A_1497 : i32 to vector<16xi32>
    %select_n3A_1499 = arith.select %ge3A_1493, %sub3A_1496, %broadcast_in_dim3A_1498 : vector<16xi1>, vector<16xi32>
    %add3A_1500 = arith.addi %add3A_1487, %select_n3A_1499 : vector<16xi32>
    %ge3A_1501 = arith.cmpi sge, %sub3A_1479, %add3A_56 : vector<16xi32>
    %jit3A_1502 = arith.constant 0 : i32
    %broadcast_in_dim3A_1503 = vector.broadcast %jit3A_1502 : i32 to vector<16xi32>
    %select_n3A_1504 = arith.select %ge3A_1501, %gather3A_6, %broadcast_in_dim3A_1503 : vector<16xi1>, vector<16xi32>
    %add3A_1505 = arith.addi %add3A_1492, %select_n3A_1504 : vector<16xi32>
    %ge3A_1506 = arith.cmpi sge, %add3A_1478, %add3A_62 : vector<16xi32>
    %sub3A_1507 = arith.constant 4096 : i32
    %sub3A_1508 = vector.broadcast %sub3A_1507 : i32 to vector<16xi32>
    %sub3A_1509 = arith.subi %sub3A_1508, %gather3A_9 : vector<16xi32>
    %jit3A_1510 = arith.constant 0 : i32
    %broadcast_in_dim3A_1511 = vector.broadcast %jit3A_1510 : i32 to vector<16xi32>
    %select_n3A_1512 = arith.select %ge3A_1506, %sub3A_1509, %broadcast_in_dim3A_1511 : vector<16xi1>, vector<16xi32>
    %add3A_1513 = arith.addi %add3A_1500, %select_n3A_1512 : vector<16xi32>
    %ge3A_1514 = arith.cmpi sge, %sub3A_1479, %add3A_61 : vector<16xi32>
    %jit3A_1515 = arith.constant 0 : i32
    %broadcast_in_dim3A_1516 = vector.broadcast %jit3A_1515 : i32 to vector<16xi32>
    %select_n3A_1517 = arith.select %ge3A_1514, %gather3A_9, %broadcast_in_dim3A_1516 : vector<16xi1>, vector<16xi32>
    %add3A_1518 = arith.addi %add3A_1505, %select_n3A_1517 : vector<16xi32>
    %ge3A_1519 = arith.cmpi sge, %add3A_1478, %add3A_67 : vector<16xi32>
    %sub3A_1520 = arith.constant 4096 : i32
    %sub3A_1521 = vector.broadcast %sub3A_1520 : i32 to vector<16xi32>
    %sub3A_1522 = arith.subi %sub3A_1521, %gather3A_12 : vector<16xi32>
    %jit3A_1523 = arith.constant 0 : i32
    %broadcast_in_dim3A_1524 = vector.broadcast %jit3A_1523 : i32 to vector<16xi32>
    %select_n3A_1525 = arith.select %ge3A_1519, %sub3A_1522, %broadcast_in_dim3A_1524 : vector<16xi1>, vector<16xi32>
    %add3A_1526 = arith.addi %add3A_1513, %select_n3A_1525 : vector<16xi32>
    %ge3A_1527 = arith.cmpi sge, %sub3A_1479, %add3A_66 : vector<16xi32>
    %jit3A_1528 = arith.constant 0 : i32
    %broadcast_in_dim3A_1529 = vector.broadcast %jit3A_1528 : i32 to vector<16xi32>
    %select_n3A_1530 = arith.select %ge3A_1527, %gather3A_12, %broadcast_in_dim3A_1529 : vector<16xi1>, vector<16xi32>
    %add3A_1531 = arith.addi %add3A_1518, %select_n3A_1530 : vector<16xi32>
    %ge3A_1532 = arith.cmpi sge, %add3A_1478, %add3A_72 : vector<16xi32>
    %sub3A_1533 = arith.constant 4096 : i32
    %sub3A_1534 = vector.broadcast %sub3A_1533 : i32 to vector<16xi32>
    %sub3A_1535 = arith.subi %sub3A_1534, %gather3A_15 : vector<16xi32>
    %jit3A_1536 = arith.constant 0 : i32
    %broadcast_in_dim3A_1537 = vector.broadcast %jit3A_1536 : i32 to vector<16xi32>
    %select_n3A_1538 = arith.select %ge3A_1532, %sub3A_1535, %broadcast_in_dim3A_1537 : vector<16xi1>, vector<16xi32>
    %add3A_1539 = arith.addi %add3A_1526, %select_n3A_1538 : vector<16xi32>
    %ge3A_1540 = arith.cmpi sge, %sub3A_1479, %add3A_71 : vector<16xi32>
    %jit3A_1541 = arith.constant 0 : i32
    %broadcast_in_dim3A_1542 = vector.broadcast %jit3A_1541 : i32 to vector<16xi32>
    %select_n3A_1543 = arith.select %ge3A_1540, %gather3A_15, %broadcast_in_dim3A_1542 : vector<16xi1>, vector<16xi32>
    %add3A_1544 = arith.addi %add3A_1531, %select_n3A_1543 : vector<16xi32>
    %ge3A_1545 = arith.cmpi sge, %add3A_1478, %add3A_77 : vector<16xi32>
    %sub3A_1546 = arith.constant 4096 : i32
    %sub3A_1547 = vector.broadcast %sub3A_1546 : i32 to vector<16xi32>
    %sub3A_1548 = arith.subi %sub3A_1547, %gather3A_18 : vector<16xi32>
    %jit3A_1549 = arith.constant 0 : i32
    %broadcast_in_dim3A_1550 = vector.broadcast %jit3A_1549 : i32 to vector<16xi32>
    %select_n3A_1551 = arith.select %ge3A_1545, %sub3A_1548, %broadcast_in_dim3A_1550 : vector<16xi1>, vector<16xi32>
    %add3A_1552 = arith.addi %add3A_1539, %select_n3A_1551 : vector<16xi32>
    %ge3A_1553 = arith.cmpi sge, %sub3A_1479, %add3A_76 : vector<16xi32>
    %jit3A_1554 = arith.constant 0 : i32
    %broadcast_in_dim3A_1555 = vector.broadcast %jit3A_1554 : i32 to vector<16xi32>
    %select_n3A_1556 = arith.select %ge3A_1553, %gather3A_18, %broadcast_in_dim3A_1555 : vector<16xi1>, vector<16xi32>
    %add3A_1557 = arith.addi %add3A_1544, %select_n3A_1556 : vector<16xi32>
    %ge3A_1558 = arith.cmpi sge, %add3A_1478, %add3A_82 : vector<16xi32>
    %sub3A_1559 = arith.constant 4096 : i32
    %sub3A_1560 = vector.broadcast %sub3A_1559 : i32 to vector<16xi32>
    %sub3A_1561 = arith.subi %sub3A_1560, %gather3A_21 : vector<16xi32>
    %jit3A_1562 = arith.constant 0 : i32
    %broadcast_in_dim3A_1563 = vector.broadcast %jit3A_1562 : i32 to vector<16xi32>
    %select_n3A_1564 = arith.select %ge3A_1558, %sub3A_1561, %broadcast_in_dim3A_1563 : vector<16xi1>, vector<16xi32>
    %add3A_1565 = arith.addi %add3A_1552, %select_n3A_1564 : vector<16xi32>
    %ge3A_1566 = arith.cmpi sge, %sub3A_1479, %add3A_81 : vector<16xi32>
    %jit3A_1567 = arith.constant 0 : i32
    %broadcast_in_dim3A_1568 = vector.broadcast %jit3A_1567 : i32 to vector<16xi32>
    %select_n3A_1569 = arith.select %ge3A_1566, %gather3A_21, %broadcast_in_dim3A_1568 : vector<16xi1>, vector<16xi32>
    %add3A_1570 = arith.addi %add3A_1557, %select_n3A_1569 : vector<16xi32>
    %ge3A_1571 = arith.cmpi sge, %add3A_1478, %add3A_87 : vector<16xi32>
    %sub3A_1572 = arith.constant 4096 : i32
    %sub3A_1573 = vector.broadcast %sub3A_1572 : i32 to vector<16xi32>
    %sub3A_1574 = arith.subi %sub3A_1573, %gather3A_24 : vector<16xi32>
    %jit3A_1575 = arith.constant 0 : i32
    %broadcast_in_dim3A_1576 = vector.broadcast %jit3A_1575 : i32 to vector<16xi32>
    %select_n3A_1577 = arith.select %ge3A_1571, %sub3A_1574, %broadcast_in_dim3A_1576 : vector<16xi1>, vector<16xi32>
    %add3A_1578 = arith.addi %add3A_1565, %select_n3A_1577 : vector<16xi32>
    %ge3A_1579 = arith.cmpi sge, %sub3A_1479, %add3A_86 : vector<16xi32>
    %jit3A_1580 = arith.constant 0 : i32
    %broadcast_in_dim3A_1581 = vector.broadcast %jit3A_1580 : i32 to vector<16xi32>
    %select_n3A_1582 = arith.select %ge3A_1579, %gather3A_24, %broadcast_in_dim3A_1581 : vector<16xi1>, vector<16xi32>
    %add3A_1583 = arith.addi %add3A_1570, %select_n3A_1582 : vector<16xi32>
    %ge3A_1584 = arith.cmpi sge, %add3A_1478, %add3A_92 : vector<16xi32>
    %sub3A_1585 = arith.constant 4096 : i32
    %sub3A_1586 = vector.broadcast %sub3A_1585 : i32 to vector<16xi32>
    %sub3A_1587 = arith.subi %sub3A_1586, %gather3A_27 : vector<16xi32>
    %jit3A_1588 = arith.constant 0 : i32
    %broadcast_in_dim3A_1589 = vector.broadcast %jit3A_1588 : i32 to vector<16xi32>
    %select_n3A_1590 = arith.select %ge3A_1584, %sub3A_1587, %broadcast_in_dim3A_1589 : vector<16xi1>, vector<16xi32>
    %add3A_1591 = arith.addi %add3A_1578, %select_n3A_1590 : vector<16xi32>
    %ge3A_1592 = arith.cmpi sge, %sub3A_1479, %add3A_91 : vector<16xi32>
    %jit3A_1593 = arith.constant 0 : i32
    %broadcast_in_dim3A_1594 = vector.broadcast %jit3A_1593 : i32 to vector<16xi32>
    %select_n3A_1595 = arith.select %ge3A_1592, %gather3A_27, %broadcast_in_dim3A_1594 : vector<16xi1>, vector<16xi32>
    %add3A_1596 = arith.addi %add3A_1583, %select_n3A_1595 : vector<16xi32>
    %ge3A_1597 = arith.cmpi sge, %add3A_1478, %add3A_97 : vector<16xi32>
    %sub3A_1598 = arith.constant 4096 : i32
    %sub3A_1599 = vector.broadcast %sub3A_1598 : i32 to vector<16xi32>
    %sub3A_1600 = arith.subi %sub3A_1599, %gather3A_30 : vector<16xi32>
    %jit3A_1601 = arith.constant 0 : i32
    %broadcast_in_dim3A_1602 = vector.broadcast %jit3A_1601 : i32 to vector<16xi32>
    %select_n3A_1603 = arith.select %ge3A_1597, %sub3A_1600, %broadcast_in_dim3A_1602 : vector<16xi1>, vector<16xi32>
    %add3A_1604 = arith.addi %add3A_1591, %select_n3A_1603 : vector<16xi32>
    %ge3A_1605 = arith.cmpi sge, %sub3A_1479, %add3A_96 : vector<16xi32>
    %jit3A_1606 = arith.constant 0 : i32
    %broadcast_in_dim3A_1607 = vector.broadcast %jit3A_1606 : i32 to vector<16xi32>
    %select_n3A_1608 = arith.select %ge3A_1605, %gather3A_30, %broadcast_in_dim3A_1607 : vector<16xi1>, vector<16xi32>
    %add3A_1609 = arith.addi %add3A_1596, %select_n3A_1608 : vector<16xi32>
    %ge3A_1610 = arith.cmpi sge, %add3A_1478, %add3A_102 : vector<16xi32>
    %sub3A_1611 = arith.constant 4096 : i32
    %sub3A_1612 = vector.broadcast %sub3A_1611 : i32 to vector<16xi32>
    %sub3A_1613 = arith.subi %sub3A_1612, %gather3A_33 : vector<16xi32>
    %jit3A_1614 = arith.constant 0 : i32
    %broadcast_in_dim3A_1615 = vector.broadcast %jit3A_1614 : i32 to vector<16xi32>
    %select_n3A_1616 = arith.select %ge3A_1610, %sub3A_1613, %broadcast_in_dim3A_1615 : vector<16xi1>, vector<16xi32>
    %add3A_1617 = arith.addi %add3A_1604, %select_n3A_1616 : vector<16xi32>
    %ge3A_1618 = arith.cmpi sge, %sub3A_1479, %add3A_101 : vector<16xi32>
    %jit3A_1619 = arith.constant 0 : i32
    %broadcast_in_dim3A_1620 = vector.broadcast %jit3A_1619 : i32 to vector<16xi32>
    %select_n3A_1621 = arith.select %ge3A_1618, %gather3A_33, %broadcast_in_dim3A_1620 : vector<16xi1>, vector<16xi32>
    %add3A_1622 = arith.addi %add3A_1609, %select_n3A_1621 : vector<16xi32>
    %ge3A_1623 = arith.cmpi sge, %add3A_1478, %add3A_107 : vector<16xi32>
    %sub3A_1624 = arith.constant 4096 : i32
    %sub3A_1625 = vector.broadcast %sub3A_1624 : i32 to vector<16xi32>
    %sub3A_1626 = arith.subi %sub3A_1625, %gather3A_36 : vector<16xi32>
    %jit3A_1627 = arith.constant 0 : i32
    %broadcast_in_dim3A_1628 = vector.broadcast %jit3A_1627 : i32 to vector<16xi32>
    %select_n3A_1629 = arith.select %ge3A_1623, %sub3A_1626, %broadcast_in_dim3A_1628 : vector<16xi1>, vector<16xi32>
    %add3A_1630 = arith.addi %add3A_1617, %select_n3A_1629 : vector<16xi32>
    %ge3A_1631 = arith.cmpi sge, %sub3A_1479, %add3A_106 : vector<16xi32>
    %jit3A_1632 = arith.constant 0 : i32
    %broadcast_in_dim3A_1633 = vector.broadcast %jit3A_1632 : i32 to vector<16xi32>
    %select_n3A_1634 = arith.select %ge3A_1631, %gather3A_36, %broadcast_in_dim3A_1633 : vector<16xi1>, vector<16xi32>
    %add3A_1635 = arith.addi %add3A_1622, %select_n3A_1634 : vector<16xi32>
    %ge3A_1636 = arith.cmpi sge, %add3A_1478, %add3A_112 : vector<16xi32>
    %sub3A_1637 = arith.constant 4096 : i32
    %sub3A_1638 = vector.broadcast %sub3A_1637 : i32 to vector<16xi32>
    %sub3A_1639 = arith.subi %sub3A_1638, %gather3A_39 : vector<16xi32>
    %jit3A_1640 = arith.constant 0 : i32
    %broadcast_in_dim3A_1641 = vector.broadcast %jit3A_1640 : i32 to vector<16xi32>
    %select_n3A_1642 = arith.select %ge3A_1636, %sub3A_1639, %broadcast_in_dim3A_1641 : vector<16xi1>, vector<16xi32>
    %add3A_1643 = arith.addi %add3A_1630, %select_n3A_1642 : vector<16xi32>
    %ge3A_1644 = arith.cmpi sge, %sub3A_1479, %add3A_111 : vector<16xi32>
    %jit3A_1645 = arith.constant 0 : i32
    %broadcast_in_dim3A_1646 = vector.broadcast %jit3A_1645 : i32 to vector<16xi32>
    %select_n3A_1647 = arith.select %ge3A_1644, %gather3A_39, %broadcast_in_dim3A_1646 : vector<16xi1>, vector<16xi32>
    %add3A_1648 = arith.addi %add3A_1635, %select_n3A_1647 : vector<16xi32>
    %ge3A_1649 = arith.cmpi sge, %add3A_1478, %add3A_117 : vector<16xi32>
    %sub3A_1650 = arith.constant 4096 : i32
    %sub3A_1651 = vector.broadcast %sub3A_1650 : i32 to vector<16xi32>
    %sub3A_1652 = arith.subi %sub3A_1651, %gather3A_42 : vector<16xi32>
    %jit3A_1653 = arith.constant 0 : i32
    %broadcast_in_dim3A_1654 = vector.broadcast %jit3A_1653 : i32 to vector<16xi32>
    %select_n3A_1655 = arith.select %ge3A_1649, %sub3A_1652, %broadcast_in_dim3A_1654 : vector<16xi1>, vector<16xi32>
    %add3A_1656 = arith.addi %add3A_1643, %select_n3A_1655 : vector<16xi32>
    %ge3A_1657 = arith.cmpi sge, %sub3A_1479, %add3A_116 : vector<16xi32>
    %jit3A_1658 = arith.constant 0 : i32
    %broadcast_in_dim3A_1659 = vector.broadcast %jit3A_1658 : i32 to vector<16xi32>
    %select_n3A_1660 = arith.select %ge3A_1657, %gather3A_42, %broadcast_in_dim3A_1659 : vector<16xi1>, vector<16xi32>
    %add3A_1661 = arith.addi %add3A_1648, %select_n3A_1660 : vector<16xi32>
    %ge3A_1662 = arith.cmpi sge, %add3A_1478, %add3A_122 : vector<16xi32>
    %sub3A_1663 = arith.constant 4096 : i32
    %sub3A_1664 = vector.broadcast %sub3A_1663 : i32 to vector<16xi32>
    %sub3A_1665 = arith.subi %sub3A_1664, %gather3A_45 : vector<16xi32>
    %jit3A_1666 = arith.constant 0 : i32
    %broadcast_in_dim3A_1667 = vector.broadcast %jit3A_1666 : i32 to vector<16xi32>
    %select_n3A_1668 = arith.select %ge3A_1662, %sub3A_1665, %broadcast_in_dim3A_1667 : vector<16xi1>, vector<16xi32>
    %add3A_1669 = arith.addi %add3A_1656, %select_n3A_1668 : vector<16xi32>
    %ge3A_1670 = arith.cmpi sge, %sub3A_1479, %add3A_121 : vector<16xi32>
    %jit3A_1671 = arith.constant 0 : i32
    %broadcast_in_dim3A_1672 = vector.broadcast %jit3A_1671 : i32 to vector<16xi32>
    %select_n3A_1673 = arith.select %ge3A_1670, %gather3A_45, %broadcast_in_dim3A_1672 : vector<16xi1>, vector<16xi32>
    %add3A_1674 = arith.addi %add3A_1661, %select_n3A_1673 : vector<16xi32>
    %ge3A_1675 = arith.cmpi sge, %add3A_1478, %add3A_127 : vector<16xi32>
    %sub3A_1676 = arith.constant 4096 : i32
    %sub3A_1677 = vector.broadcast %sub3A_1676 : i32 to vector<16xi32>
    %sub3A_1678 = arith.subi %sub3A_1677, %gather3A_48 : vector<16xi32>
    %jit3A_1679 = arith.constant 0 : i32
    %broadcast_in_dim3A_1680 = vector.broadcast %jit3A_1679 : i32 to vector<16xi32>
    %select_n3A_1681 = arith.select %ge3A_1675, %sub3A_1678, %broadcast_in_dim3A_1680 : vector<16xi1>, vector<16xi32>
    %add3A_1682 = arith.addi %add3A_1669, %select_n3A_1681 : vector<16xi32>
    %ge3A_1683 = arith.cmpi sge, %sub3A_1479, %add3A_126 : vector<16xi32>
    %jit3A_1684 = arith.constant 0 : i32
    %broadcast_in_dim3A_1685 = vector.broadcast %jit3A_1684 : i32 to vector<16xi32>
    %select_n3A_1686 = arith.select %ge3A_1683, %gather3A_48, %broadcast_in_dim3A_1685 : vector<16xi1>, vector<16xi32>
    %add3A_1687 = arith.addi %add3A_1674, %select_n3A_1686 : vector<16xi32>
    %lt3A_1688 = arith.cmpi slt, %add3A_1478, %add3A_127 : vector<16xi32>
    %select_n3A_1689 = arith.select %lt3A_1688, %add3A_1682, %add3A_1687 : vector<16xi1>, vector<16xi32>
    %swap3A_1690 = arith.constant 3 : i32
    %swap3A_1691 = arith.index_cast %swap3A_1690 : i32 to index
    %swap3A_1692 = arith.constant 0 : index
    %swap3A_1693 = tpu.vector_load %arg6[%swap3A_1691, %swap3A_1692] {strides = array<i32>} : memref<64x32xi32, #tpu.memory_space<vmem>>, vector<16xi32>,
    tpu.vector_store %arg6[%swap3A_1691, %swap3A_1692], %select_n3A_1689 {strides = array<i32>} : memref<64x32xi32, #tpu.memory_space<vmem>>, vector<16xi32>,
    %add3A_1694 = arith.constant 96 : i32
    %add3A_1695 = arith.addi %mul3A_2, %add3A_1694 : i32
    %add3A_1696 = arith.constant 16 : i32
    %add3A_1697 = arith.addi %add3A_1695, %add3A_1696 : i32
    %add3A_1698 = vector.broadcast %add3A_1697 : i32 to vector<16xi32>
    %add3A_1699 = arith.addi %add3A_1698, %iota3A : vector<16xi32>
    %sub3A_1700 = arith.subi %add3A_1699, %add3A_127 : vector<16xi32>
    %ge3A_1701 = arith.cmpi sge, %add3A_1699, %add3A_53 : vector<16xi32>
    %sub3A_1702 = arith.constant 4096 : i32
    %sub3A_1703 = vector.broadcast %sub3A_1702 : i32 to vector<16xi32>
    %sub3A_1704 = arith.subi %sub3A_1703, %gather3A : vector<16xi32>
    %jit3A_1705 = arith.constant 0 : i32
    %broadcast_in_dim3A_1706 = vector.broadcast %jit3A_1705 : i32 to vector<16xi32>
    %select_n3A_1707 = arith.select %ge3A_1701, %sub3A_1704, %broadcast_in_dim3A_1706 : vector<16xi1>, vector<16xi32>
    %add3A_1708 = arith.addi %add3A_1699, %select_n3A_1707 : vector<16xi32>
    %ge3A_1709 = arith.cmpi sge, %sub3A_1700, %broadcast_in_dim3A_52 : vector<16xi32>
    %jit3A_1710 = arith.constant 0 : i32
    %broadcast_in_dim3A_1711 = vector.broadcast %jit3A_1710 : i32 to vector<16xi32>
    %select_n3A_1712 = arith.select %ge3A_1709, %gather3A, %broadcast_in_dim3A_1711 : vector<16xi1>, vector<16xi32>
    %add3A_1713 = arith.addi %sub3A_1700, %select_n3A_1712 : vector<16xi32>
    %ge3A_1714 = arith.cmpi sge, %add3A_1699, %add3A_57 : vector<16xi32>
    %sub3A_1715 = arith.constant 4096 : i32
    %sub3A_1716 = vector.broadcast %sub3A_1715 : i32 to vector<16xi32>
    %sub3A_1717 = arith.subi %sub3A_1716, %gather3A_6 : vector<16xi32>
    %jit3A_1718 = arith.constant 0 : i32
    %broadcast_in_dim3A_1719 = vector.broadcast %jit3A_1718 : i32 to vector<16xi32>
    %select_n3A_1720 = arith.select %ge3A_1714, %sub3A_1717, %broadcast_in_dim3A_1719 : vector<16xi1>, vector<16xi32>
    %add3A_1721 = arith.addi %add3A_1708, %select_n3A_1720 : vector<16xi32>
    %ge3A_1722 = arith.cmpi sge, %sub3A_1700, %add3A_56 : vector<16xi32>
    %jit3A_1723 = arith.constant 0 : i32
    %broadcast_in_dim3A_1724 = vector.broadcast %jit3A_1723 : i32 to vector<16xi32>
    %select_n3A_1725 = arith.select %ge3A_1722, %gather3A_6, %broadcast_in_dim3A_1724 : vector<16xi1>, vector<16xi32>
    %add3A_1726 = arith.addi %add3A_1713, %select_n3A_1725 : vector<16xi32>
    %ge3A_1727 = arith.cmpi sge, %add3A_1699, %add3A_62 : vector<16xi32>
    %sub3A_1728 = arith.constant 4096 : i32
    %sub3A_1729 = vector.broadcast %sub3A_1728 : i32 to vector<16xi32>
    %sub3A_1730 = arith.subi %sub3A_1729, %gather3A_9 : vector<16xi32>
    %jit3A_1731 = arith.constant 0 : i32
    %broadcast_in_dim3A_1732 = vector.broadcast %jit3A_1731 : i32 to vector<16xi32>
    %select_n3A_1733 = arith.select %ge3A_1727, %sub3A_1730, %broadcast_in_dim3A_1732 : vector<16xi1>, vector<16xi32>
    %add3A_1734 = arith.addi %add3A_1721, %select_n3A_1733 : vector<16xi32>
    %ge3A_1735 = arith.cmpi sge, %sub3A_1700, %add3A_61 : vector<16xi32>
    %jit3A_1736 = arith.constant 0 : i32
    %broadcast_in_dim3A_1737 = vector.broadcast %jit3A_1736 : i32 to vector<16xi32>
    %select_n3A_1738 = arith.select %ge3A_1735, %gather3A_9, %broadcast_in_dim3A_1737 : vector<16xi1>, vector<16xi32>
    %add3A_1739 = arith.addi %add3A_1726, %select_n3A_1738 : vector<16xi32>
    %ge3A_1740 = arith.cmpi sge, %add3A_1699, %add3A_67 : vector<16xi32>
    %sub3A_1741 = arith.constant 4096 : i32
    %sub3A_1742 = vector.broadcast %sub3A_1741 : i32 to vector<16xi32>
    %sub3A_1743 = arith.subi %sub3A_1742, %gather3A_12 : vector<16xi32>
    %jit3A_1744 = arith.constant 0 : i32
    %broadcast_in_dim3A_1745 = vector.broadcast %jit3A_1744 : i32 to vector<16xi32>
    %select_n3A_1746 = arith.select %ge3A_1740, %sub3A_1743, %broadcast_in_dim3A_1745 : vector<16xi1>, vector<16xi32>
    %add3A_1747 = arith.addi %add3A_1734, %select_n3A_1746 : vector<16xi32>
    %ge3A_1748 = arith.cmpi sge, %sub3A_1700, %add3A_66 : vector<16xi32>
    %jit3A_1749 = arith.constant 0 : i32
    %broadcast_in_dim3A_1750 = vector.broadcast %jit3A_1749 : i32 to vector<16xi32>
    %select_n3A_1751 = arith.select %ge3A_1748, %gather3A_12, %broadcast_in_dim3A_1750 : vector<16xi1>, vector<16xi32>
    %add3A_1752 = arith.addi %add3A_1739, %select_n3A_1751 : vector<16xi32>
    %ge3A_1753 = arith.cmpi sge, %add3A_1699, %add3A_72 : vector<16xi32>
    %sub3A_1754 = arith.constant 4096 : i32
    %sub3A_1755 = vector.broadcast %sub3A_1754 : i32 to vector<16xi32>
    %sub3A_1756 = arith.subi %sub3A_1755, %gather3A_15 : vector<16xi32>
    %jit3A_1757 = arith.constant 0 : i32
    %broadcast_in_dim3A_1758 = vector.broadcast %jit3A_1757 : i32 to vector<16xi32>
    %select_n3A_1759 = arith.select %ge3A_1753, %sub3A_1756, %broadcast_in_dim3A_1758 : vector<16xi1>, vector<16xi32>
    %add3A_1760 = arith.addi %add3A_1747, %select_n3A_1759 : vector<16xi32>
    %ge3A_1761 = arith.cmpi sge, %sub3A_1700, %add3A_71 : vector<16xi32>
    %jit3A_1762 = arith.constant 0 : i32
    %broadcast_in_dim3A_1763 = vector.broadcast %jit3A_1762 : i32 to vector<16xi32>
    %select_n3A_1764 = arith.select %ge3A_1761, %gather3A_15, %broadcast_in_dim3A_1763 : vector<16xi1>, vector<16xi32>
    %add3A_1765 = arith.addi %add3A_1752, %select_n3A_1764 : vector<16xi32>
    %ge3A_1766 = arith.cmpi sge, %add3A_1699, %add3A_77 : vector<16xi32>
    %sub3A_1767 = arith.constant 4096 : i32
    %sub3A_1768 = vector.broadcast %sub3A_1767 : i32 to vector<16xi32>
    %sub3A_1769 = arith.subi %sub3A_1768, %gather3A_18 : vector<16xi32>
    %jit3A_1770 = arith.constant 0 : i32
    %broadcast_in_dim3A_1771 = vector.broadcast %jit3A_1770 : i32 to vector<16xi32>
    %select_n3A_1772 = arith.select %ge3A_1766, %sub3A_1769, %broadcast_in_dim3A_1771 : vector<16xi1>, vector<16xi32>
    %add3A_1773 = arith.addi %add3A_1760, %select_n3A_1772 : vector<16xi32>
    %ge3A_1774 = arith.cmpi sge, %sub3A_1700, %add3A_76 : vector<16xi32>
    %jit3A_1775 = arith.constant 0 : i32
    %broadcast_in_dim3A_1776 = vector.broadcast %jit3A_1775 : i32 to vector<16xi32>
    %select_n3A_1777 = arith.select %ge3A_1774, %gather3A_18, %broadcast_in_dim3A_1776 : vector<16xi1>, vector<16xi32>
    %add3A_1778 = arith.addi %add3A_1765, %select_n3A_1777 : vector<16xi32>
    %ge3A_1779 = arith.cmpi sge, %add3A_1699, %add3A_82 : vector<16xi32>
    %sub3A_1780 = arith.constant 4096 : i32
    %sub3A_1781 = vector.broadcast %sub3A_1780 : i32 to vector<16xi32>
    %sub3A_1782 = arith.subi %sub3A_1781, %gather3A_21 : vector<16xi32>
    %jit3A_1783 = arith.constant 0 : i32
    %broadcast_in_dim3A_1784 = vector.broadcast %jit3A_1783 : i32 to vector<16xi32>
    %select_n3A_1785 = arith.select %ge3A_1779, %sub3A_1782, %broadcast_in_dim3A_1784 : vector<16xi1>, vector<16xi32>
    %add3A_1786 = arith.addi %add3A_1773, %select_n3A_1785 : vector<16xi32>
    %ge3A_1787 = arith.cmpi sge, %sub3A_1700, %add3A_81 : vector<16xi32>
    %jit3A_1788 = arith.constant 0 : i32
    %broadcast_in_dim3A_1789 = vector.broadcast %jit3A_1788 : i32 to vector<16xi32>
    %select_n3A_1790 = arith.select %ge3A_1787, %gather3A_21, %broadcast_in_dim3A_1789 : vector<16xi1>, vector<16xi32>
    %add3A_1791 = arith.addi %add3A_1778, %select_n3A_1790 : vector<16xi32>
    %ge3A_1792 = arith.cmpi sge, %add3A_1699, %add3A_87 : vector<16xi32>
    %sub3A_1793 = arith.constant 4096 : i32
    %sub3A_1794 = vector.broadcast %sub3A_1793 : i32 to vector<16xi32>
    %sub3A_1795 = arith.subi %sub3A_1794, %gather3A_24 : vector<16xi32>
    %jit3A_1796 = arith.constant 0 : i32
    %broadcast_in_dim3A_1797 = vector.broadcast %jit3A_1796 : i32 to vector<16xi32>
    %select_n3A_1798 = arith.select %ge3A_1792, %sub3A_1795, %broadcast_in_dim3A_1797 : vector<16xi1>, vector<16xi32>
    %add3A_1799 = arith.addi %add3A_1786, %select_n3A_1798 : vector<16xi32>
    %ge3A_1800 = arith.cmpi sge, %sub3A_1700, %add3A_86 : vector<16xi32>
    %jit3A_1801 = arith.constant 0 : i32
    %broadcast_in_dim3A_1802 = vector.broadcast %jit3A_1801 : i32 to vector<16xi32>
    %select_n3A_1803 = arith.select %ge3A_1800, %gather3A_24, %broadcast_in_dim3A_1802 : vector<16xi1>, vector<16xi32>
    %add3A_1804 = arith.addi %add3A_1791, %select_n3A_1803 : vector<16xi32>
    %ge3A_1805 = arith.cmpi sge, %add3A_1699, %add3A_92 : vector<16xi32>
    %sub3A_1806 = arith.constant 4096 : i32
    %sub3A_1807 = vector.broadcast %sub3A_1806 : i32 to vector<16xi32>
    %sub3A_1808 = arith.subi %sub3A_1807, %gather3A_27 : vector<16xi32>
    %jit3A_1809 = arith.constant 0 : i32
    %broadcast_in_dim3A_1810 = vector.broadcast %jit3A_1809 : i32 to vector<16xi32>
    %select_n3A_1811 = arith.select %ge3A_1805, %sub3A_1808, %broadcast_in_dim3A_1810 : vector<16xi1>, vector<16xi32>
    %add3A_1812 = arith.addi %add3A_1799, %select_n3A_1811 : vector<16xi32>
    %ge3A_1813 = arith.cmpi sge, %sub3A_1700, %add3A_91 : vector<16xi32>
    %jit3A_1814 = arith.constant 0 : i32
    %broadcast_in_dim3A_1815 = vector.broadcast %jit3A_1814 : i32 to vector<16xi32>
    %select_n3A_1816 = arith.select %ge3A_1813, %gather3A_27, %broadcast_in_dim3A_1815 : vector<16xi1>, vector<16xi32>
    %add3A_1817 = arith.addi %add3A_1804, %select_n3A_1816 : vector<16xi32>
    %ge3A_1818 = arith.cmpi sge, %add3A_1699, %add3A_97 : vector<16xi32>
    %sub3A_1819 = arith.constant 4096 : i32
    %sub3A_1820 = vector.broadcast %sub3A_1819 : i32 to vector<16xi32>
    %sub3A_1821 = arith.subi %sub3A_1820, %gather3A_30 : vector<16xi32>
    %jit3A_1822 = arith.constant 0 : i32
    %broadcast_in_dim3A_1823 = vector.broadcast %jit3A_1822 : i32 to vector<16xi32>
    %select_n3A_1824 = arith.select %ge3A_1818, %sub3A_1821, %broadcast_in_dim3A_1823 : vector<16xi1>, vector<16xi32>
    %add3A_1825 = arith.addi %add3A_1812, %select_n3A_1824 : vector<16xi32>
    %ge3A_1826 = arith.cmpi sge, %sub3A_1700, %add3A_96 : vector<16xi32>
    %jit3A_1827 = arith.constant 0 : i32
    %broadcast_in_dim3A_1828 = vector.broadcast %jit3A_1827 : i32 to vector<16xi32>
    %select_n3A_1829 = arith.select %ge3A_1826, %gather3A_30, %broadcast_in_dim3A_1828 : vector<16xi1>, vector<16xi32>
    %add3A_1830 = arith.addi %add3A_1817, %select_n3A_1829 : vector<16xi32>
    %ge3A_1831 = arith.cmpi sge, %add3A_1699, %add3A_102 : vector<16xi32>
    %sub3A_1832 = arith.constant 4096 : i32
    %sub3A_1833 = vector.broadcast %sub3A_1832 : i32 to vector<16xi32>
    %sub3A_1834 = arith.subi %sub3A_1833, %gather3A_33 : vector<16xi32>
    %jit3A_1835 = arith.constant 0 : i32
    %broadcast_in_dim3A_1836 = vector.broadcast %jit3A_1835 : i32 to vector<16xi32>
    %select_n3A_1837 = arith.select %ge3A_1831, %sub3A_1834, %broadcast_in_dim3A_1836 : vector<16xi1>, vector<16xi32>
    %add3A_1838 = arith.addi %add3A_1825, %select_n3A_1837 : vector<16xi32>
    %ge3A_1839 = arith.cmpi sge, %sub3A_1700, %add3A_101 : vector<16xi32>
    %jit3A_1840 = arith.constant 0 : i32
    %broadcast_in_dim3A_1841 = vector.broadcast %jit3A_1840 : i32 to vector<16xi32>
    %select_n3A_1842 = arith.select %ge3A_1839, %gather3A_33, %broadcast_in_dim3A_1841 : vector<16xi1>, vector<16xi32>
    %add3A_1843 = arith.addi %add3A_1830, %select_n3A_1842 : vector<16xi32>
    %ge3A_1844 = arith.cmpi sge, %add3A_1699, %add3A_107 : vector<16xi32>
    %sub3A_1845 = arith.constant 4096 : i32
    %sub3A_1846 = vector.broadcast %sub3A_1845 : i32 to vector<16xi32>
    %sub3A_1847 = arith.subi %sub3A_1846, %gather3A_36 : vector<16xi32>
    %jit3A_1848 = arith.constant 0 : i32
    %broadcast_in_dim3A_1849 = vector.broadcast %jit3A_1848 : i32 to vector<16xi32>
    %select_n3A_1850 = arith.select %ge3A_1844, %sub3A_1847, %broadcast_in_dim3A_1849 : vector<16xi1>, vector<16xi32>
    %add3A_1851 = arith.addi %add3A_1838, %select_n3A_1850 : vector<16xi32>
    %ge3A_1852 = arith.cmpi sge, %sub3A_1700, %add3A_106 : vector<16xi32>
    %jit3A_1853 = arith.constant 0 : i32
    %broadcast_in_dim3A_1854 = vector.broadcast %jit3A_1853 : i32 to vector<16xi32>
    %select_n3A_1855 = arith.select %ge3A_1852, %gather3A_36, %broadcast_in_dim3A_1854 : vector<16xi1>, vector<16xi32>
    %add3A_1856 = arith.addi %add3A_1843, %select_n3A_1855 : vector<16xi32>
    %ge3A_1857 = arith.cmpi sge, %add3A_1699, %add3A_112 : vector<16xi32>
    %sub3A_1858 = arith.constant 4096 : i32
    %sub3A_1859 = vector.broadcast %sub3A_1858 : i32 to vector<16xi32>
    %sub3A_1860 = arith.subi %sub3A_1859, %gather3A_39 : vector<16xi32>
    %jit3A_1861 = arith.constant 0 : i32
    %broadcast_in_dim3A_1862 = vector.broadcast %jit3A_1861 : i32 to vector<16xi32>
    %select_n3A_1863 = arith.select %ge3A_1857, %sub3A_1860, %broadcast_in_dim3A_1862 : vector<16xi1>, vector<16xi32>
    %add3A_1864 = arith.addi %add3A_1851, %select_n3A_1863 : vector<16xi32>
    %ge3A_1865 = arith.cmpi sge, %sub3A_1700, %add3A_111 : vector<16xi32>
    %jit3A_1866 = arith.constant 0 : i32
    %broadcast_in_dim3A_1867 = vector.broadcast %jit3A_1866 : i32 to vector<16xi32>
    %select_n3A_1868 = arith.select %ge3A_1865, %gather3A_39, %broadcast_in_dim3A_1867 : vector<16xi1>, vector<16xi32>
    %add3A_1869 = arith.addi %add3A_1856, %select_n3A_1868 : vector<16xi32>
    %ge3A_1870 = arith.cmpi sge, %add3A_1699, %add3A_117 : vector<16xi32>
    %sub3A_1871 = arith.constant 4096 : i32
    %sub3A_1872 = vector.broadcast %sub3A_1871 : i32 to vector<16xi32>
    %sub3A_1873 = arith.subi %sub3A_1872, %gather3A_42 : vector<16xi32>
    %jit3A_1874 = arith.constant 0 : i32
    %broadcast_in_dim3A_1875 = vector.broadcast %jit3A_1874 : i32 to vector<16xi32>
    %select_n3A_1876 = arith.select %ge3A_1870, %sub3A_1873, %broadcast_in_dim3A_1875 : vector<16xi1>, vector<16xi32>
    %add3A_1877 = arith.addi %add3A_1864, %select_n3A_1876 : vector<16xi32>
    %ge3A_1878 = arith.cmpi sge, %sub3A_1700, %add3A_116 : vector<16xi32>
    %jit3A_1879 = arith.constant 0 : i32
    %broadcast_in_dim3A_1880 = vector.broadcast %jit3A_1879 : i32 to vector<16xi32>
    %select_n3A_1881 = arith.select %ge3A_1878, %gather3A_42, %broadcast_in_dim3A_1880 : vector<16xi1>, vector<16xi32>
    %add3A_1882 = arith.addi %add3A_1869, %select_n3A_1881 : vector<16xi32>
    %ge3A_1883 = arith.cmpi sge, %add3A_1699, %add3A_122 : vector<16xi32>
    %sub3A_1884 = arith.constant 4096 : i32
    %sub3A_1885 = vector.broadcast %sub3A_1884 : i32 to vector<16xi32>
    %sub3A_1886 = arith.subi %sub3A_1885, %gather3A_45 : vector<16xi32>
    %jit3A_1887 = arith.constant 0 : i32
    %broadcast_in_dim3A_1888 = vector.broadcast %jit3A_1887 : i32 to vector<16xi32>
    %select_n3A_1889 = arith.select %ge3A_1883, %sub3A_1886, %broadcast_in_dim3A_1888 : vector<16xi1>, vector<16xi32>
    %add3A_1890 = arith.addi %add3A_1877, %select_n3A_1889 : vector<16xi32>
    %ge3A_1891 = arith.cmpi sge, %sub3A_1700, %add3A_121 : vector<16xi32>
    %jit3A_1892 = arith.constant 0 : i32
    %broadcast_in_dim3A_1893 = vector.broadcast %jit3A_1892 : i32 to vector<16xi32>
    %select_n3A_1894 = arith.select %ge3A_1891, %gather3A_45, %broadcast_in_dim3A_1893 : vector<16xi1>, vector<16xi32>
    %add3A_1895 = arith.addi %add3A_1882, %select_n3A_1894 : vector<16xi32>
    %ge3A_1896 = arith.cmpi sge, %add3A_1699, %add3A_127 : vector<16xi32>
    %sub3A_1897 = arith.constant 4096 : i32
    %sub3A_1898 = vector.broadcast %sub3A_1897 : i32 to vector<16xi32>
    %sub3A_1899 = arith.subi %sub3A_1898, %gather3A_48 : vector<16xi32>
    %jit3A_1900 = arith.constant 0 : i32
    %broadcast_in_dim3A_1901 = vector.broadcast %jit3A_1900 : i32 to vector<16xi32>
    %select_n3A_1902 = arith.select %ge3A_1896, %sub3A_1899, %broadcast_in_dim3A_1901 : vector<16xi1>, vector<16xi32>
    %add3A_1903 = arith.addi %add3A_1890, %select_n3A_1902 : vector<16xi32>
    %ge3A_1904 = arith.cmpi sge, %sub3A_1700, %add3A_126 : vector<16xi32>
    %jit3A_1905 = arith.constant 0 : i32
    %broadcast_in_dim3A_1906 = vector.broadcast %jit3A_1905 : i32 to vector<16xi32>
    %select_n3A_1907 = arith.select %ge3A_1904, %gather3A_48, %broadcast_in_dim3A_1906 : vector<16xi1>, vector<16xi32>
    %add3A_1908 = arith.addi %add3A_1895, %select_n3A_1907 : vector<16xi32>
    %lt3A_1909 = arith.cmpi slt, %add3A_1699, %add3A_127 : vector<16xi32>
    %select_n3A_1910 = arith.select %lt3A_1909, %add3A_1903, %add3A_1908 : vector<16xi1>, vector<16xi32>
    %swap3A_1911 = arith.constant 3 : i32
    %swap3A_1912 = arith.index_cast %swap3A_1911 : i32 to index
    %swap3A_1913 = arith.constant 16 : index
    %swap3A_1914 = tpu.vector_load %arg6[%swap3A_1912, %swap3A_1913] {strides = array<i32>} : memref<64x32xi32, #tpu.memory_space<vmem>>, vector<16xi32>,
    tpu.vector_store %arg6[%swap3A_1912, %swap3A_1913], %select_n3A_1910 {strides = array<i32>} : memref<64x32xi32, #tpu.memory_space<vmem>>, vector<16xi32>,
    %dma_start3A_1915 = arith.constant 3 : i32
    %dma_start3A_1916 = arith.constant 0 : i32
    %dma_start3A_1917 = tpu.memref_slice %arg6[%dma_start3A_1915, %dma_start3A_1916] : memref<64x32xi32, #tpu.memory_space<vmem>> -> memref<1x32xi32, #tpu.memory_space<vmem>>
    %dma_start3A_1918 = tpu.memref_squeeze %dma_start3A_1917 : memref<1x32xi32, #tpu.memory_space<vmem>> -> memref<32xi32, #tpu.memory_space<vmem>>
    %dma_start3A_1919 = arith.constant 0 : i32
    %dma_start3A_1920 = arith.constant 0 : i32
    %dma_start3A_1921 = tpu.memref_slice %arg2[%dma_start3A_1919, %dma_start3A_1920] : memref<65536x512xf32, #tpu.memory_space<hbm>> -> memref<65536x512xf32, #tpu.memory_space<hbm>>
    tpu.enqueue_indirect_dma source(%dma_start3A_1921 : memref<65536x512xf32, #tpu.memory_space<hbm>>) target(%arg10 : memref<32x512xf32, #tpu.memory_space<vmem>>) offsets(%dma_start3A_1918 : memref<32xi32, #tpu.memory_space<vmem>>) semaphore(%arg14 : memref<!tpu.dma_semaphore, #tpu.memory_space<semaphore_mem>>)
    %scan3A = arith.constant 0 : i32
    %scan3A_1922 = arith.constant 4 : i32
    %scan3A_1923 = arith.constant 60 : i32
    %scan3A_1924 = arith.addi %scan3A_1922, %scan3A_1923 : i32
    %scan3A_1925 = arith.constant 1 : i32
    %scan3A_1926 = scf.for %scan3A_1958 = %scan3A_1922 to %scan3A_1924 step %scan3A_1925 iter_args(%scan3A_1959 = %scan3A) -> (i32)  : i32 {
      %mul3A_1960 = arith.constant 32 : i32
      %mul3A_1961 = arith.muli %scan3A_1958, %mul3A_1960 : i32
      %add3A_1962 = arith.addi %mul3A_2, %mul3A_1961 : i32
      %add3A_1963 = arith.constant 0 : i32
      %add3A_1964 = arith.addi %add3A_1962, %add3A_1963 : i32
      %add3A_1965 = vector.broadcast %add3A_1964 : i32 to vector<16xi32>
      %add3A_1966 = arith.addi %add3A_1965, %iota3A : vector<16xi32>
      %sub3A_1967 = arith.subi %add3A_1966, %add3A_127 : vector<16xi32>
      %ge3A_1968 = arith.cmpi sge, %add3A_1966, %add3A_53 : vector<16xi32>
      %sub3A_1969 = arith.constant 4096 : i32
      %sub3A_1970 = vector.broadcast %sub3A_1969 : i32 to vector<16xi32>
      %sub3A_1971 = arith.subi %sub3A_1970, %gather3A : vector<16xi32>
      %jit3A_1972 = arith.constant 0 : i32
      %broadcast_in_dim3A_1973 = vector.broadcast %jit3A_1972 : i32 to vector<16xi32>
      %select_n3A_1974 = arith.select %ge3A_1968, %sub3A_1971, %broadcast_in_dim3A_1973 : vector<16xi1>, vector<16xi32>
      %add3A_1975 = arith.addi %add3A_1966, %select_n3A_1974 : vector<16xi32>
      %ge3A_1976 = arith.cmpi sge, %sub3A_1967, %broadcast_in_dim3A_52 : vector<16xi32>
      %jit3A_1977 = arith.constant 0 : i32
      %broadcast_in_dim3A_1978 = vector.broadcast %jit3A_1977 : i32 to vector<16xi32>
      %select_n3A_1979 = arith.select %ge3A_1976, %gather3A, %broadcast_in_dim3A_1978 : vector<16xi1>, vector<16xi32>
      %add3A_1980 = arith.addi %sub3A_1967, %select_n3A_1979 : vector<16xi32>
      %ge3A_1981 = arith.cmpi sge, %add3A_1966, %add3A_57 : vector<16xi32>
      %sub3A_1982 = arith.constant 4096 : i32
      %sub3A_1983 = vector.broadcast %sub3A_1982 : i32 to vector<16xi32>
      %sub3A_1984 = arith.subi %sub3A_1983, %gather3A_6 : vector<16xi32>
      %jit3A_1985 = arith.constant 0 : i32
      %broadcast_in_dim3A_1986 = vector.broadcast %jit3A_1985 : i32 to vector<16xi32>
      %select_n3A_1987 = arith.select %ge3A_1981, %sub3A_1984, %broadcast_in_dim3A_1986 : vector<16xi1>, vector<16xi32>
      %add3A_1988 = arith.addi %add3A_1975, %select_n3A_1987 : vector<16xi32>
      %ge3A_1989 = arith.cmpi sge, %sub3A_1967, %add3A_56 : vector<16xi32>
      %jit3A_1990 = arith.constant 0 : i32
      %broadcast_in_dim3A_1991 = vector.broadcast %jit3A_1990 : i32 to vector<16xi32>
      %select_n3A_1992 = arith.select %ge3A_1989, %gather3A_6, %broadcast_in_dim3A_1991 : vector<16xi1>, vector<16xi32>
      %add3A_1993 = arith.addi %add3A_1980, %select_n3A_1992 : vector<16xi32>
      %ge3A_1994 = arith.cmpi sge, %add3A_1966, %add3A_62 : vector<16xi32>
      %sub3A_1995 = arith.constant 4096 : i32
      %sub3A_1996 = vector.broadcast %sub3A_1995 : i32 to vector<16xi32>
      %sub3A_1997 = arith.subi %sub3A_1996, %gather3A_9 : vector<16xi32>
      %jit3A_1998 = arith.constant 0 : i32
      %broadcast_in_dim3A_1999 = vector.broadcast %jit3A_1998 : i32 to vector<16xi32>
      %select_n3A_2000 = arith.select %ge3A_1994, %sub3A_1997, %broadcast_in_dim3A_1999 : vector<16xi1>, vector<16xi32>
      %add3A_2001 = arith.addi %add3A_1988, %select_n3A_2000 : vector<16xi32>
      %ge3A_2002 = arith.cmpi sge, %sub3A_1967, %add3A_61 : vector<16xi32>
      %jit3A_2003 = arith.constant 0 : i32
      %broadcast_in_dim3A_2004 = vector.broadcast %jit3A_2003 : i32 to vector<16xi32>
      %select_n3A_2005 = arith.select %ge3A_2002, %gather3A_9, %broadcast_in_dim3A_2004 : vector<16xi1>, vector<16xi32>
      %add3A_2006 = arith.addi %add3A_1993, %select_n3A_2005 : vector<16xi32>
      %ge3A_2007 = arith.cmpi sge, %add3A_1966, %add3A_67 : vector<16xi32>
      %sub3A_2008 = arith.constant 4096 : i32
      %sub3A_2009 = vector.broadcast %sub3A_2008 : i32 to vector<16xi32>
      %sub3A_2010 = arith.subi %sub3A_2009, %gather3A_12 : vector<16xi32>
      %jit3A_2011 = arith.constant 0 : i32
      %broadcast_in_dim3A_2012 = vector.broadcast %jit3A_2011 : i32 to vector<16xi32>
      %select_n3A_2013 = arith.select %ge3A_2007, %sub3A_2010, %broadcast_in_dim3A_2012 : vector<16xi1>, vector<16xi32>
      %add3A_2014 = arith.addi %add3A_2001, %select_n3A_2013 : vector<16xi32>
      %ge3A_2015 = arith.cmpi sge, %sub3A_1967, %add3A_66 : vector<16xi32>
      %jit3A_2016 = arith.constant 0 : i32
      %broadcast_in_dim3A_2017 = vector.broadcast %jit3A_2016 : i32 to vector<16xi32>
      %select_n3A_2018 = arith.select %ge3A_2015, %gather3A_12, %broadcast_in_dim3A_2017 : vector<16xi1>, vector<16xi32>
      %add3A_2019 = arith.addi %add3A_2006, %select_n3A_2018 : vector<16xi32>
      %ge3A_2020 = arith.cmpi sge, %add3A_1966, %add3A_72 : vector<16xi32>
      %sub3A_2021 = arith.constant 4096 : i32
      %sub3A_2022 = vector.broadcast %sub3A_2021 : i32 to vector<16xi32>
      %sub3A_2023 = arith.subi %sub3A_2022, %gather3A_15 : vector<16xi32>
      %jit3A_2024 = arith.constant 0 : i32
      %broadcast_in_dim3A_2025 = vector.broadcast %jit3A_2024 : i32 to vector<16xi32>
      %select_n3A_2026 = arith.select %ge3A_2020, %sub3A_2023, %broadcast_in_dim3A_2025 : vector<16xi1>, vector<16xi32>
      %add3A_2027 = arith.addi %add3A_2014, %select_n3A_2026 : vector<16xi32>
      %ge3A_2028 = arith.cmpi sge, %sub3A_1967, %add3A_71 : vector<16xi32>
      %jit3A_2029 = arith.constant 0 : i32
      %broadcast_in_dim3A_2030 = vector.broadcast %jit3A_2029 : i32 to vector<16xi32>
      %select_n3A_2031 = arith.select %ge3A_2028, %gather3A_15, %broadcast_in_dim3A_2030 : vector<16xi1>, vector<16xi32>
      %add3A_2032 = arith.addi %add3A_2019, %select_n3A_2031 : vector<16xi32>
      %ge3A_2033 = arith.cmpi sge, %add3A_1966, %add3A_77 : vector<16xi32>
      %sub3A_2034 = arith.constant 4096 : i32
      %sub3A_2035 = vector.broadcast %sub3A_2034 : i32 to vector<16xi32>
      %sub3A_2036 = arith.subi %sub3A_2035, %gather3A_18 : vector<16xi32>
      %jit3A_2037 = arith.constant 0 : i32
      %broadcast_in_dim3A_2038 = vector.broadcast %jit3A_2037 : i32 to vector<16xi32>
      %select_n3A_2039 = arith.select %ge3A_2033, %sub3A_2036, %broadcast_in_dim3A_2038 : vector<16xi1>, vector<16xi32>
      %add3A_2040 = arith.addi %add3A_2027, %select_n3A_2039 : vector<16xi32>
      %ge3A_2041 = arith.cmpi sge, %sub3A_1967, %add3A_76 : vector<16xi32>
      %jit3A_2042 = arith.constant 0 : i32
      %broadcast_in_dim3A_2043 = vector.broadcast %jit3A_2042 : i32 to vector<16xi32>
      %select_n3A_2044 = arith.select %ge3A_2041, %gather3A_18, %broadcast_in_dim3A_2043 : vector<16xi1>, vector<16xi32>
      %add3A_2045 = arith.addi %add3A_2032, %select_n3A_2044 : vector<16xi32>
      %ge3A_2046 = arith.cmpi sge, %add3A_1966, %add3A_82 : vector<16xi32>
      %sub3A_2047 = arith.constant 4096 : i32
      %sub3A_2048 = vector.broadcast %sub3A_2047 : i32 to vector<16xi32>
      %sub3A_2049 = arith.subi %sub3A_2048, %gather3A_21 : vector<16xi32>
      %jit3A_2050 = arith.constant 0 : i32
      %broadcast_in_dim3A_2051 = vector.broadcast %jit3A_2050 : i32 to vector<16xi32>
      %select_n3A_2052 = arith.select %ge3A_2046, %sub3A_2049, %broadcast_in_dim3A_2051 : vector<16xi1>, vector<16xi32>
      %add3A_2053 = arith.addi %add3A_2040, %select_n3A_2052 : vector<16xi32>
      %ge3A_2054 = arith.cmpi sge, %sub3A_1967, %add3A_81 : vector<16xi32>
      %jit3A_2055 = arith.constant 0 : i32
      %broadcast_in_dim3A_2056 = vector.broadcast %jit3A_2055 : i32 to vector<16xi32>
      %select_n3A_2057 = arith.select %ge3A_2054, %gather3A_21, %broadcast_in_dim3A_2056 : vector<16xi1>, vector<16xi32>
      %add3A_2058 = arith.addi %add3A_2045, %select_n3A_2057 : vector<16xi32>
      %ge3A_2059 = arith.cmpi sge, %add3A_1966, %add3A_87 : vector<16xi32>
      %sub3A_2060 = arith.constant 4096 : i32
      %sub3A_2061 = vector.broadcast %sub3A_2060 : i32 to vector<16xi32>
      %sub3A_2062 = arith.subi %sub3A_2061, %gather3A_24 : vector<16xi32>
      %jit3A_2063 = arith.constant 0 : i32
      %broadcast_in_dim3A_2064 = vector.broadcast %jit3A_2063 : i32 to vector<16xi32>
      %select_n3A_2065 = arith.select %ge3A_2059, %sub3A_2062, %broadcast_in_dim3A_2064 : vector<16xi1>, vector<16xi32>
      %add3A_2066 = arith.addi %add3A_2053, %select_n3A_2065 : vector<16xi32>
      %ge3A_2067 = arith.cmpi sge, %sub3A_1967, %add3A_86 : vector<16xi32>
      %jit3A_2068 = arith.constant 0 : i32
      %broadcast_in_dim3A_2069 = vector.broadcast %jit3A_2068 : i32 to vector<16xi32>
      %select_n3A_2070 = arith.select %ge3A_2067, %gather3A_24, %broadcast_in_dim3A_2069 : vector<16xi1>, vector<16xi32>
      %add3A_2071 = arith.addi %add3A_2058, %select_n3A_2070 : vector<16xi32>
      %ge3A_2072 = arith.cmpi sge, %add3A_1966, %add3A_92 : vector<16xi32>
      %sub3A_2073 = arith.constant 4096 : i32
      %sub3A_2074 = vector.broadcast %sub3A_2073 : i32 to vector<16xi32>
      %sub3A_2075 = arith.subi %sub3A_2074, %gather3A_27 : vector<16xi32>
      %jit3A_2076 = arith.constant 0 : i32
      %broadcast_in_dim3A_2077 = vector.broadcast %jit3A_2076 : i32 to vector<16xi32>
      %select_n3A_2078 = arith.select %ge3A_2072, %sub3A_2075, %broadcast_in_dim3A_2077 : vector<16xi1>, vector<16xi32>
      %add3A_2079 = arith.addi %add3A_2066, %select_n3A_2078 : vector<16xi32>
      %ge3A_2080 = arith.cmpi sge, %sub3A_1967, %add3A_91 : vector<16xi32>
      %jit3A_2081 = arith.constant 0 : i32
      %broadcast_in_dim3A_2082 = vector.broadcast %jit3A_2081 : i32 to vector<16xi32>
      %select_n3A_2083 = arith.select %ge3A_2080, %gather3A_27, %broadcast_in_dim3A_2082 : vector<16xi1>, vector<16xi32>
      %add3A_2084 = arith.addi %add3A_2071, %select_n3A_2083 : vector<16xi32>
      %ge3A_2085 = arith.cmpi sge, %add3A_1966, %add3A_97 : vector<16xi32>
      %sub3A_2086 = arith.constant 4096 : i32
      %sub3A_2087 = vector.broadcast %sub3A_2086 : i32 to vector<16xi32>
      %sub3A_2088 = arith.subi %sub3A_2087, %gather3A_30 : vector<16xi32>
      %jit3A_2089 = arith.constant 0 : i32
      %broadcast_in_dim3A_2090 = vector.broadcast %jit3A_2089 : i32 to vector<16xi32>
      %select_n3A_2091 = arith.select %ge3A_2085, %sub3A_2088, %broadcast_in_dim3A_2090 : vector<16xi1>, vector<16xi32>
      %add3A_2092 = arith.addi %add3A_2079, %select_n3A_2091 : vector<16xi32>
      %ge3A_2093 = arith.cmpi sge, %sub3A_1967, %add3A_96 : vector<16xi32>
      %jit3A_2094 = arith.constant 0 : i32
      %broadcast_in_dim3A_2095 = vector.broadcast %jit3A_2094 : i32 to vector<16xi32>
      %select_n3A_2096 = arith.select %ge3A_2093, %gather3A_30, %broadcast_in_dim3A_2095 : vector<16xi1>, vector<16xi32>
      %add3A_2097 = arith.addi %add3A_2084, %select_n3A_2096 : vector<16xi32>
      %ge3A_2098 = arith.cmpi sge, %add3A_1966, %add3A_102 : vector<16xi32>
      %sub3A_2099 = arith.constant 4096 : i32
      %sub3A_2100 = vector.broadcast %sub3A_2099 : i32 to vector<16xi32>
      %sub3A_2101 = arith.subi %sub3A_2100, %gather3A_33 : vector<16xi32>
      %jit3A_2102 = arith.constant 0 : i32
      %broadcast_in_dim3A_2103 = vector.broadcast %jit3A_2102 : i32 to vector<16xi32>
      %select_n3A_2104 = arith.select %ge3A_2098, %sub3A_2101, %broadcast_in_dim3A_2103 : vector<16xi1>, vector<16xi32>
      %add3A_2105 = arith.addi %add3A_2092, %select_n3A_2104 : vector<16xi32>
      %ge3A_2106 = arith.cmpi sge, %sub3A_1967, %add3A_101 : vector<16xi32>
      %jit3A_2107 = arith.constant 0 : i32
      %broadcast_in_dim3A_2108 = vector.broadcast %jit3A_2107 : i32 to vector<16xi32>
      %select_n3A_2109 = arith.select %ge3A_2106, %gather3A_33, %broadcast_in_dim3A_2108 : vector<16xi1>, vector<16xi32>
      %add3A_2110 = arith.addi %add3A_2097, %select_n3A_2109 : vector<16xi32>
      %ge3A_2111 = arith.cmpi sge, %add3A_1966, %add3A_107 : vector<16xi32>
      %sub3A_2112 = arith.constant 4096 : i32
      %sub3A_2113 = vector.broadcast %sub3A_2112 : i32 to vector<16xi32>
      %sub3A_2114 = arith.subi %sub3A_2113, %gather3A_36 : vector<16xi32>
      %jit3A_2115 = arith.constant 0 : i32
      %broadcast_in_dim3A_2116 = vector.broadcast %jit3A_2115 : i32 to vector<16xi32>
      %select_n3A_2117 = arith.select %ge3A_2111, %sub3A_2114, %broadcast_in_dim3A_2116 : vector<16xi1>, vector<16xi32>
      %add3A_2118 = arith.addi %add3A_2105, %select_n3A_2117 : vector<16xi32>
      %ge3A_2119 = arith.cmpi sge, %sub3A_1967, %add3A_106 : vector<16xi32>
      %jit3A_2120 = arith.constant 0 : i32
      %broadcast_in_dim3A_2121 = vector.broadcast %jit3A_2120 : i32 to vector<16xi32>
      %select_n3A_2122 = arith.select %ge3A_2119, %gather3A_36, %broadcast_in_dim3A_2121 : vector<16xi1>, vector<16xi32>
      %add3A_2123 = arith.addi %add3A_2110, %select_n3A_2122 : vector<16xi32>
      %ge3A_2124 = arith.cmpi sge, %add3A_1966, %add3A_112 : vector<16xi32>
      %sub3A_2125 = arith.constant 4096 : i32
      %sub3A_2126 = vector.broadcast %sub3A_2125 : i32 to vector<16xi32>
      %sub3A_2127 = arith.subi %sub3A_2126, %gather3A_39 : vector<16xi32>
      %jit3A_2128 = arith.constant 0 : i32
      %broadcast_in_dim3A_2129 = vector.broadcast %jit3A_2128 : i32 to vector<16xi32>
      %select_n3A_2130 = arith.select %ge3A_2124, %sub3A_2127, %broadcast_in_dim3A_2129 : vector<16xi1>, vector<16xi32>
      %add3A_2131 = arith.addi %add3A_2118, %select_n3A_2130 : vector<16xi32>
      %ge3A_2132 = arith.cmpi sge, %sub3A_1967, %add3A_111 : vector<16xi32>
      %jit3A_2133 = arith.constant 0 : i32
      %broadcast_in_dim3A_2134 = vector.broadcast %jit3A_2133 : i32 to vector<16xi32>
      %select_n3A_2135 = arith.select %ge3A_2132, %gather3A_39, %broadcast_in_dim3A_2134 : vector<16xi1>, vector<16xi32>
      %add3A_2136 = arith.addi %add3A_2123, %select_n3A_2135 : vector<16xi32>
      %ge3A_2137 = arith.cmpi sge, %add3A_1966, %add3A_117 : vector<16xi32>
      %sub3A_2138 = arith.constant 4096 : i32
      %sub3A_2139 = vector.broadcast %sub3A_2138 : i32 to vector<16xi32>
      %sub3A_2140 = arith.subi %sub3A_2139, %gather3A_42 : vector<16xi32>
      %jit3A_2141 = arith.constant 0 : i32
      %broadcast_in_dim3A_2142 = vector.broadcast %jit3A_2141 : i32 to vector<16xi32>
      %select_n3A_2143 = arith.select %ge3A_2137, %sub3A_2140, %broadcast_in_dim3A_2142 : vector<16xi1>, vector<16xi32>
      %add3A_2144 = arith.addi %add3A_2131, %select_n3A_2143 : vector<16xi32>
      %ge3A_2145 = arith.cmpi sge, %sub3A_1967, %add3A_116 : vector<16xi32>
      %jit3A_2146 = arith.constant 0 : i32
      %broadcast_in_dim3A_2147 = vector.broadcast %jit3A_2146 : i32 to vector<16xi32>
      %select_n3A_2148 = arith.select %ge3A_2145, %gather3A_42, %broadcast_in_dim3A_2147 : vector<16xi1>, vector<16xi32>
      %add3A_2149 = arith.addi %add3A_2136, %select_n3A_2148 : vector<16xi32>
      %ge3A_2150 = arith.cmpi sge, %add3A_1966, %add3A_122 : vector<16xi32>
      %sub3A_2151 = arith.constant 4096 : i32
      %sub3A_2152 = vector.broadcast %sub3A_2151 : i32 to vector<16xi32>
      %sub3A_2153 = arith.subi %sub3A_2152, %gather3A_45 : vector<16xi32>
      %jit3A_2154 = arith.constant 0 : i32
      %broadcast_in_dim3A_2155 = vector.broadcast %jit3A_2154 : i32 to vector<16xi32>
      %select_n3A_2156 = arith.select %ge3A_2150, %sub3A_2153, %broadcast_in_dim3A_2155 : vector<16xi1>, vector<16xi32>
      %add3A_2157 = arith.addi %add3A_2144, %select_n3A_2156 : vector<16xi32>
      %ge3A_2158 = arith.cmpi sge, %sub3A_1967, %add3A_121 : vector<16xi32>
      %jit3A_2159 = arith.constant 0 : i32
      %broadcast_in_dim3A_2160 = vector.broadcast %jit3A_2159 : i32 to vector<16xi32>
      %select_n3A_2161 = arith.select %ge3A_2158, %gather3A_45, %broadcast_in_dim3A_2160 : vector<16xi1>, vector<16xi32>
      %add3A_2162 = arith.addi %add3A_2149, %select_n3A_2161 : vector<16xi32>
      %ge3A_2163 = arith.cmpi sge, %add3A_1966, %add3A_127 : vector<16xi32>
      %sub3A_2164 = arith.constant 4096 : i32
      %sub3A_2165 = vector.broadcast %sub3A_2164 : i32 to vector<16xi32>
      %sub3A_2166 = arith.subi %sub3A_2165, %gather3A_48 : vector<16xi32>
      %jit3A_2167 = arith.constant 0 : i32
      %broadcast_in_dim3A_2168 = vector.broadcast %jit3A_2167 : i32 to vector<16xi32>
      %select_n3A_2169 = arith.select %ge3A_2163, %sub3A_2166, %broadcast_in_dim3A_2168 : vector<16xi1>, vector<16xi32>
      %add3A_2170 = arith.addi %add3A_2157, %select_n3A_2169 : vector<16xi32>
      %ge3A_2171 = arith.cmpi sge, %sub3A_1967, %add3A_126 : vector<16xi32>
      %jit3A_2172 = arith.constant 0 : i32
      %broadcast_in_dim3A_2173 = vector.broadcast %jit3A_2172 : i32 to vector<16xi32>
      %select_n3A_2174 = arith.select %ge3A_2171, %gather3A_48, %broadcast_in_dim3A_2173 : vector<16xi1>, vector<16xi32>
      %add3A_2175 = arith.addi %add3A_2162, %select_n3A_2174 : vector<16xi32>
      %lt3A_2176 = arith.cmpi slt, %add3A_1966, %add3A_127 : vector<16xi32>
      %select_n3A_2177 = arith.select %lt3A_2176, %add3A_2170, %add3A_2175 : vector<16xi1>, vector<16xi32>
      %swap3A_2178 = arith.index_cast %scan3A_1958 : i32 to index
      %swap3A_2179 = arith.constant 0 : index
      %swap3A_2180 = tpu.vector_load %arg6[%swap3A_2178, %swap3A_2179] {strides = array<i32>} : memref<64x32xi32, #tpu.memory_space<vmem>>, vector<16xi32>,
      tpu.vector_store %arg6[%swap3A_2178, %swap3A_2179], %select_n3A_2177 {strides = array<i32>} : memref<64x32xi32, #tpu.memory_space<vmem>>, vector<16xi32>,
      %mul3A_2181 = arith.constant 32 : i32
      %mul3A_2182 = arith.muli %scan3A_1958, %mul3A_2181 : i32
      %add3A_2183 = arith.addi %mul3A_2, %mul3A_2182 : i32
      %add3A_2184 = arith.constant 16 : i32
      %add3A_2185 = arith.addi %add3A_2183, %add3A_2184 : i32
      %add3A_2186 = vector.broadcast %add3A_2185 : i32 to vector<16xi32>
      %add3A_2187 = arith.addi %add3A_2186, %iota3A : vector<16xi32>
      %sub3A_2188 = arith.subi %add3A_2187, %add3A_127 : vector<16xi32>
      %ge3A_2189 = arith.cmpi sge, %add3A_2187, %add3A_53 : vector<16xi32>
      %sub3A_2190 = arith.constant 4096 : i32
      %sub3A_2191 = vector.broadcast %sub3A_2190 : i32 to vector<16xi32>
      %sub3A_2192 = arith.subi %sub3A_2191, %gather3A : vector<16xi32>
      %jit3A_2193 = arith.constant 0 : i32
      %broadcast_in_dim3A_2194 = vector.broadcast %jit3A_2193 : i32 to vector<16xi32>
      %select_n3A_2195 = arith.select %ge3A_2189, %sub3A_2192, %broadcast_in_dim3A_2194 : vector<16xi1>, vector<16xi32>
      %add3A_2196 = arith.addi %add3A_2187, %select_n3A_2195 : vector<16xi32>
      %ge3A_2197 = arith.cmpi sge, %sub3A_2188, %broadcast_in_dim3A_52 : vector<16xi32>
      %jit3A_2198 = arith.constant 0 : i32
      %broadcast_in_dim3A_2199 = vector.broadcast %jit3A_2198 : i32 to vector<16xi32>
      %select_n3A_2200 = arith.select %ge3A_2197, %gather3A, %broadcast_in_dim3A_2199 : vector<16xi1>, vector<16xi32>
      %add3A_2201 = arith.addi %sub3A_2188, %select_n3A_2200 : vector<16xi32>
      %ge3A_2202 = arith.cmpi sge, %add3A_2187, %add3A_57 : vector<16xi32>
      %sub3A_2203 = arith.constant 4096 : i32
      %sub3A_2204 = vector.broadcast %sub3A_2203 : i32 to vector<16xi32>
      %sub3A_2205 = arith.subi %sub3A_2204, %gather3A_6 : vector<16xi32>
      %jit3A_2206 = arith.constant 0 : i32
      %broadcast_in_dim3A_2207 = vector.broadcast %jit3A_2206 : i32 to vector<16xi32>
      %select_n3A_2208 = arith.select %ge3A_2202, %sub3A_2205, %broadcast_in_dim3A_2207 : vector<16xi1>, vector<16xi32>
      %add3A_2209 = arith.addi %add3A_2196, %select_n3A_2208 : vector<16xi32>
      %ge3A_2210 = arith.cmpi sge, %sub3A_2188, %add3A_56 : vector<16xi32>
      %jit3A_2211 = arith.constant 0 : i32
      %broadcast_in_dim3A_2212 = vector.broadcast %jit3A_2211 : i32 to vector<16xi32>
      %select_n3A_2213 = arith.select %ge3A_2210, %gather3A_6, %broadcast_in_dim3A_2212 : vector<16xi1>, vector<16xi32>
      %add3A_2214 = arith.addi %add3A_2201, %select_n3A_2213 : vector<16xi32>
      %ge3A_2215 = arith.cmpi sge, %add3A_2187, %add3A_62 : vector<16xi32>
      %sub3A_2216 = arith.constant 4096 : i32
      %sub3A_2217 = vector.broadcast %sub3A_2216 : i32 to vector<16xi32>
      %sub3A_2218 = arith.subi %sub3A_2217, %gather3A_9 : vector<16xi32>
      %jit3A_2219 = arith.constant 0 : i32
      %broadcast_in_dim3A_2220 = vector.broadcast %jit3A_2219 : i32 to vector<16xi32>
      %select_n3A_2221 = arith.select %ge3A_2215, %sub3A_2218, %broadcast_in_dim3A_2220 : vector<16xi1>, vector<16xi32>
      %add3A_2222 = arith.addi %add3A_2209, %select_n3A_2221 : vector<16xi32>
      %ge3A_2223 = arith.cmpi sge, %sub3A_2188, %add3A_61 : vector<16xi32>
      %jit3A_2224 = arith.constant 0 : i32
      %broadcast_in_dim3A_2225 = vector.broadcast %jit3A_2224 : i32 to vector<16xi32>
      %select_n3A_2226 = arith.select %ge3A_2223, %gather3A_9, %broadcast_in_dim3A_2225 : vector<16xi1>, vector<16xi32>
      %add3A_2227 = arith.addi %add3A_2214, %select_n3A_2226 : vector<16xi32>
      %ge3A_2228 = arith.cmpi sge, %add3A_2187, %add3A_67 : vector<16xi32>
      %sub3A_2229 = arith.constant 4096 : i32
      %sub3A_2230 = vector.broadcast %sub3A_2229 : i32 to vector<16xi32>
      %sub3A_2231 = arith.subi %sub3A_2230, %gather3A_12 : vector<16xi32>
      %jit3A_2232 = arith.constant 0 : i32
      %broadcast_in_dim3A_2233 = vector.broadcast %jit3A_2232 : i32 to vector<16xi32>
      %select_n3A_2234 = arith.select %ge3A_2228, %sub3A_2231, %broadcast_in_dim3A_2233 : vector<16xi1>, vector<16xi32>
      %add3A_2235 = arith.addi %add3A_2222, %select_n3A_2234 : vector<16xi32>
      %ge3A_2236 = arith.cmpi sge, %sub3A_2188, %add3A_66 : vector<16xi32>
      %jit3A_2237 = arith.constant 0 : i32
      %broadcast_in_dim3A_2238 = vector.broadcast %jit3A_2237 : i32 to vector<16xi32>
      %select_n3A_2239 = arith.select %ge3A_2236, %gather3A_12, %broadcast_in_dim3A_2238 : vector<16xi1>, vector<16xi32>
      %add3A_2240 = arith.addi %add3A_2227, %select_n3A_2239 : vector<16xi32>
      %ge3A_2241 = arith.cmpi sge, %add3A_2187, %add3A_72 : vector<16xi32>
      %sub3A_2242 = arith.constant 4096 : i32
      %sub3A_2243 = vector.broadcast %sub3A_2242 : i32 to vector<16xi32>
      %sub3A_2244 = arith.subi %sub3A_2243, %gather3A_15 : vector<16xi32>
      %jit3A_2245 = arith.constant 0 : i32
      %broadcast_in_dim3A_2246 = vector.broadcast %jit3A_2245 : i32 to vector<16xi32>
      %select_n3A_2247 = arith.select %ge3A_2241, %sub3A_2244, %broadcast_in_dim3A_2246 : vector<16xi1>, vector<16xi32>
      %add3A_2248 = arith.addi %add3A_2235, %select_n3A_2247 : vector<16xi32>
      %ge3A_2249 = arith.cmpi sge, %sub3A_2188, %add3A_71 : vector<16xi32>
      %jit3A_2250 = arith.constant 0 : i32
      %broadcast_in_dim3A_2251 = vector.broadcast %jit3A_2250 : i32 to vector<16xi32>
      %select_n3A_2252 = arith.select %ge3A_2249, %gather3A_15, %broadcast_in_dim3A_2251 : vector<16xi1>, vector<16xi32>
      %add3A_2253 = arith.addi %add3A_2240, %select_n3A_2252 : vector<16xi32>
      %ge3A_2254 = arith.cmpi sge, %add3A_2187, %add3A_77 : vector<16xi32>
      %sub3A_2255 = arith.constant 4096 : i32
      %sub3A_2256 = vector.broadcast %sub3A_2255 : i32 to vector<16xi32>
      %sub3A_2257 = arith.subi %sub3A_2256, %gather3A_18 : vector<16xi32>
      %jit3A_2258 = arith.constant 0 : i32
      %broadcast_in_dim3A_2259 = vector.broadcast %jit3A_2258 : i32 to vector<16xi32>
      %select_n3A_2260 = arith.select %ge3A_2254, %sub3A_2257, %broadcast_in_dim3A_2259 : vector<16xi1>, vector<16xi32>
      %add3A_2261 = arith.addi %add3A_2248, %select_n3A_2260 : vector<16xi32>
      %ge3A_2262 = arith.cmpi sge, %sub3A_2188, %add3A_76 : vector<16xi32>
      %jit3A_2263 = arith.constant 0 : i32
      %broadcast_in_dim3A_2264 = vector.broadcast %jit3A_2263 : i32 to vector<16xi32>
      %select_n3A_2265 = arith.select %ge3A_2262, %gather3A_18, %broadcast_in_dim3A_2264 : vector<16xi1>, vector<16xi32>
      %add3A_2266 = arith.addi %add3A_2253, %select_n3A_2265 : vector<16xi32>
      %ge3A_2267 = arith.cmpi sge, %add3A_2187, %add3A_82 : vector<16xi32>
      %sub3A_2268 = arith.constant 4096 : i32
      %sub3A_2269 = vector.broadcast %sub3A_2268 : i32 to vector<16xi32>
      %sub3A_2270 = arith.subi %sub3A_2269, %gather3A_21 : vector<16xi32>
      %jit3A_2271 = arith.constant 0 : i32
      %broadcast_in_dim3A_2272 = vector.broadcast %jit3A_2271 : i32 to vector<16xi32>
      %select_n3A_2273 = arith.select %ge3A_2267, %sub3A_2270, %broadcast_in_dim3A_2272 : vector<16xi1>, vector<16xi32>
      %add3A_2274 = arith.addi %add3A_2261, %select_n3A_2273 : vector<16xi32>
      %ge3A_2275 = arith.cmpi sge, %sub3A_2188, %add3A_81 : vector<16xi32>
      %jit3A_2276 = arith.constant 0 : i32
      %broadcast_in_dim3A_2277 = vector.broadcast %jit3A_2276 : i32 to vector<16xi32>
      %select_n3A_2278 = arith.select %ge3A_2275, %gather3A_21, %broadcast_in_dim3A_2277 : vector<16xi1>, vector<16xi32>
      %add3A_2279 = arith.addi %add3A_2266, %select_n3A_2278 : vector<16xi32>
      %ge3A_2280 = arith.cmpi sge, %add3A_2187, %add3A_87 : vector<16xi32>
      %sub3A_2281 = arith.constant 4096 : i32
      %sub3A_2282 = vector.broadcast %sub3A_2281 : i32 to vector<16xi32>
      %sub3A_2283 = arith.subi %sub3A_2282, %gather3A_24 : vector<16xi32>
      %jit3A_2284 = arith.constant 0 : i32
      %broadcast_in_dim3A_2285 = vector.broadcast %jit3A_2284 : i32 to vector<16xi32>
      %select_n3A_2286 = arith.select %ge3A_2280, %sub3A_2283, %broadcast_in_dim3A_2285 : vector<16xi1>, vector<16xi32>
      %add3A_2287 = arith.addi %add3A_2274, %select_n3A_2286 : vector<16xi32>
      %ge3A_2288 = arith.cmpi sge, %sub3A_2188, %add3A_86 : vector<16xi32>
      %jit3A_2289 = arith.constant 0 : i32
      %broadcast_in_dim3A_2290 = vector.broadcast %jit3A_2289 : i32 to vector<16xi32>
      %select_n3A_2291 = arith.select %ge3A_2288, %gather3A_24, %broadcast_in_dim3A_2290 : vector<16xi1>, vector<16xi32>
      %add3A_2292 = arith.addi %add3A_2279, %select_n3A_2291 : vector<16xi32>
      %ge3A_2293 = arith.cmpi sge, %add3A_2187, %add3A_92 : vector<16xi32>
      %sub3A_2294 = arith.constant 4096 : i32
      %sub3A_2295 = vector.broadcast %sub3A_2294 : i32 to vector<16xi32>
      %sub3A_2296 = arith.subi %sub3A_2295, %gather3A_27 : vector<16xi32>
      %jit3A_2297 = arith.constant 0 : i32
      %broadcast_in_dim3A_2298 = vector.broadcast %jit3A_2297 : i32 to vector<16xi32>
      %select_n3A_2299 = arith.select %ge3A_2293, %sub3A_2296, %broadcast_in_dim3A_2298 : vector<16xi1>, vector<16xi32>
      %add3A_2300 = arith.addi %add3A_2287, %select_n3A_2299 : vector<16xi32>
      %ge3A_2301 = arith.cmpi sge, %sub3A_2188, %add3A_91 : vector<16xi32>
      %jit3A_2302 = arith.constant 0 : i32
      %broadcast_in_dim3A_2303 = vector.broadcast %jit3A_2302 : i32 to vector<16xi32>
      %select_n3A_2304 = arith.select %ge3A_2301, %gather3A_27, %broadcast_in_dim3A_2303 : vector<16xi1>, vector<16xi32>
      %add3A_2305 = arith.addi %add3A_2292, %select_n3A_2304 : vector<16xi32>
      %ge3A_2306 = arith.cmpi sge, %add3A_2187, %add3A_97 : vector<16xi32>
      %sub3A_2307 = arith.constant 4096 : i32
      %sub3A_2308 = vector.broadcast %sub3A_2307 : i32 to vector<16xi32>
      %sub3A_2309 = arith.subi %sub3A_2308, %gather3A_30 : vector<16xi32>
      %jit3A_2310 = arith.constant 0 : i32
      %broadcast_in_dim3A_2311 = vector.broadcast %jit3A_2310 : i32 to vector<16xi32>
      %select_n3A_2312 = arith.select %ge3A_2306, %sub3A_2309, %broadcast_in_dim3A_2311 : vector<16xi1>, vector<16xi32>
      %add3A_2313 = arith.addi %add3A_2300, %select_n3A_2312 : vector<16xi32>
      %ge3A_2314 = arith.cmpi sge, %sub3A_2188, %add3A_96 : vector<16xi32>
      %jit3A_2315 = arith.constant 0 : i32
      %broadcast_in_dim3A_2316 = vector.broadcast %jit3A_2315 : i32 to vector<16xi32>
      %select_n3A_2317 = arith.select %ge3A_2314, %gather3A_30, %broadcast_in_dim3A_2316 : vector<16xi1>, vector<16xi32>
      %add3A_2318 = arith.addi %add3A_2305, %select_n3A_2317 : vector<16xi32>
      %ge3A_2319 = arith.cmpi sge, %add3A_2187, %add3A_102 : vector<16xi32>
      %sub3A_2320 = arith.constant 4096 : i32
      %sub3A_2321 = vector.broadcast %sub3A_2320 : i32 to vector<16xi32>
      %sub3A_2322 = arith.subi %sub3A_2321, %gather3A_33 : vector<16xi32>
      %jit3A_2323 = arith.constant 0 : i32
      %broadcast_in_dim3A_2324 = vector.broadcast %jit3A_2323 : i32 to vector<16xi32>
      %select_n3A_2325 = arith.select %ge3A_2319, %sub3A_2322, %broadcast_in_dim3A_2324 : vector<16xi1>, vector<16xi32>
      %add3A_2326 = arith.addi %add3A_2313, %select_n3A_2325 : vector<16xi32>
      %ge3A_2327 = arith.cmpi sge, %sub3A_2188, %add3A_101 : vector<16xi32>
      %jit3A_2328 = arith.constant 0 : i32
      %broadcast_in_dim3A_2329 = vector.broadcast %jit3A_2328 : i32 to vector<16xi32>
      %select_n3A_2330 = arith.select %ge3A_2327, %gather3A_33, %broadcast_in_dim3A_2329 : vector<16xi1>, vector<16xi32>
      %add3A_2331 = arith.addi %add3A_2318, %select_n3A_2330 : vector<16xi32>
      %ge3A_2332 = arith.cmpi sge, %add3A_2187, %add3A_107 : vector<16xi32>
      %sub3A_2333 = arith.constant 4096 : i32
      %sub3A_2334 = vector.broadcast %sub3A_2333 : i32 to vector<16xi32>
      %sub3A_2335 = arith.subi %sub3A_2334, %gather3A_36 : vector<16xi32>
      %jit3A_2336 = arith.constant 0 : i32
      %broadcast_in_dim3A_2337 = vector.broadcast %jit3A_2336 : i32 to vector<16xi32>
      %select_n3A_2338 = arith.select %ge3A_2332, %sub3A_2335, %broadcast_in_dim3A_2337 : vector<16xi1>, vector<16xi32>
      %add3A_2339 = arith.addi %add3A_2326, %select_n3A_2338 : vector<16xi32>
      %ge3A_2340 = arith.cmpi sge, %sub3A_2188, %add3A_106 : vector<16xi32>
      %jit3A_2341 = arith.constant 0 : i32
      %broadcast_in_dim3A_2342 = vector.broadcast %jit3A_2341 : i32 to vector<16xi32>
      %select_n3A_2343 = arith.select %ge3A_2340, %gather3A_36, %broadcast_in_dim3A_2342 : vector<16xi1>, vector<16xi32>
      %add3A_2344 = arith.addi %add3A_2331, %select_n3A_2343 : vector<16xi32>
      %ge3A_2345 = arith.cmpi sge, %add3A_2187, %add3A_112 : vector<16xi32>
      %sub3A_2346 = arith.constant 4096 : i32
      %sub3A_2347 = vector.broadcast %sub3A_2346 : i32 to vector<16xi32>
      %sub3A_2348 = arith.subi %sub3A_2347, %gather3A_39 : vector<16xi32>
      %jit3A_2349 = arith.constant 0 : i32
      %broadcast_in_dim3A_2350 = vector.broadcast %jit3A_2349 : i32 to vector<16xi32>
      %select_n3A_2351 = arith.select %ge3A_2345, %sub3A_2348, %broadcast_in_dim3A_2350 : vector<16xi1>, vector<16xi32>
      %add3A_2352 = arith.addi %add3A_2339, %select_n3A_2351 : vector<16xi32>
      %ge3A_2353 = arith.cmpi sge, %sub3A_2188, %add3A_111 : vector<16xi32>
      %jit3A_2354 = arith.constant 0 : i32
      %broadcast_in_dim3A_2355 = vector.broadcast %jit3A_2354 : i32 to vector<16xi32>
      %select_n3A_2356 = arith.select %ge3A_2353, %gather3A_39, %broadcast_in_dim3A_2355 : vector<16xi1>, vector<16xi32>
      %add3A_2357 = arith.addi %add3A_2344, %select_n3A_2356 : vector<16xi32>
      %ge3A_2358 = arith.cmpi sge, %add3A_2187, %add3A_117 : vector<16xi32>
      %sub3A_2359 = arith.constant 4096 : i32
      %sub3A_2360 = vector.broadcast %sub3A_2359 : i32 to vector<16xi32>
      %sub3A_2361 = arith.subi %sub3A_2360, %gather3A_42 : vector<16xi32>
      %jit3A_2362 = arith.constant 0 : i32
      %broadcast_in_dim3A_2363 = vector.broadcast %jit3A_2362 : i32 to vector<16xi32>
      %select_n3A_2364 = arith.select %ge3A_2358, %sub3A_2361, %broadcast_in_dim3A_2363 : vector<16xi1>, vector<16xi32>
      %add3A_2365 = arith.addi %add3A_2352, %select_n3A_2364 : vector<16xi32>
      %ge3A_2366 = arith.cmpi sge, %sub3A_2188, %add3A_116 : vector<16xi32>
      %jit3A_2367 = arith.constant 0 : i32
      %broadcast_in_dim3A_2368 = vector.broadcast %jit3A_2367 : i32 to vector<16xi32>
      %select_n3A_2369 = arith.select %ge3A_2366, %gather3A_42, %broadcast_in_dim3A_2368 : vector<16xi1>, vector<16xi32>
      %add3A_2370 = arith.addi %add3A_2357, %select_n3A_2369 : vector<16xi32>
      %ge3A_2371 = arith.cmpi sge, %add3A_2187, %add3A_122 : vector<16xi32>
      %sub3A_2372 = arith.constant 4096 : i32
      %sub3A_2373 = vector.broadcast %sub3A_2372 : i32 to vector<16xi32>
      %sub3A_2374 = arith.subi %sub3A_2373, %gather3A_45 : vector<16xi32>
      %jit3A_2375 = arith.constant 0 : i32
      %broadcast_in_dim3A_2376 = vector.broadcast %jit3A_2375 : i32 to vector<16xi32>
      %select_n3A_2377 = arith.select %ge3A_2371, %sub3A_2374, %broadcast_in_dim3A_2376 : vector<16xi1>, vector<16xi32>
      %add3A_2378 = arith.addi %add3A_2365, %select_n3A_2377 : vector<16xi32>
      %ge3A_2379 = arith.cmpi sge, %sub3A_2188, %add3A_121 : vector<16xi32>
      %jit3A_2380 = arith.constant 0 : i32
      %broadcast_in_dim3A_2381 = vector.broadcast %jit3A_2380 : i32 to vector<16xi32>
      %select_n3A_2382 = arith.select %ge3A_2379, %gather3A_45, %broadcast_in_dim3A_2381 : vector<16xi1>, vector<16xi32>
      %add3A_2383 = arith.addi %add3A_2370, %select_n3A_2382 : vector<16xi32>
      %ge3A_2384 = arith.cmpi sge, %add3A_2187, %add3A_127 : vector<16xi32>
      %sub3A_2385 = arith.constant 4096 : i32
      %sub3A_2386 = vector.broadcast %sub3A_2385 : i32 to vector<16xi32>
      %sub3A_2387 = arith.subi %sub3A_2386, %gather3A_48 : vector<16xi32>
      %jit3A_2388 = arith.constant 0 : i32
      %broadcast_in_dim3A_2389 = vector.broadcast %jit3A_2388 : i32 to vector<16xi32>
      %select_n3A_2390 = arith.select %ge3A_2384, %sub3A_2387, %broadcast_in_dim3A_2389 : vector<16xi1>, vector<16xi32>
      %add3A_2391 = arith.addi %add3A_2378, %select_n3A_2390 : vector<16xi32>
      %ge3A_2392 = arith.cmpi sge, %sub3A_2188, %add3A_126 : vector<16xi32>
      %jit3A_2393 = arith.constant 0 : i32
      %broadcast_in_dim3A_2394 = vector.broadcast %jit3A_2393 : i32 to vector<16xi32>
      %select_n3A_2395 = arith.select %ge3A_2392, %gather3A_48, %broadcast_in_dim3A_2394 : vector<16xi1>, vector<16xi32>
      %add3A_2396 = arith.addi %add3A_2383, %select_n3A_2395 : vector<16xi32>
      %lt3A_2397 = arith.cmpi slt, %add3A_2187, %add3A_127 : vector<16xi32>
      %select_n3A_2398 = arith.select %lt3A_2397, %add3A_2391, %add3A_2396 : vector<16xi1>, vector<16xi32>
      %swap3A_2399 = arith.index_cast %scan3A_1958 : i32 to index
      %swap3A_2400 = arith.constant 16 : index
      %swap3A_2401 = tpu.vector_load %arg6[%swap3A_2399, %swap3A_2400] {strides = array<i32>} : memref<64x32xi32, #tpu.memory_space<vmem>>, vector<16xi32>,
      tpu.vector_store %arg6[%swap3A_2399, %swap3A_2400], %select_n3A_2398 {strides = array<i32>} : memref<64x32xi32, #tpu.memory_space<vmem>>, vector<16xi32>,
      %scan3A_2402 = arith.constant 0 : i32
      scf.yield %scan3A_2402 : i32
    }
    %scan3A_1927 = arith.constant 60 : i32
    %scan3A_1928 = arith.constant 0 : i32
    %scan3A_1929 = arith.constant 0 : i32
    %scan3A_1930 = arith.constant 16 : i32
    %scan3A_1931 = arith.addi %scan3A_1929, %scan3A_1930 : i32
    %scan3A_1932 = arith.constant 1 : i32
    %scan3A_1933 = scf.for %scan3A_1958 = %scan3A_1929 to %scan3A_1931 step %scan3A_1932 iter_args(%scan3A_1959 = %scan3A_1928) -> (i32)  : i32 {
      %mul3A_1960 = arith.constant 4 : i32
      %mul3A_1961 = arith.muli %scan3A_1958, %mul3A_1960 : i32
      %add3A_1962 = arith.constant 0 : i32
      %add3A_1963 = arith.addi %mul3A_1961, %add3A_1962 : i32
      %dma_wait3A_1964 = arith.constant 0 : i32
      %dma_wait3A_1965 = arith.constant 0 : i32
      %dma_wait3A_1966 = tpu.memref_slice %arg6[%dma_wait3A_1964, %dma_wait3A_1965] : memref<64x32xi32, #tpu.memory_space<vmem>> -> memref<1x32xi32, #tpu.memory_space<vmem>>
      %dma_wait3A_1967 = tpu.memref_squeeze %dma_wait3A_1966 : memref<1x32xi32, #tpu.memory_space<vmem>> -> memref<32xi32, #tpu.memory_space<vmem>>
      %dma_wait3A_1968 = arith.constant 0 : i32
      %dma_wait3A_1969 = arith.constant 0 : i32
      %dma_wait3A_1970 = tpu.memref_slice %arg2[%dma_wait3A_1968, %dma_wait3A_1969] : memref<65536x512xf32, #tpu.memory_space<hbm>> -> memref<65536x512xf32, #tpu.memory_space<hbm>>
      tpu.wait_indirect_dma semaphore(%arg11 : memref<!tpu.dma_semaphore, #tpu.memory_space<semaphore_mem>>) src(%dma_wait3A_1970 : memref<65536x512xf32, #tpu.memory_space<hbm>>) dst(%arg7 : memref<32x512xf32, #tpu.memory_space<vmem>>)
      %mul3A_1971 = arith.constant 32 : i32
      %mul3A_1972 = arith.muli %add3A_1963, %mul3A_1971 : i32
      %add3A_1973 = arith.addi %mul3A_2, %mul3A_1972 : i32
      %dma_start3A_1974 = arith.constant 0 : i32
      %dma_start3A_1975 = tpu.memref_slice %arg4[%add3A_1973, %dma_start3A_1974] : memref<65536x512xf32, #tpu.memory_space<hbm>> -> memref<32x512xf32, #tpu.memory_space<hbm>>
      %dma_start3A_1976 = arith.constant 0 : i32
      %dma_start3A_1977 = tpu.memref_slice %arg4[%add3A_1973, %dma_start3A_1976] : memref<65536x512xf32, #tpu.memory_space<hbm>> -> memref<32x512xf32, #tpu.memory_space<hbm>>
      tpu.enqueue_dma source(%arg7 : memref<32x512xf32, #tpu.memory_space<vmem>>) target(%dma_start3A_1977 : memref<32x512xf32, #tpu.memory_space<hbm>>) target_semaphore(%arg15 : memref<!tpu.dma_semaphore, #tpu.memory_space<semaphore_mem>>)
      %mul3A_1978 = arith.constant 4 : i32
      %mul3A_1979 = arith.muli %scan3A_1958, %mul3A_1978 : i32
      %add3A_1980 = arith.constant 1 : i32
      %add3A_1981 = arith.addi %mul3A_1979, %add3A_1980 : i32
      %dma_wait3A_1982 = arith.constant 0 : i32
      %dma_wait3A_1983 = arith.constant 0 : i32
      %dma_wait3A_1984 = tpu.memref_slice %arg6[%dma_wait3A_1982, %dma_wait3A_1983] : memref<64x32xi32, #tpu.memory_space<vmem>> -> memref<1x32xi32, #tpu.memory_space<vmem>>
      %dma_wait3A_1985 = tpu.memref_squeeze %dma_wait3A_1984 : memref<1x32xi32, #tpu.memory_space<vmem>> -> memref<32xi32, #tpu.memory_space<vmem>>
      %dma_wait3A_1986 = arith.constant 0 : i32
      %dma_wait3A_1987 = arith.constant 0 : i32
      %dma_wait3A_1988 = tpu.memref_slice %arg2[%dma_wait3A_1986, %dma_wait3A_1987] : memref<65536x512xf32, #tpu.memory_space<hbm>> -> memref<65536x512xf32, #tpu.memory_space<hbm>>
      tpu.wait_indirect_dma semaphore(%arg12 : memref<!tpu.dma_semaphore, #tpu.memory_space<semaphore_mem>>) src(%dma_wait3A_1988 : memref<65536x512xf32, #tpu.memory_space<hbm>>) dst(%arg8 : memref<32x512xf32, #tpu.memory_space<vmem>>)
      %mul3A_1989 = arith.constant 32 : i32
      %mul3A_1990 = arith.muli %add3A_1981, %mul3A_1989 : i32
      %add3A_1991 = arith.addi %mul3A_2, %mul3A_1990 : i32
      %dma_start3A_1992 = arith.constant 0 : i32
      %dma_start3A_1993 = tpu.memref_slice %arg4[%add3A_1991, %dma_start3A_1992] : memref<65536x512xf32, #tpu.memory_space<hbm>> -> memref<32x512xf32, #tpu.memory_space<hbm>>
      %dma_start3A_1994 = arith.constant 0 : i32
      %dma_start3A_1995 = tpu.memref_slice %arg4[%add3A_1991, %dma_start3A_1994] : memref<65536x512xf32, #tpu.memory_space<hbm>> -> memref<32x512xf32, #tpu.memory_space<hbm>>
      tpu.enqueue_dma source(%arg8 : memref<32x512xf32, #tpu.memory_space<vmem>>) target(%dma_start3A_1995 : memref<32x512xf32, #tpu.memory_space<hbm>>) target_semaphore(%arg16 : memref<!tpu.dma_semaphore, #tpu.memory_space<semaphore_mem>>)
      %mul3A_1996 = arith.constant 4 : i32
      %mul3A_1997 = arith.muli %scan3A_1958, %mul3A_1996 : i32
      %add3A_1998 = arith.constant 2 : i32
      %add3A_1999 = arith.addi %mul3A_1997, %add3A_1998 : i32
      %dma_wait3A_2000 = arith.constant 0 : i32
      %dma_wait3A_2001 = arith.constant 0 : i32
      %dma_wait3A_2002 = tpu.memref_slice %arg6[%dma_wait3A_2000, %dma_wait3A_2001] : memref<64x32xi32, #tpu.memory_space<vmem>> -> memref<1x32xi32, #tpu.memory_space<vmem>>
      %dma_wait3A_2003 = tpu.memref_squeeze %dma_wait3A_2002 : memref<1x32xi32, #tpu.memory_space<vmem>> -> memref<32xi32, #tpu.memory_space<vmem>>
      %dma_wait3A_2004 = arith.constant 0 : i32
      %dma_wait3A_2005 = arith.constant 0 : i32
      %dma_wait3A_2006 = tpu.memref_slice %arg2[%dma_wait3A_2004, %dma_wait3A_2005] : memref<65536x512xf32, #tpu.memory_space<hbm>> -> memref<65536x512xf32, #tpu.memory_space<hbm>>
      tpu.wait_indirect_dma semaphore(%arg13 : memref<!tpu.dma_semaphore, #tpu.memory_space<semaphore_mem>>) src(%dma_wait3A_2006 : memref<65536x512xf32, #tpu.memory_space<hbm>>) dst(%arg9 : memref<32x512xf32, #tpu.memory_space<vmem>>)
      %mul3A_2007 = arith.constant 32 : i32
      %mul3A_2008 = arith.muli %add3A_1999, %mul3A_2007 : i32
      %add3A_2009 = arith.addi %mul3A_2, %mul3A_2008 : i32
      %dma_start3A_2010 = arith.constant 0 : i32
      %dma_start3A_2011 = tpu.memref_slice %arg4[%add3A_2009, %dma_start3A_2010] : memref<65536x512xf32, #tpu.memory_space<hbm>> -> memref<32x512xf32, #tpu.memory_space<hbm>>
      %dma_start3A_2012 = arith.constant 0 : i32
      %dma_start3A_2013 = tpu.memref_slice %arg4[%add3A_2009, %dma_start3A_2012] : memref<65536x512xf32, #tpu.memory_space<hbm>> -> memref<32x512xf32, #tpu.memory_space<hbm>>
      tpu.enqueue_dma source(%arg9 : memref<32x512xf32, #tpu.memory_space<vmem>>) target(%dma_start3A_2013 : memref<32x512xf32, #tpu.memory_space<hbm>>) target_semaphore(%arg17 : memref<!tpu.dma_semaphore, #tpu.memory_space<semaphore_mem>>)
      %mul3A_2014 = arith.constant 4 : i32
      %mul3A_2015 = arith.muli %scan3A_1958, %mul3A_2014 : i32
      %add3A_2016 = arith.constant 3 : i32
      %add3A_2017 = arith.addi %mul3A_2015, %add3A_2016 : i32
      %dma_wait3A_2018 = arith.constant 0 : i32
      %dma_wait3A_2019 = arith.constant 0 : i32
      %dma_wait3A_2020 = tpu.memref_slice %arg6[%dma_wait3A_2018, %dma_wait3A_2019] : memref<64x32xi32, #tpu.memory_space<vmem>> -> memref<1x32xi32, #tpu.memory_space<vmem>>
      %dma_wait3A_2021 = tpu.memref_squeeze %dma_wait3A_2020 : memref<1x32xi32, #tpu.memory_space<vmem>> -> memref<32xi32, #tpu.memory_space<vmem>>
      %dma_wait3A_2022 = arith.constant 0 : i32
      %dma_wait3A_2023 = arith.constant 0 : i32
      %dma_wait3A_2024 = tpu.memref_slice %arg2[%dma_wait3A_2022, %dma_wait3A_2023] : memref<65536x512xf32, #tpu.memory_space<hbm>> -> memref<65536x512xf32, #tpu.memory_space<hbm>>
      tpu.wait_indirect_dma semaphore(%arg14 : memref<!tpu.dma_semaphore, #tpu.memory_space<semaphore_mem>>) src(%dma_wait3A_2024 : memref<65536x512xf32, #tpu.memory_space<hbm>>) dst(%arg10 : memref<32x512xf32, #tpu.memory_space<vmem>>)
      %mul3A_2025 = arith.constant 32 : i32
      %mul3A_2026 = arith.muli %add3A_2017, %mul3A_2025 : i32
      %add3A_2027 = arith.addi %mul3A_2, %mul3A_2026 : i32
      %dma_start3A_2028 = arith.constant 0 : i32
      %dma_start3A_2029 = tpu.memref_slice %arg4[%add3A_2027, %dma_start3A_2028] : memref<65536x512xf32, #tpu.memory_space<hbm>> -> memref<32x512xf32, #tpu.memory_space<hbm>>
      %dma_start3A_2030 = arith.constant 0 : i32
      %dma_start3A_2031 = tpu.memref_slice %arg4[%add3A_2027, %dma_start3A_2030] : memref<65536x512xf32, #tpu.memory_space<hbm>> -> memref<32x512xf32, #tpu.memory_space<hbm>>
      tpu.enqueue_dma source(%arg10 : memref<32x512xf32, #tpu.memory_space<vmem>>) target(%dma_start3A_2031 : memref<32x512xf32, #tpu.memory_space<hbm>>) target_semaphore(%arg18 : memref<!tpu.dma_semaphore, #tpu.memory_space<semaphore_mem>>)
      %add3A_2032 = arith.constant 1 : i32
      %add3A_2033 = arith.addi %scan3A_1958, %add3A_2032 : i32
      %lt3A_2034 = arith.constant 16 : i32
      %lt3A_2035 = arith.cmpi slt, %add3A_2033, %lt3A_2034 : i32
      %convert_element_type3A = arith.extui %lt3A_2035 : i1 to i32
      %cond3A = arith.constant 0 : i32
      %cond3A_2036 = arith.cmpi ne, %convert_element_type3A, %cond3A : i32
      scf.if %cond3A_2036 {
        %dma_wait3A_2038 = arith.constant 0 : i32
        %dma_wait3A_2039 = arith.constant 0 : i32
        %dma_wait3A_2040 = tpu.memref_slice %arg4[%dma_wait3A_2038, %dma_wait3A_2039] : memref<65536x512xf32, #tpu.memory_space<hbm>> -> memref<32x512xf32, #tpu.memory_space<hbm>>
        %dma_wait3A_2041 = arith.constant 0 : i32
        %dma_wait3A_2042 = arith.constant 0 : i32
        %dma_wait3A_2043 = tpu.memref_slice %arg4[%dma_wait3A_2041, %dma_wait3A_2042] : memref<65536x512xf32, #tpu.memory_space<hbm>> -> memref<32x512xf32, #tpu.memory_space<hbm>>
        tpu.wait_dma2 semaphore(%arg15 : memref<!tpu.dma_semaphore, #tpu.memory_space<semaphore_mem>>) src(%arg7 : memref<32x512xf32, #tpu.memory_space<vmem>>) dst(%dma_wait3A_2043 : memref<32x512xf32, #tpu.memory_space<hbm>>)
        %mul3A_2044 = arith.constant 4 : i32
        %mul3A_2045 = arith.muli %scan3A_1958, %mul3A_2044 : i32
        %add3A_2046 = arith.constant 0 : i32
        %add3A_2047 = arith.addi %mul3A_2045, %add3A_2046 : i32
        %add3A_2048 = arith.constant 4 : i32
        %add3A_2049 = arith.addi %add3A_2047, %add3A_2048 : i32
        %dma_start3A_2050 = arith.constant 0 : i32
        %dma_start3A_2051 = tpu.memref_slice %arg6[%add3A_2049, %dma_start3A_2050] : memref<64x32xi32, #tpu.memory_space<vmem>> -> memref<1x32xi32, #tpu.memory_space<vmem>>
        %dma_start3A_2052 = tpu.memref_squeeze %dma_start3A_2051 : memref<1x32xi32, #tpu.memory_space<vmem>> -> memref<32xi32, #tpu.memory_space<vmem>>
        %dma_start3A_2053 = arith.constant 0 : i32
        %dma_start3A_2054 = arith.constant 0 : i32
        %dma_start3A_2055 = tpu.memref_slice %arg2[%dma_start3A_2053, %dma_start3A_2054] : memref<65536x512xf32, #tpu.memory_space<hbm>> -> memref<65536x512xf32, #tpu.memory_space<hbm>>
        tpu.enqueue_indirect_dma source(%dma_start3A_2055 : memref<65536x512xf32, #tpu.memory_space<hbm>>) target(%arg7 : memref<32x512xf32, #tpu.memory_space<vmem>>) offsets(%dma_start3A_2052 : memref<32xi32, #tpu.memory_space<vmem>>) semaphore(%arg11 : memref<!tpu.dma_semaphore, #tpu.memory_space<semaphore_mem>>)
        %dma_wait3A_2056 = arith.constant 0 : i32
        %dma_wait3A_2057 = arith.constant 0 : i32
        %dma_wait3A_2058 = tpu.memref_slice %arg4[%dma_wait3A_2056, %dma_wait3A_2057] : memref<65536x512xf32, #tpu.memory_space<hbm>> -> memref<32x512xf32, #tpu.memory_space<hbm>>
        %dma_wait3A_2059 = arith.constant 0 : i32
        %dma_wait3A_2060 = arith.constant 0 : i32
        %dma_wait3A_2061 = tpu.memref_slice %arg4[%dma_wait3A_2059, %dma_wait3A_2060] : memref<65536x512xf32, #tpu.memory_space<hbm>> -> memref<32x512xf32, #tpu.memory_space<hbm>>
        tpu.wait_dma2 semaphore(%arg16 : memref<!tpu.dma_semaphore, #tpu.memory_space<semaphore_mem>>) src(%arg8 : memref<32x512xf32, #tpu.memory_space<vmem>>) dst(%dma_wait3A_2061 : memref<32x512xf32, #tpu.memory_space<hbm>>)
        %mul3A_2062 = arith.constant 4 : i32
        %mul3A_2063 = arith.muli %scan3A_1958, %mul3A_2062 : i32
        %add3A_2064 = arith.constant 1 : i32
        %add3A_2065 = arith.addi %mul3A_2063, %add3A_2064 : i32
        %add3A_2066 = arith.constant 4 : i32
        %add3A_2067 = arith.addi %add3A_2065, %add3A_2066 : i32
        %dma_start3A_2068 = arith.constant 0 : i32
        %dma_start3A_2069 = tpu.memref_slice %arg6[%add3A_2067, %dma_start3A_2068] : memref<64x32xi32, #tpu.memory_space<vmem>> -> memref<1x32xi32, #tpu.memory_space<vmem>>
        %dma_start3A_2070 = tpu.memref_squeeze %dma_start3A_2069 : memref<1x32xi32, #tpu.memory_space<vmem>> -> memref<32xi32, #tpu.memory_space<vmem>>
        %dma_start3A_2071 = arith.constant 0 : i32
        %dma_start3A_2072 = arith.constant 0 : i32
        %dma_start3A_2073 = tpu.memref_slice %arg2[%dma_start3A_2071, %dma_start3A_2072] : memref<65536x512xf32, #tpu.memory_space<hbm>> -> memref<65536x512xf32, #tpu.memory_space<hbm>>
        tpu.enqueue_indirect_dma source(%dma_start3A_2073 : memref<65536x512xf32, #tpu.memory_space<hbm>>) target(%arg8 : memref<32x512xf32, #tpu.memory_space<vmem>>) offsets(%dma_start3A_2070 : memref<32xi32, #tpu.memory_space<vmem>>) semaphore(%arg12 : memref<!tpu.dma_semaphore, #tpu.memory_space<semaphore_mem>>)
        %dma_wait3A_2074 = arith.constant 0 : i32
        %dma_wait3A_2075 = arith.constant 0 : i32
        %dma_wait3A_2076 = tpu.memref_slice %arg4[%dma_wait3A_2074, %dma_wait3A_2075] : memref<65536x512xf32, #tpu.memory_space<hbm>> -> memref<32x512xf32, #tpu.memory_space<hbm>>
        %dma_wait3A_2077 = arith.constant 0 : i32
        %dma_wait3A_2078 = arith.constant 0 : i32
        %dma_wait3A_2079 = tpu.memref_slice %arg4[%dma_wait3A_2077, %dma_wait3A_2078] : memref<65536x512xf32, #tpu.memory_space<hbm>> -> memref<32x512xf32, #tpu.memory_space<hbm>>
        tpu.wait_dma2 semaphore(%arg17 : memref<!tpu.dma_semaphore, #tpu.memory_space<semaphore_mem>>) src(%arg9 : memref<32x512xf32, #tpu.memory_space<vmem>>) dst(%dma_wait3A_2079 : memref<32x512xf32, #tpu.memory_space<hbm>>)
        %mul3A_2080 = arith.constant 4 : i32
        %mul3A_2081 = arith.muli %scan3A_1958, %mul3A_2080 : i32
        %add3A_2082 = arith.constant 2 : i32
        %add3A_2083 = arith.addi %mul3A_2081, %add3A_2082 : i32
        %add3A_2084 = arith.constant 4 : i32
        %add3A_2085 = arith.addi %add3A_2083, %add3A_2084 : i32
        %dma_start3A_2086 = arith.constant 0 : i32
        %dma_start3A_2087 = tpu.memref_slice %arg6[%add3A_2085, %dma_start3A_2086] : memref<64x32xi32, #tpu.memory_space<vmem>> -> memref<1x32xi32, #tpu.memory_space<vmem>>
        %dma_start3A_2088 = tpu.memref_squeeze %dma_start3A_2087 : memref<1x32xi32, #tpu.memory_space<vmem>> -> memref<32xi32, #tpu.memory_space<vmem>>
        %dma_start3A_2089 = arith.constant 0 : i32
        %dma_start3A_2090 = arith.constant 0 : i32
        %dma_start3A_2091 = tpu.memref_slice %arg2[%dma_start3A_2089, %dma_start3A_2090] : memref<65536x512xf32, #tpu.memory_space<hbm>> -> memref<65536x512xf32, #tpu.memory_space<hbm>>
        tpu.enqueue_indirect_dma source(%dma_start3A_2091 : memref<65536x512xf32, #tpu.memory_space<hbm>>) target(%arg9 : memref<32x512xf32, #tpu.memory_space<vmem>>) offsets(%dma_start3A_2088 : memref<32xi32, #tpu.memory_space<vmem>>) semaphore(%arg13 : memref<!tpu.dma_semaphore, #tpu.memory_space<semaphore_mem>>)
        %dma_wait3A_2092 = arith.constant 0 : i32
        %dma_wait3A_2093 = arith.constant 0 : i32
        %dma_wait3A_2094 = tpu.memref_slice %arg4[%dma_wait3A_2092, %dma_wait3A_2093] : memref<65536x512xf32, #tpu.memory_space<hbm>> -> memref<32x512xf32, #tpu.memory_space<hbm>>
        %dma_wait3A_2095 = arith.constant 0 : i32
        %dma_wait3A_2096 = arith.constant 0 : i32
        %dma_wait3A_2097 = tpu.memref_slice %arg4[%dma_wait3A_2095, %dma_wait3A_2096] : memref<65536x512xf32, #tpu.memory_space<hbm>> -> memref<32x512xf32, #tpu.memory_space<hbm>>
        tpu.wait_dma2 semaphore(%arg18 : memref<!tpu.dma_semaphore, #tpu.memory_space<semaphore_mem>>) src(%arg10 : memref<32x512xf32, #tpu.memory_space<vmem>>) dst(%dma_wait3A_2097 : memref<32x512xf32, #tpu.memory_space<hbm>>)
        %mul3A_2098 = arith.constant 4 : i32
        %mul3A_2099 = arith.muli %scan3A_1958, %mul3A_2098 : i32
        %add3A_2100 = arith.constant 3 : i32
        %add3A_2101 = arith.addi %mul3A_2099, %add3A_2100 : i32
        %add3A_2102 = arith.constant 4 : i32
        %add3A_2103 = arith.addi %add3A_2101, %add3A_2102 : i32
        %dma_start3A_2104 = arith.constant 0 : i32
        %dma_start3A_2105 = tpu.memref_slice %arg6[%add3A_2103, %dma_start3A_2104] : memref<64x32xi32, #tpu.memory_space<vmem>> -> memref<1x32xi32, #tpu.memory_space<vmem>>
        %dma_start3A_2106 = tpu.memref_squeeze %dma_start3A_2105 : memref<1x32xi32, #tpu.memory_space<vmem>> -> memref<32xi32, #tpu.memory_space<vmem>>
        %dma_start3A_2107 = arith.constant 0 : i32
        %dma_start3A_2108 = arith.constant 0 : i32
        %dma_start3A_2109 = tpu.memref_slice %arg2[%dma_start3A_2107, %dma_start3A_2108] : memref<65536x512xf32, #tpu.memory_space<hbm>> -> memref<65536x512xf32, #tpu.memory_space<hbm>>
        tpu.enqueue_indirect_dma source(%dma_start3A_2109 : memref<65536x512xf32, #tpu.memory_space<hbm>>) target(%arg10 : memref<32x512xf32, #tpu.memory_space<vmem>>) offsets(%dma_start3A_2106 : memref<32xi32, #tpu.memory_space<vmem>>) semaphore(%arg14 : memref<!tpu.dma_semaphore, #tpu.memory_space<semaphore_mem>>)
      } else {
      }
      %scan3A_2037 = arith.constant 0 : i32
      scf.yield %scan3A_2037 : i32
    }
    %scan3A_1934 = arith.constant 16 : i32
    %dma_wait3A = arith.constant 0 : i32
    %dma_wait3A_1935 = arith.constant 0 : i32
    %dma_wait3A_1936 = tpu.memref_slice %arg4[%dma_wait3A, %dma_wait3A_1935] : memref<65536x512xf32, #tpu.memory_space<hbm>> -> memref<32x512xf32, #tpu.memory_space<hbm>>
    %dma_wait3A_1937 = arith.constant 0 : i32
    %dma_wait3A_1938 = arith.constant 0 : i32
    %dma_wait3A_1939 = tpu.memref_slice %arg4[%dma_wait3A_1937, %dma_wait3A_1938] : memref<65536x512xf32, #tpu.memory_space<hbm>> -> memref<32x512xf32, #tpu.memory_space<hbm>>
    tpu.wait_dma2 semaphore(%arg15 : memref<!tpu.dma_semaphore, #tpu.memory_space<semaphore_mem>>) src(%arg7 : memref<32x512xf32, #tpu.memory_space<vmem>>) dst(%dma_wait3A_1939 : memref<32x512xf32, #tpu.memory_space<hbm>>)
    %dma_wait3A_1940 = arith.constant 0 : i32
    %dma_wait3A_1941 = arith.constant 0 : i32
    %dma_wait3A_1942 = tpu.memref_slice %arg4[%dma_wait3A_1940, %dma_wait3A_1941] : memref<65536x512xf32, #tpu.memory_space<hbm>> -> memref<32x512xf32, #tpu.memory_space<hbm>>
    %dma_wait3A_1943 = arith.constant 0 : i32
    %dma_wait3A_1944 = arith.constant 0 : i32
    %dma_wait3A_1945 = tpu.memref_slice %arg4[%dma_wait3A_1943, %dma_wait3A_1944] : memref<65536x512xf32, #tpu.memory_space<hbm>> -> memref<32x512xf32, #tpu.memory_space<hbm>>
    tpu.wait_dma2 semaphore(%arg16 : memref<!tpu.dma_semaphore, #tpu.memory_space<semaphore_mem>>) src(%arg8 : memref<32x512xf32, #tpu.memory_space<vmem>>) dst(%dma_wait3A_1945 : memref<32x512xf32, #tpu.memory_space<hbm>>)
    %dma_wait3A_1946 = arith.constant 0 : i32
    %dma_wait3A_1947 = arith.constant 0 : i32
    %dma_wait3A_1948 = tpu.memref_slice %arg4[%dma_wait3A_1946, %dma_wait3A_1947] : memref<65536x512xf32, #tpu.memory_space<hbm>> -> memref<32x512xf32, #tpu.memory_space<hbm>>
    %dma_wait3A_1949 = arith.constant 0 : i32
    %dma_wait3A_1950 = arith.constant 0 : i32
    %dma_wait3A_1951 = tpu.memref_slice %arg4[%dma_wait3A_1949, %dma_wait3A_1950] : memref<65536x512xf32, #tpu.memory_space<hbm>> -> memref<32x512xf32, #tpu.memory_space<hbm>>
    tpu.wait_dma2 semaphore(%arg17 : memref<!tpu.dma_semaphore, #tpu.memory_space<semaphore_mem>>) src(%arg9 : memref<32x512xf32, #tpu.memory_space<vmem>>) dst(%dma_wait3A_1951 : memref<32x512xf32, #tpu.memory_space<hbm>>)
    %dma_wait3A_1952 = arith.constant 0 : i32
    %dma_wait3A_1953 = arith.constant 0 : i32
    %dma_wait3A_1954 = tpu.memref_slice %arg4[%dma_wait3A_1952, %dma_wait3A_1953] : memref<65536x512xf32, #tpu.memory_space<hbm>> -> memref<32x512xf32, #tpu.memory_space<hbm>>
    %dma_wait3A_1955 = arith.constant 0 : i32
    %dma_wait3A_1956 = arith.constant 0 : i32
    %dma_wait3A_1957 = tpu.memref_slice %arg4[%dma_wait3A_1955, %dma_wait3A_1956] : memref<65536x512xf32, #tpu.memory_space<hbm>> -> memref<32x512xf32, #tpu.memory_space<hbm>>
    tpu.wait_dma2 semaphore(%arg18 : memref<!tpu.dma_semaphore, #tpu.memory_space<semaphore_mem>>) src(%arg10 : memref<32x512xf32, #tpu.memory_space<vmem>>) dst(%dma_wait3A_1957 : memref<32x512xf32, #tpu.memory_space<hbm>>)
    return
  }
}

</mosaic_0001>

<sc_bundles>
// kernel: kernel.3.cloned.1.call-start
scs
__scs_entry_jumppad:
0x0: {  	(pc) =	sbr.rel $0x88, $3  }
0x1: {  	(tag) =	ssettag $0x0;
	lr =	simm.s32 $0x1  }
0x2: {  	[smem:$0x3F9F] =	sst lr;
	_ =	strace $0xD0000000  }
0x3: {  	_ = 	snop  }
0x4: {  	_ = 	snop  }
0x5: {  	_ = 	snop  }
0x6: {  	_ = 	snop  }
0x7: {  	_ = 	snop  }
__scs_overlays_trampoline_lowered:
0x8: {  	[smem:$0x3FAE] =	sst s0  }
0x9: {  	[smem:$0x3FAF] =	sst s1  }
0xa: {  	[smem:$0x3FB0] =	sst s2  }
0xb: {  	[smem:$0x3FB1] =	sst s3  }
0xc: {  	[smem:$0x3FB2] =	sst s4  }
0xd: {  	[smem:$0x3FB3] =	sst s5  }
0xe: {  	[smem:$0x3FB4] =	sst s6  }
0xf: {  	[smem:$0x3FB5] =	sst s7  }
0x10: {  	[smem:$0x3FB6] =	sst s8  }
0x11: {  	[smem:$0x3FB7] =	sst s9;
	s0 =	simm.s32 @!p0 $0x0  }
0x12: {  	s1 =	sld [smem:$0x3F9D];
	s0 =	simm.s32 @p0 $0x1  }
0x13: {  	[smem:$0x3FB8] =	sst s0;
	s0 =	simm.s32 @!p1 $0x0  }
0x14: {  	s2 =	sld [smem:$0x3F9C];
	s0 =	simm.s32 @p1 $0x1  }
0x15: {  	[smem:$0x3FB9] =	sst s0;
	s0 =	simm.s32 @!p2 $0x0  }
0x16: {  	s3 =	sld [smem:$0x3FDB];
	s0 =	simm.s32 @p2 $0x1  }
0x17: {  	s4 =	simm.s32 $0x1BF5;
	[smem:$0x3FBB] =	sst s0  }
0x18: {  	s0 =	sld [smem:$0x3F9E];
	_ =	swait.ge [sflag:s4], $0x0  }
0x19: {  	s7 =	sld [smem:$0x3F9F]  }
0x1a: {  	s8 =	sadd.s32 $0xFFFFE003, lr  }
0x1b: {  	s9 =	sadd.s32 $0xFFFFFEF7, lr;
	s5 =	simm.s32 $0xFFFFFFFF;
	p2 =	slt.u32 s8, $0xFFFFF086  }
0x1c: {  	p1 =	slt.u32 s9, $0xF7A;
	s5 =	simm.s32 @!p2 $0x0  }
0x1d: {  	s5 =	simm.s32 @p1 $0x1;
	p0 =	seq.s32 s7, s2  }
0x1e: {  	s7 =	smul.u32 @!p0 $0xF7A, s2;
	p2 =	seq.s32 @!p0 s5, $0x0  }
0x1f: {  	s9 =	smul.u32 $0xF7A, s1;
	s8 =	simm.s32 @!p0 $0x1BF5;
	p2 =	por !p2, p0  }
0x20: {  	[sflag:s8] =	ssyncset.s32 @!p0 $0xFFFFF086;
	s6 =	sadd.s32 @!p0 s3, s7;
	s7 =	simm.s32 @!p0 $0x108  }
0x21: {  	s3 =	sadd.s32 s3, s9;
	s6 =	sadd.s32 @!p0 $0x88, s6;
	s7 =	simm.s32 @p2 $0x1082  }
0x22: {  	[simem:s7], [sflag:s8] =	dma.local @!p0 [hbm:s6], $0xF7A  }
0x23: {  	s9 =	sor.u32 $0xD0000000, s2;
	s6 =	simm.s32 $0x108;
	_ =	swait.ge @!p0 [sflag:s8], $0x0  }
0x24: {  	s3 =	sadd.s32 $0x88, s3;
	s6 =	simm.s32 @!p1 $0x1082;
	[sflag:s4] =	ssyncset.s32 $0xFFFFF086  }
0x25: {  	[simem:s6], [sflag:s4] =	dma.local [hbm:s3], $0xF7A  }
0x26: {  	[smem:$0x3F9F] =	sst s1;
	(tag) =	ssettag s2;
	_ =	strace s9  }
0x27: {  	s1 =	sld [smem:$0x3FAF]  }
0x28: {  	s2 =	sld [smem:$0x3FB0]  }
0x29: {  	s4 =	sld [smem:$0x3FB2]  }
0x2a: {  	p0 =	seq.s32 s5, $0x0;
	s5 =	sld [smem:$0x3FB3]  }
0x2b: {  	s6 =	sld [smem:$0x3FB4]  }
0x2c: {  	s7 =	sld [smem:$0x3FB5]  }
0x2d: {  	s3 =	simm.s32 $0x108;
	s8 =	sld [smem:$0x3FB6]  }
0x2e: {  	s3 =	simm.s32 @!p0 $0x1082;
	s9 =	sld [smem:$0x3FB7]  }
0x2f: {  	lr =	sadd.s32 s0, s3;
	s0 =	sld [smem:$0x3FAE]  }
0x30: {  	s3 =	sld [smem:$0x3FB1]  }
0x31: {  	[smem:$0x3FBA] =	sst s10  }
0x32: {  	s10 =	sld [smem:$0x3FB8];
	_ =	sdelay $0x3  }
0x33: {  	p0 =	seq.s32 s10, $0x1;
	s10 =	sld [smem:$0x3FBA];
	_ =	sdelay $0x3  }
0x34: {  	[smem:$0x3FBA] =	sst s10  }
0x35: {  	s10 =	sld [smem:$0x3FB9];
	_ =	sdelay $0x3  }
0x36: {  	p1 =	seq.s32 s10, $0x1;
	s10 =	sld [smem:$0x3FBA];
	_ =	sdelay $0x3  }
0x37: {  	[smem:$0x3FBA] =	sst s10  }
0x38: {  	s10 =	sld [smem:$0x3FBB]  }
0x39: {  	_ = 	snop;
	(pc) =	sbr.ind lr, $3  }
0x3a: {  	_ = 	snop  }
0x3b: {  	_ = 	snop  }
0x3c: {  	p2 =	seq.s32 s10, $0x1;
	s10 =	sld [smem:$0x3FBA]  }
0x3d: {  	_ =	shalt  }
0x3e: {  	_ =	shalt  }
0x3f: {  	_ =	shalt  }
0x40: {  	_ =	shalt  }
0x41: {  	_ =	shalt  }
0x42: {  	_ =	shalt  }
0x43: {  	_ =	shalt  }
0x44: {  	_ =	shalt  }
0x45: {  	_ =	shalt  }
0x46: {  	_ =	shalt  }
0x47: {  	_ =	shalt  }
0x48: {  	_ =	shalt  }
0x49: {  	_ =	shalt  }
0x4a: {  	_ =	shalt  }
0x4b: {  	_ =	shalt  }
0x4c: {  	_ =	shalt  }
0x4d: {  	_ =	shalt  }
0x4e: {  	_ =	shalt  }
0x4f: {  	_ =	shalt  }
0x50: {  	_ =	shalt  }
0x51: {  	_ =	shalt  }
0x52: {  	_ =	shalt  }
0x53: {  	_ =	shalt  }
0x54: {  	_ =	shalt  }
0x55: {  	_ =	shalt  }
0x56: {  	_ =	shalt  }
0x57: {  	_ =	shalt  }
0x58: {  	_ =	shalt  }
0x59: {  	_ =	shalt  }
0x5a: {  	_ =	shalt  }
0x5b: {  	_ =	shalt  }
0x5c: {  	_ =	shalt  }
0x5d: {  	_ =	shalt  }
0x5e: {  	_ =	shalt  }
0x5f: {  	_ =	shalt  }
0x60: {  	_ =	shalt  }
0x61: {  	_ =	shalt  }
0x62: {  	_ =	shalt  }
0x63: {  	_ =	shalt  }
0x64: {  	_ =	shalt  }
0x65: {  	_ =	shalt  }
0x66: {  	_ =	shalt  }
0x67: {  	_ =	shalt  }
0x68: {  	_ =	shalt  }
0x69: {  	_ =	shalt  }
0x6a: {  	_ =	shalt  }
0x6b: {  	_ =	shalt  }
0x6c: {  	_ =	shalt  }
0x6d: {  	_ =	shalt  }
0x6e: {  	_ =	shalt  }
0x6f: {  	_ =	shalt  }
0x70: {  	_ =	shalt  }
0x71: {  	_ =	shalt  }
0x72: {  	_ =	shalt  }
0x73: {  	_ =	shalt  }
0x74: {  	_ =	shalt  }
0x75: {  	_ =	shalt  }
0x76: {  	_ =	shalt  }
0x77: {  	_ =	shalt  }
0x78: {  	_ =	shalt  }
0x79: {  	_ =	shalt  }
0x7a: {  	_ =	shalt  }
0x7b: {  	_ =	shalt  }
0x7c: {  	_ =	shalt  }
0x7d: {  	_ =	shalt  }
0x7e: {  	_ =	shalt  }
0x7f: {  	_ =	shalt  }
0x80: {  	_ =	shalt  }
0x81: {  	_ =	shalt  }
0x82: {  	_ =	shalt  }
0x83: {  	_ =	shalt  }
0x84: {  	_ =	shalt  }
0x85: {  	_ =	shalt  }
0x86: {  	_ =	shalt  }
0x87: {  	_ =	shalt  }
.Lfunc_end0:
.L_simem_size_0:
called_computation_lowered:
.L_overlay_start_0:
0x88: {  	s2 =	sld [smem:$0x3FD9]  }
0x89: {  	s3 =	sld [smem:$0x3FFE];
	_ =	sdelay $0x1  }
0x8a: {  	s1 =	srdreg.scid  }
0x8b: {  	s0 =	sand.u32 $0x1, s1  }
0x8c: {  	s18 =	sshll.u32 s0, $0xA;
	s2 =	sadd.s32 s3, s2  }
0x8d: {  	s2 =	sadd.s32 s2, s18  }
0x8e: {  	[smem:$0x3FC6] =	sst s2  }
0x8f: {  	_ = 	snop  }
0x90: {  	s2 =	sld [smem:$0x3FC9]  }
0x91: {  	s19 =	sld [smem:$0x3FC8]  }
0x92: {  	s4 =	sld [smem:$0x3FD0];
	(tm) =	ssettm $0x1  }
0x93: {  	s5 =	sld [smem:$0x3FFB];
	_ =	sdelay $0x3  }
0x94: {  	_ =	strace s5  }
0x95: {  	s5 =	sld [smem:$0x3FFC];
	_ =	sdelay $0x3  }
0x96: {  	_ =	strace s5  }
0x97: {  	s5 =	sld [smem:$0x3FFD];
	_ =	sdelay $0x3  }
0x98: {  	_ =	strace s5  }
0x99: {  	_ =	strace $0x8FFFFFFF  }
0x9a: {  	s20 =	sld [smem:$0x3FDB];
	_ =	sdelay $0x1  }
0x9b: {  	s6 =	simm.s32 $_scs_section_size  }
0x9c: {  	s7 =	simm.s32 $_size__tile_overlayer_lowered;
	s8 =	simm.s32 $_tile_overlayer_lowered  }
0x9d: {  	s23 =	simm.s32 $0x1BFF;
	s22 =	sshll.u32 s8, $0x1;
	s5 =	sadd.s32 s6, s20  }
0x9e: {  	s9 =	simm.s32 $0x0;
	s21 =	sshll.u32 s7, $0x1;
	s7 =	sadd.s32 s22, s5  }
0x9f: {  	[timem:s9], [sflag:s23] =	dma.local [hbm:s7], s21  }
0xa0: {  	_ =	swait.ge [sflag:s23], s21  }
0xa1: {  	s6 =	ssub.s32 $0x0, s21;
	[sflag:s23] =	ssyncset.done $0x0  }
0xa2: {  	[sflag:s23] =	ssyncadd.s32 s6;
	_ =	sdelay $0x1  }
0xa3: {  	s24 =	simm.s32 $0x1B8B  }
0xa4: {  	_ =	swait.ge [sflag:s24], $0x1  }
0xa5: {  	[sflag:s24] =	ssyncset.done $0x0  }
0xa6: {  	s25 =	simm.s32 $0x1B8E;
	[sflag:s24] =	ssyncadd.s32 $0xFFFFFFFF  }
0xa7: {  	s26 =	simm.s32 $execute0_lowered;
	[smem:$0x3FD2] =	sst s25  }
0xa8: {  	s6 =	sshll.u32 s26, $0x1;
	_ =	strace $0x80000046;
	[dreg:$0x1] =	wrdreg $0xFFFFFFFF  }
0xa9: {  	s28 =	simm.s32 $_size_execute0_lowered;
	s5 =	sadd.s32 s5, s6;
	[dreg:$0x0] =	wrdreg $0x0  }
0xaa: {  	s6 =	sshll.u32 s28, $0x1;
	[dreg:$0x2] =	wrdreg s5  }
0xab: {  	[dreg:$0x3] =	wrdreg s6  }
0xac: {  	[dreg:$0x4] =	wrdreg $0xC0  }
0xad: {  	_ =	task [dreg:s9], $0x5FFFF  }
0xae: {  	[dreg:$0x1] =	wrdreg $0xFFFFFFFF  }
0xaf: {  	[dreg:$0x0] =	wrdreg $0x60  }
0xb0: {  	[dreg:$0x2] =	wrdreg s2  }
0xb1: {  	[dreg:$0x3] =	wrdreg s19  }
0xb2: {  	[dreg:$0x4] =	wrdreg s4  }
0xb3: {  	[dreg:$0x5] =	wrdreg $0x9  }
0xb4: {  	_ =	task.clear_ibuf [dreg:s9], $0x6FFFF;
	_ =	strace $0x90000046  }
0xb5: {  	s29 =	simm.s32 $0x9;
	_ =	strace $0x80000048  }
0xb6: {  	_ =	swait.ge [sflag:s29], $0x1  }
0xb7: {  	[sflag:s29] =	ssyncadd.s32 $0xFFFFFFFF  }
0xb8: {  	_ =	strace $0x90000048  }
0xb9: {  	_ =	sfence  }
0xba: {  	s30 =	sld [smem:$0x0];
	_ =	sdelay $0x2  }
0xbb: {  	s31 =	sshll.u32 s1, $0xD;
	s1 =	sshrl.u32 s1, $0x2  }
0xbc: {  	s3 =	sand.u32 $0x4000, s31;
	s1 =	sadd.s32 s1, s30  }
0xbd: {  	s0 =	sor.u32 s3, s0;
	s1 =	sshll.u32 s1, $0x11  }
0xbe: {  	s0 =	sor.u32 s1, s0  }
0xbf: {  	s0 =	sadd.s32 $0x8F2B, s0  }
0xc0: {  	[sflag:s0] =	ssyncadd.remote.s32 $0x1  }
0xc1: {  	_ =	sfence.sel $0xFFFF  }
0xc2: {  	[dreg:$0x0] =	wrdreg $0xFFFFFFFF;
	(pc) =	sbr.abs _section_cstart, $3  }
0xc3: {  	[dreg:$0x1] =	wrdreg $0xFFFFFFFF  }
0xc4: {  	_ =	task.clear_ibuf [dreg:s9], $0x2FFFF;
	_ =	strace $0x9FFFFFFF  }
0xc5: {  	(tm) =	ssettm $0x7FFFFFFF  }
tec
execute0_lowered:
.L_overlay_start_1:
0x0: {  	(tag) =	ssettag $0x1  }
0x1: {  	s1 =	rddreg [dreg:$0x0]  }
0x2: {  	s0 =	rddreg [dreg:$0x2];
	s4 =	simm.s32 $0x0;
	s2 =	srdreg.scid  }
0x3: {  	s8 =	stileid.u32;
	s9 =	simm.s32 $0x8;
	s11 =	simm.s32 $0x2080  }
0x4: {  	s31 =	simm.s32 $0x2880;
	s19 =	simm.s32 $0x6080;
	s28 =	simm.s32 $0xA080  }
0x5: {  	s17 =	simm.s32 $0x11880;
	s18 =	simm.s32 $0x1;
	s20 =	simm.s32 $0x2  }
0x6: {  	v1 =	vlaneseq.u32;
	s21 =	simm.s32 $0x3;
	s22 =	simm.s32 $0x4;
	s23 =	simm.s32 $0x5  }
0x7: {  	s24 =	simm.s32 $0x6;
	[smem:$0x7FF] =	sst s4;
	s2 =	sand.u32 $0x1, s2;
	v62 =	vshrl.u32 v1, $0x3;
	v37 =	vand.u32 $0x7, v1  }
0x8: {  	s5 =	sshll.u32 s8, $0xC;
	v39 =	vor.u32 $0x8, v1;
	s6 =	sshll.u32 s2, $0xB;
	_ =	strace $0x80000047;
	v38 =	vmul.u32 $0x8, v62;
	[tilespmem:$0x1FFD0] =	vst v37  }
0x9: {  	s25 =	simm.s32 $0x7;
	s26 =	simm.s32 $0x0;
	[tilespmem:$0x1FFF0] =	vst v39;
	s6 =	sor.u32 s6, s5  }
0xa: {  	s8 =	sshll.u32 s8, $0x12;
	s3 =	ssub.s32 $0x2, s2;
	s29 =	sor.u32 $0x10, s6;
	v0 =	vor.u32 s6, v1;
	[tilespmem:$0x1FFE0] =	vst v38  }
0xb: {  	s0 =	sadd.s32 s8, s0;
	s2 =	sshll.u32 s2, $0x11;
	s10 =	sor.u32 $0x20, s6;
	[tilespmem:$0x1FF40] =	vst v0;
	v55 =	vor.u32 s29, v1  }
0xc: {  	s7 =	sshrl.u32 s3, $0x1;
	s5 =	sadd.s32 $0x100, s1;
	s12 =	sor.u32 $0x30, s6;
	v56 =	vor.u32 s10, v1;
	[tilespmem:$0x1FF50] =	vst v55  }
0xd: {  	s8 =	sadd.s32 s2, s0;
	s2 =	simm.s32 $0xD080;
	s13 =	sor.u32 $0x40, s6;
	v57 =	vor.u32 s12, v1;
	[tilespmem:$0x1FF60] =	vst v56  }
0xe: {  	s3 =	ssub.s32 s3, s7;
	s14 =	sor.u32 $0x50, s6;
	s15 =	sor.u32 $0x60, s6;
	v58 =	vor.u32 s13, v1;
	[tilespmem:$0x1FF70] =	vst v57  }
.Ltmp0:
0xf: {  	s16 =	sor.u32 $0x70, s6;
	s30 =	sor.u32 $0x90, s6;
	v59 =	vor.u32 s14, v1;
	[tilespmem:$0x1FF80] =	vst v58;
	(pc) =	sbr.rel .LBB2_1-.Ltmp0, $4  }
0x10: {  	s6 =	simm.s32 $0xD880;
	s7 =	simm.s32 $0xE880;
	s3 =	smax.u32 s3, $0x1;
	v60 =	vor.u32 s15, v1;
	[tilespmem:$0x1FF90] =	vst v59  }
0x11: {  	vm3 =	vmmov $0xffff;
	v63 =	vimm.s32 $0x0;
	[dreg:$0x5] =	wrdreg s30;
	v61 =	vor.u32 s16, v1;
	s10 =	simm.s32 $0xE080;
	s12 =	simm.s32 $0xF080;
	[tilespmem:$0x1FFA0] =	vst v60  }
0x12: {  	s13 =	simm.s32 $0xF880;
	s14 =	simm.s32 $0x10080;
	s15 =	simm.s32 $0x10880;
	v0 =	vsel vm3, $0xFFFFFFFF, v63;
	[tilespmem:$0x1FFB0] =	vst v61  }
0x13: {  	s16 =	simm.s32 $0x11080;
	[dreg:$0x4] =	wrdreg s3;
	s3 =	simm.s32 $0xC880;
	[tilespmem:$0x1FFC0] =	vst v0  }
.LBB2_6:
0x14: {  	_ =	swait.ge [sflag:s23], $0x4000  }
0x15: {  	[sflag:s23] =	ssyncset.done $0x0  }
0x16: {  	[sflag:s23] =	ssyncadd.s32 $0xFFFFC000  }
0x17: {  	_ =	swait.ge [sflag:s24], $0x4000  }
0x18: {  	[sflag:s24] =	ssyncset.done $0x0  }
0x19: {  	[sflag:s24] =	ssyncadd.s32 $0xFFFFC000  }
0x1a: {  	_ =	swait.ge [sflag:s25], $0x4000  }
0x1b: {  	[sflag:s25] =	ssyncset.done $0x0  }
0x1c: {  	[sflag:s25] =	ssyncadd.s32 $0xFFFFC000  }
0x1d: {  	_ =	swait.ge [sflag:s9], $0x4000  }
0x1e: {  	s26 =	rddreg [dreg:$0x6]  }
0x1f: {  	s0 =	rddreg [dreg:$0x4];
	s26 =	sadd.s32 $0x1, s26  }
0x20: {  	p0 =	sne.s32 s26, s0  }
.Ltmp1:
0x21: {  	_ = 	snop;
	(pc) =	sbr.rel @!p0 .LBB2_7-.Ltmp1, $3  }
0x22: {  	_ =	sdelay $0x1  }
0x23: {  	[sflag:s9] =	ssyncset.done $0x0  }
0x24: {  	[sflag:s9] =	ssyncadd.s32 $0xFFFFC000  }
.LBB2_1:
0x25: {  	[dreg:$0x6] =	wrdreg s26  }
0x26: {  	s0 =	rddreg [dreg:$0x1];
	s26 =	simm.s32 $0x9;
	v0 =	vimm.s32 $0x8  }
0x27: {  	[tilespmem:s9], [sflag:$0x9] =	stream.linear.gather [hbm4b:s0+s4], $0x10, $0x38;
	[tilespmem:$0x12080] =	vst v63  }
0x28: {  	_ =	swait.ge [sflag:s26], $0x10  }
0x29: {  	[sflag:s26] =	ssyncset.done $0x0  }
0x2a: {  	[sflag:s26] =	ssyncadd.s32 $0xFFFFFFF0  }
0x2b: {  	v16 =	vld.idx.msk [tilespmem:v0+s4+$0x0], $0xffff;
	v0 =	vimm.s32 $0x9;
	_ =	sdelay $0x4  }
0x2c: {  	v42 =	vld.idx.msk [tilespmem:v0+s4+$0x0], $0xffff;
	v0 =	vimm.s32 $0xA;
	_ =	sdelay $0x4  }
0x2d: {  	v63 =	vld.idx.msk [tilespmem:v0+s4+$0x0], $0xffff;
	v0 =	vimm.s32 $0xB;
	_ =	sdelay $0x4  }
0x2e: {  	v62 =	vld.idx.msk [tilespmem:v0+s4+$0x0], $0xffff;
	v0 =	vimm.s32 $0xC;
	_ =	sdelay $0x4  }
0x2f: {  	v61 =	vld.idx.msk [tilespmem:v0+s4+$0x0], $0xffff;
	v0 =	vimm.s32 $0xD;
	_ =	sdelay $0x4  }
0x30: {  	v60 =	vld.idx.msk [tilespmem:v0+s4+$0x0], $0xffff;
	v0 =	vimm.s32 $0xE;
	_ =	sdelay $0x4  }
0x31: {  	v59 =	vld.idx.msk [tilespmem:v0+s4+$0x0], $0xffff;
	v0 =	vimm.s32 $0xF;
	_ =	sdelay $0x4  }
0x32: {  	v58 =	vld.idx.msk [tilespmem:v0+s4+$0x0], $0xffff;
	v0 =	vimm.s32 $0x10;
	_ =	sdelay $0x4  }
0x33: {  	v57 =	vld.idx.msk [tilespmem:v0+s4+$0x0], $0xffff;
	v0 =	vimm.s32 $0x11;
	_ =	sdelay $0x4  }
0x34: {  	v56 =	vld.idx.msk [tilespmem:v0+s4+$0x0], $0xffff;
	v0 =	vimm.s32 $0x12;
	_ =	sdelay $0x4  }
0x35: {  	v52 =	vld.idx.msk [tilespmem:v0+s4+$0x0], $0xffff;
	v0 =	vimm.s32 $0x13;
	_ =	sdelay $0x4  }
0x36: {  	v18 =	vld.idx.msk [tilespmem:v0+s4+$0x0], $0xffff;
	v0 =	vimm.s32 $0x14;
	_ =	sdelay $0x4  }
0x37: {  	v28 =	vld.idx.msk [tilespmem:v0+s4+$0x0], $0xffff;
	v0 =	vimm.s32 $0x15;
	_ =	sdelay $0x3  }
0x38: {  	v5 =	vsub.s32 $0x1000, v16  }
0x39: {  	v51 =	vadd.s32 v16, v42;
	v49 =	vsub.s32 $0x1000, v42;
	v14 =	vld.idx.msk [tilespmem:v0+s4+$0x0], $0xffff;
	v0 =	vimm.s32 $0x16  }
0x3a: {  	v47 =	vadd.s32 v5, v49;
	v27 =	vadd.s32 v63, v51;
	v40 =	vsub.s32 $0x1000, v63  }
0x3b: {  	v41 =	vadd.s32 v40, v47;
	v32 =	vadd.s32 v62, v27;
	v44 =	vsub.s32 $0x1000, v62  }
0x3c: {  	v7 =	vadd.s32 v44, v41;
	v33 =	vadd.s32 v61, v32;
	v43 =	vsub.s32 $0x1000, v61  }
0x3d: {  	v11 =	vadd.s32 v43, v7;
	v48 =	vadd.s32 v60, v33  }
0x3e: {  	v4 =	vsub.s32 $0x1000, v60;
	v13 =	vadd.s32 v59, v48;
	v45 =	vld.idx.msk [tilespmem:v0+s4+$0x0], $0xffff;
	v0 =	vimm.s32 $0x17  }
0x3f: {  	v21 =	vadd.s32 v4, v11;
	v22 =	vsub.s32 $0x1000, v59;
	v17 =	vadd.s32 v58, v13  }
0x40: {  	v24 =	vadd.s32 v22, v21;
	v53 =	vsub.s32 $0x1000, v58;
	v31 =	vadd.s32 v57, v17  }
0x41: {  	v30 =	vadd.s32 v53, v24;
	v15 =	vsub.s32 $0x1000, v57;
	v10 =	vadd.s32 v56, v31  }
0x42: {  	v3 =	vadd.s32 v15, v30;
	v9 =	vsub.s32 $0x1000, v56;
	v2 =	vadd.s32 v52, v10  }
0x43: {  	v6 =	vsub.s32 $0x1000, v52;
	[tilespmem:$0x1FDA0] =	vst v2;
	v50 =	vadd.s32 v18, v2;
	v2 =	vadd.s32 v9, v3;
	v1 =	vld.idx.msk [tilespmem:v0+s4+$0x0], $0xffff  }
0x44: {  	[tilespmem:$0x1FC80] =	vst v18;
	v12 =	vadd.s32 v6, v2  }
0x45: {  	v8 =	vsub.s32 $0x1000, v18;
	v55 =	vmov v18;
	[tilespmem:$0x1FBB0] =	vst v28;
	v36 =	vadd.s32 v28, v50  }
0x46: {  	v29 =	vadd.s32 v8, v12;
	v18 =	vmovc v14;
	[tilespmem:$0x1FBF0] =	vst v14;
	v19 =	vadd.s32 v14, v36;
	v14 =	vsub.s32 $0x1000, v28;
	v28 =	vld [tilespmem:$0x1FF40]  }
0x47: {  	[tilespmem:$0x1FDE0] =	vst v12;
	v12 =	vmovc v8;
	v8 =	vadd.s32 v14, v29;
	v23 =	vadd.s32 v45, v19;
	v0 =	vsub.s32 $0x1000, v18  }
0x48: {  	[tilespmem:$0x1FE20] =	vst v1;
	v35 =	vadd.s32 v1, v23;
	v1 =	vadd.s32 v0, v8  }
0x49: {  	[tilespmem:$0x1FC90] =	vst v8  }
0x4a: {  	v18 =	vmov v8;
	[tilespmem:$0x1FEB0] =	vst v0  }
0x4b: {  	vm0 =	vlt.s32 v28, v16;
	v8 =	vsub.s32 $0x1000, v45;
	[tilespmem:$0x1FC30] =	vst v1;
	v1 =	vmovc v0;
	v0 =	vsub.s32 v28, v35  }
0x4c: {  	[tilespmem:$0x1FCA0] =	vst v8;
	v8 =	vsel vm0, $0x0, v5;
	vm0 =	vlt.s32 v0, $0x0  }
0x4d: {  	v8 =	vadd.s32 v28, v8;
	v25 =	vsel vm0, $0x0, v16;
	vm0 =	vlt.s32 v28, v51  }
0x4e: {  	v25 =	vadd.s32 v0, v25;
	v26 =	vsel vm0, $0x0, v49;
	vm0 =	vlt.s32 v0, v5  }
0x4f: {  	v8 =	vadd.s32 v26, v8;
	v26 =	vsel vm0, $0x0, v42;
	vm0 =	vlt.s32 v28, v27  }
0x50: {  	v25 =	vadd.s32 v26, v25;
	v26 =	vsel vm0, $0x0, v40;
	vm0 =	vlt.s32 v0, v47  }
0x51: {  	v8 =	vadd.s32 v26, v8;
	v26 =	vsel vm0, $0x0, v63;
	vm0 =	vlt.s32 v28, v32  }
0x52: {  	v25 =	vadd.s32 v26, v25;
	v26 =	vsel vm0, $0x0, v44;
	vm0 =	vlt.s32 v0, v41  }
0x53: {  	v8 =	vadd.s32 v26, v8;
	v26 =	vsel vm0, $0x0, v62;
	vm0 =	vlt.s32 v28, v33  }
0x54: {  	v25 =	vadd.s32 v26, v25;
	v26 =	vsel vm0, $0x0, v43;
	vm0 =	vlt.s32 v0, v7  }
0x55: {  	v8 =	vadd.s32 v26, v8;
	v26 =	vsel vm0, $0x0, v61;
	vm0 =	vlt.s32 v28, v48  }
0x56: {  	v25 =	vadd.s32 v26, v25;
	v26 =	vsel vm0, $0x0, v4;
	vm0 =	vlt.s32 v0, v11  }
0x57: {  	v8 =	vadd.s32 v26, v8;
	v26 =	vsel vm0, $0x0, v60;
	vm0 =	vlt.s32 v28, v13  }
0x58: {  	v25 =	vadd.s32 v26, v25;
	v26 =	vsel vm0, $0x0, v22;
	vm0 =	vlt.s32 v0, v21  }
0x59: {  	v8 =	vadd.s32 v26, v8;
	v26 =	vsel vm0, $0x0, v59;
	vm0 =	vlt.s32 v28, v17  }
0x5a: {  	v25 =	vadd.s32 v26, v25;
	v26 =	vsel vm0, $0x0, v53;
	vm0 =	vlt.s32 v0, v24  }
0x5b: {  	v8 =	vadd.s32 v26, v8;
	v26 =	vsel vm0, $0x0, v58;
	vm0 =	vlt.s32 v28, v31  }
0x5c: {  	v25 =	vadd.s32 v26, v25;
	v26 =	vsel vm0, $0x0, v15;
	vm0 =	vlt.s32 v0, v30  }
0x5d: {  	[tilespmem:$0x1FB70] =	vst v10;
	v8 =	vadd.s32 v26, v8;
	v26 =	vsel vm0, $0x0, v57;
	vm0 =	vlt.s32 v28, v10;
	v10 =	vld [tilespmem:$0x1FDA0];
	_ =	sdelay $0x3  }
0x5e: {  	v25 =	vadd.s32 v26, v25;
	v26 =	vsel vm0, $0x0, v9;
	vm0 =	vlt.s32 v0, v3  }
0x5f: {  	v8 =	vadd.s32 v26, v8;
	v26 =	vsel vm0, $0x0, v56;
	vm0 =	vlt.s32 v28, v10  }
0x60: {  	v25 =	vadd.s32 v26, v25;
	v26 =	vsel vm0, $0x0, v6;
	vm0 =	vlt.s32 v0, v2  }
0x61: {  	[tilespmem:$0x1FE80] =	vst v2;
	v8 =	vadd.s32 v26, v8;
	v26 =	vsel vm0, $0x0, v52;
	vm0 =	vlt.s32 v28, v50  }
0x62: {  	[tilespmem:$0x1FDF0] =	vst v12;
	v2 =	vmov v12;
	v25 =	vadd.s32 v26, v25;
	v26 =	vsel vm0, $0x0, v12;
	v12 =	vld [tilespmem:$0x1FDE0];
	_ =	sdelay $0x1  }
0x63: {  	[tilespmem:$0x1FE50] =	vst v22  }
0x64: {  	v46 =	vmov v22;
	[tilespmem:$0x1FBA0] =	vst v24;
	v22 =	vmov v24;
	v24 =	vld [tilespmem:$0x1FBB0]  }
0x65: {  	[tilespmem:$0x1FCF0] =	vst v33  }
0x66: {  	[tilespmem:$0x1FD20] =	vst v11;
	vm0 =	vlt.s32 v0, v12  }
0x67: {  	[tilespmem:$0x1FB90] =	vst v13;
	v8 =	vadd.s32 v26, v8;
	v26 =	vsel vm0, $0x0, v55;
	vm0 =	vlt.s32 v28, v36  }
0x68: {  	[tilespmem:$0x1FE70] =	vst v31;
	v11 =	vmovc v31;
	v31 =	vld [tilespmem:$0x1FF50];
	v25 =	vadd.s32 v26, v25;
	v26 =	vsel vm0, $0x0, v14;
	vm0 =	vlt.s32 v0, v29  }
0x69: {  	[tilespmem:$0x1FBE0] =	vst v19;
	v8 =	vadd.s32 v26, v8;
	v26 =	vsel vm0, $0x0, v24;
	vm0 =	vlt.s32 v28, v19;
	v19 =	vld [tilespmem:$0x1FBF0]  }
0x6a: {  	[tilespmem:$0x1FC60] =	vst v15;
	v33 =	vmov v13;
	v13 =	vmov v15;
	v15 =	vmov v30;
	v30 =	vld [tilespmem:$0x1FC30]  }
0x6b: {  	v25 =	vadd.s32 v26, v25;
	v26 =	vsel vm0, $0x0, v1;
	v1 =	vld [tilespmem:$0x1FCA0];
	_ =	sdelay $0x1  }
0x6c: {  	v54 =	vld [tilespmem:$0x1FE20];
	vm0 =	vlt.s32 v0, v18  }
0x6d: {  	v20 =	vmov v27;
	v26 =	vadd.s32 v26, v8;
	v8 =	vsel vm0, $0x0, v19  }
0x6e: {  	[tilespmem:$0x1FF00] =	vst v27;
	vm2 =	vlt.s32 v31, v20;
	vm0 =	vlt.s32 v28, v23;
	v25 =	vadd.s32 v8, v25  }
0x6f: {  	v34 =	vmovc v4;
	[tilespmem:$0x1FF20] =	vst v4;
	v27 =	vsel vm0, $0x0, v1;
	vm0 =	vlt.s32 v0, v30;
	v4 =	vadd.s32 v1, v30  }
0x70: {  	v26 =	vadd.s32 v27, v26;
	v27 =	vsel vm0, $0x0, v45;
	vm1 =	vlt.s32 v0, v4  }
0x71: {  	vm0 =	vlt.s32 v28, v35;
	v25 =	vadd.s32 v27, v25;
	v0 =	vsel vm1, $0x0, v54  }
0x72: {  	v27 =	vsub.s32 v31, v35;
	vm1 =	vlt.s32 v31, v16;
	v0 =	vadd.s32 v0, v25  }
0x73: {  	v25 =	vsel vm1, $0x0, v5;
	vm1 =	vlt.s32 v27, $0x0;
	v0 =	vsel vm0, v26, v0  }
0x74: {  	[tilespmem:$0x1FEC0] =	vst v23;
	v23 =	vld [tilespmem:$0x1FCF0];
	v25 =	vadd.s32 v31, v25;
	v26 =	vsel vm1, $0x0, v16;
	vm0 =	vlt.s32 v31, v51  }
0x75: {  	[tilespmem:$0x1FBD0] =	vst v29;
	vm1 =	vlt.s32 v27, v5;
	v26 =	vadd.s32 v27, v26;
	v28 =	vsel vm0, $0x0, v49  }
0x76: {  	v55 =	vmovc v36;
	v36 =	vmovc v29;
	v29 =	vsel vm1, $0x0, v42;
	vm0 =	vlt.s32 v27, v47;
	vm1 =	vlt.s32 v31, v32  }
0x77: {  	v25 =	vadd.s32 v28, v25;
	v26 =	vadd.s32 v29, v26;
	v28 =	vsel vm2, $0x0, v40  }
0x78: {  	[tilespmem:$0x1FF10] =	vst v32;
	v32 =	vld [tilespmem:$0x1FD20];
	vm2 =	vlt.s32 v27, v41;
	v29 =	vsel vm1, $0x0, v44;
	vm1 =	vlt.s32 v27, v7  }
0x79: {  	v25 =	vadd.s32 v28, v25;
	v28 =	vsel vm0, $0x0, v63;
	vm0 =	vlt.s32 v31, v23  }
0x7a: {  	v26 =	vadd.s32 v28, v26;
	v25 =	vadd.s32 v29, v25;
	v28 =	vsel vm2, $0x0, v62  }
0x7b: {  	vm2 =	vlt.s32 v31, v48;
	v26 =	vadd.s32 v28, v26;
	v28 =	vsel vm0, $0x0, v43  }
0x7c: {  	v29 =	vsel vm1, $0x0, v61;
	vm1 =	vlt.s32 v31, v33;
	v25 =	vadd.s32 v28, v25  }
0x7d: {  	v26 =	vadd.s32 v29, v26;
	v28 =	vsel vm2, $0x0, v34;
	vm0 =	vlt.s32 v27, v32  }
0x7e: {  	vm2 =	vlt.s32 v27, v21;
	v29 =	vsel vm1, $0x0, v46;
	vm1 =	vlt.s32 v27, v22  }
0x7f: {  	v25 =	vadd.s32 v28, v25;
	v28 =	vsel vm0, $0x0, v60;
	vm0 =	vlt.s32 v31, v17  }
0x80: {  	v26 =	vadd.s32 v28, v26;
	v25 =	vadd.s32 v29, v25;
	v28 =	vsel vm2, $0x0, v59  }
0x81: {  	v8 =	vmovc v49;
	vm2 =	vlt.s32 v31, v11;
	v11 =	vld [tilespmem:$0x1FB70];
	v26 =	vadd.s32 v28, v26;
	v28 =	vsel vm0, $0x0, v53  }
0x82: {  	v49 =	vmovc v40;
	v40 =	vmovc v17;
	v17 =	vld [tilespmem:$0x1FE80];
	v29 =	vsel vm1, $0x0, v58;
	vm0 =	vlt.s32 v27, v15;
	v25 =	vadd.s32 v28, v25  }
0x83: {  	v26 =	vadd.s32 v29, v26;
	v28 =	vsel vm2, $0x0, v13;
	vm2 =	vlt.s32 v27, v3  }
0x84: {  	v25 =	vadd.s32 v28, v25;
	v28 =	vsel vm0, $0x0, v57;
	vm0 =	vlt.s32 v31, v10  }
0x85: {  	v46 =	vld [tilespmem:$0x1FC80];
	v26 =	vadd.s32 v28, v26;
	v28 =	vsel vm2, $0x0, v56;
	vm2 =	vlt.s32 v31, v50  }
0x86: {  	vm1 =	vlt.s32 v31, v11;
	v26 =	vadd.s32 v28, v26;
	v28 =	vsel vm0, $0x0, v6  }
0x87: {  	[tilespmem:$0x1FB80] =	vst v42;
	v42 =	vld [tilespmem:$0x1FBE0];
	vm0 =	vlt.s32 v27, v12;
	v29 =	vsel vm1, $0x0, v9;
	vm1 =	vlt.s32 v27, v17  }
0x88: {  	v25 =	vadd.s32 v29, v25;
	v29 =	vsel vm1, $0x0, v52;
	vm1 =	vlt.s32 v31, v55  }
0x89: {  	[tilespmem:$0x1FEA0] =	vst v52;
	v52 =	vmovc v12;
	v12 =	vld [tilespmem:$0x1FEB0];
	v25 =	vadd.s32 v28, v25;
	v26 =	vadd.s32 v29, v26;
	v28 =	vsel vm2, $0x0, v2  }
0x8a: {  	vm2 =	vlt.s32 v27, v36;
	v25 =	vadd.s32 v28, v25;
	v28 =	vsel vm0, $0x0, v46  }
0x8b: {  	v20 =	vmovc v48;
	v48 =	vld [tilespmem:$0x1FC90];
	v29 =	vsel vm1, $0x0, v14;
	v26 =	vadd.s32 v28, v26;
	v28 =	vsel vm2, $0x0, v24  }
0x8c: {  	vm0 =	vlt.s32 v31, v42;
	v26 =	vadd.s32 v28, v26;
	v28 =	vshll.u32 v0, $0x2  }
0x8d: {  	v1 =	vmovc v30;
	v34 =	vld [tilespmem:$0x1FEC0];
	v25 =	vadd.s32 v29, v25;
	v29 =	vand.u32 $0x7, v0;
	v28 =	vand.u32 $0xFFFFFFE0, v28  }
0x8e: {  	v28 =	vor.u32 v29, v28;
	v29 =	vsel vm0, $0x0, v12;
	vm0 =	vlt.s32 v27, v1;
	v1 =	vld [tilespmem:$0x1FCA0];
	_ =	sdelay $0x1  }
0x8f: {  	vm1 =	vlt.s32 v27, v48  }
0x90: {  	v30 =	vsel vm1, $0x0, v19;
	v25 =	vadd.s32 v29, v25;
	v29 =	vperm.xlane v28, v37  }
0x91: {  	vm1 =	vlt.s32 v27, v4;
	vm2 =	vlt.s32 v31, v34;
	v26 =	vadd.s32 v30, v26  }
0x92: {  	v30 =	vsel vm0, $0x0, v45;
	v27 =	vadd.s32 v38, v29;
	v29 =	vsel vm2, $0x0, v1  }
0x93: {  	v26 =	vadd.s32 v30, v26;
	v25 =	vadd.s32 v29, v25;
	v29 =	vsel vm1, $0x0, v54  }
0x94: {  	vm0 =	vlt.s32 v31, v35;
	v28 =	vperm.xlane v28, v39;
	v26 =	vadd.s32 v29, v26  }
0x95: {  	[tilespmem:$0x80] =	vst v0;
	v0 =	vsel vm0, v25, v26  }
0x96: {  	[tilespmem:$0x90] =	vst v0;
	v0 =	vadd.s32 v38, v28  }
0x97: {  	[tilespmem:s11], [sflag:$0x1] =	stream.indirect_vreg.gather [hbm4b:s1+s4], $0x80, v27, vm3, $0xb8;
	[tilespmem:$0x12080] =	vst v63  }
0x98: {  	_ = 	snop  }
0x99: {  	[tilespmem:s31], [sflag:$0x1] =	stream.indirect_vreg.gather [hbm4b:s5+s4], $0x80, v27, vm3, $0xb8;
	[tilespmem:$0x12080] =	vst v63  }
0x9a: {  	s26 =	simm.s32 $0x3080  }
0x9b: {  	[tilespmem:s26], [sflag:$0x1] =	stream.indirect_vreg.gather [hbm4b:s1+s4], $0x80, v0, vm3, $0xb8;
	[tilespmem:$0x12080] =	vst v63  }
0x9c: {  	s31 =	simm.s32 $0x3880  }
0x9d: {  	v33 =	vld [tilespmem:$0x1FF60];
	[tilespmem:s31], [sflag:$0x1] =	stream.indirect_vreg.gather [hbm4b:s5+s4], $0x80, v0, vm3, $0xb8  }
0x9e: {  	v0 =	vld [tilespmem:$0x90];
	_ =	sdelay $0x3  }
0x9f: {  	[tilespmem:$0x1FEF0] =	vst v51;
	v22 =	vmov v15;
	v15 =	vmov v50;
	v50 =	vld [tilespmem:$0x1FB80]  }
0xa0: {  	[tilespmem:$0x1FDC0] =	vst v6;
	v6 =	vld [tilespmem:$0x1FF00];
	vm0 =	vlt.s32 v33, v16;
	v25 =	vshll.u32 v0, $0x2  }
0xa1: {  	[tilespmem:$0x1FDB0] =	vst v56;
	v56 =	vmovc v10;
	v26 =	vsel vm0, $0x0, v5;
	v0 =	vand.u32 $0x7, v0;
	v25 =	vand.u32 $0xFFFFFFE0, v25  }
0xa2: {  	v10 =	vmovc v51;
	vm0 =	vlt.s32 v33, v51;
	v51 =	vld [tilespmem:$0x1FF10];
	v0 =	vor.u32 v0, v25;
	v25 =	vsub.s32 v33, v35  }
0xa3: {  	v26 =	vadd.s32 v33, v26;
	v27 =	vsel vm0, $0x0, v8;
	vm1 =	vlt.s32 v25, $0x0  }
0xa4: {  	v26 =	vadd.s32 v27, v26;
	vm0 =	vlt.s32 v25, v5;
	v27 =	vsel vm1, $0x0, v16  }
0xa5: {  	vm1 =	vlt.s32 v33, v6;
	v28 =	vsel vm0, $0x0, v50;
	v27 =	vadd.s32 v25, v27  }
0xa6: {  	vm0 =	vlt.s32 v25, v47;
	v27 =	vadd.s32 v28, v27;
	v28 =	vsel vm1, $0x0, v49  }
0xa7: {  	[tilespmem:$0x1FE10] =	vst v4;
	v4 =	vld [tilespmem:$0x1FF20];
	vm1 =	vlt.s32 v33, v51;
	v26 =	vadd.s32 v28, v26;
	v28 =	vsel vm0, $0x0, v63  }
0xa8: {  	v18 =	vmovc v3;
	v3 =	vld [tilespmem:$0x1FB90];
	vm0 =	vlt.s32 v25, v41;
	v27 =	vadd.s32 v28, v27;
	v28 =	vsel vm1, $0x0, v44  }
0xa9: {  	[tilespmem:$0x1FD90] =	vst v9;
	v9 =	vld [tilespmem:$0x1FE50];
	vm1 =	vlt.s32 v33, v23;
	v26 =	vadd.s32 v28, v26;
	v28 =	vsel vm0, $0x0, v62  }
0xaa: {  	[tilespmem:$0x1FD50] =	vst v53;
	v53 =	vld [tilespmem:$0x1FBA0];
	vm0 =	vlt.s32 v25, v7;
	v27 =	vadd.s32 v28, v27;
	v28 =	vsel vm1, $0x0, v43  }
0xab: {  	v13 =	vld [tilespmem:$0x1FD50];
	vm1 =	vlt.s32 v33, v20;
	v26 =	vadd.s32 v28, v26;
	v28 =	vsel vm0, $0x0, v61  }
0xac: {  	vm0 =	vlt.s32 v25, v32;
	v27 =	vadd.s32 v28, v27;
	v28 =	vsel vm1, $0x0, v4  }
0xad: {  	vm1 =	vlt.s32 v33, v3;
	v26 =	vadd.s32 v28, v26;
	v28 =	vsel vm0, $0x0, v60  }
0xae: {  	[tilespmem:$0x1FCB0] =	vst v8;
	v31 =	vmovc v8;
	v8 =	vld [tilespmem:$0x1FE70];
	vm0 =	vlt.s32 v25, v21;
	v27 =	vadd.s32 v28, v27;
	v28 =	vsel vm1, $0x0, v9  }
0xaf: {  	[tilespmem:$0x1FBC0] =	vst v0;
	v0 =	vld [tilespmem:$0x1FC60];
	vm1 =	vlt.s32 v33, v40;
	v26 =	vadd.s32 v28, v26;
	v28 =	vsel vm0, $0x0, v59  }
0xb0: {  	[tilespmem:$0x1FE00] =	vst v14;
	vm0 =	vlt.s32 v25, v53;
	v27 =	vadd.s32 v28, v27;
	v28 =	vsel vm1, $0x0, v13  }
0xb1: {  	[tilespmem:$0x1FD70] =	vst v22;
	v14 =	vmovc v22;
	v26 =	vadd.s32 v28, v26;
	v28 =	vsel vm0, $0x0, v58;
	vm0 =	vlt.s32 v25, v22;
	v22 =	vld [tilespmem:$0x1FD90];
	_ =	sdelay $0x1  }
0xb2: {  	vm1 =	vlt.s32 v33, v8  }
0xb3: {  	v27 =	vadd.s32 v28, v27;
	v28 =	vsel vm1, $0x0, v0  }
0xb4: {  	[tilespmem:$0x1FC20] =	vst v40;
	v24 =	vmovc v23;
	vm1 =	vlt.s32 v33, v11;
	v26 =	vadd.s32 v28, v26;
	v28 =	vsel vm0, $0x0, v57  }
0xb5: {  	v23 =	vmovc v40;
	v40 =	vmovc v56;
	v27 =	vadd.s32 v28, v27;
	v28 =	vsel vm1, $0x0, v22;
	vm1 =	vlt.s32 v33, v56;
	v56 =	vld [tilespmem:$0x1FDB0];
	_ =	sdelay $0x3  }
0xb6: {  	vm0 =	vlt.s32 v25, v18  }
0xb7: {  	v26 =	vadd.s32 v28, v26;
	v28 =	vsel vm0, $0x0, v56;
	vm0 =	vlt.s32 v25, v17;
	v17 =	vld [tilespmem:$0x1FDC0]  }
0xb8: {  	v2 =	vmov v55;
	v55 =	vld [tilespmem:$0x1FEA0];
	_ =	sdelay $0x3  }
0xb9: {  	v27 =	vadd.s32 v28, v27;
	v28 =	vsel vm1, $0x0, v17  }
0xba: {  	v36 =	vmovc v19;
	v19 =	vmovc v52;
	v26 =	vadd.s32 v28, v26;
	v28 =	vsel vm0, $0x0, v55;
	vm0 =	vlt.s32 v25, v52;
	v52 =	vld [tilespmem:$0x1FDF0];
	_ =	sdelay $0x3  }
0xbb: {  	vm1 =	vlt.s32 v33, v15  }
0xbc: {  	v30 =	vmov v54;
	v27 =	vadd.s32 v28, v27;
	v28 =	vsel vm1, $0x0, v52  }
0xbd: {  	v54 =	vmovc v20;
	v20 =	vmovc v32;
	v32 =	vmov v46;
	v26 =	vadd.s32 v28, v26;
	v28 =	vsel vm0, $0x0, v46;
	v46 =	vld [tilespmem:$0x1FE00];
	_ =	sdelay $0x2  }
0xbe: {  	[tilespmem:$0x1FC40] =	vst v45  }
0xbf: {  	[tilespmem:$0x1FCD0] =	vst v49;
	v45 =	vmov v49;
	v49 =	vmov v7;
	v7 =	vld [tilespmem:$0x1FBD0];
	vm1 =	vlt.s32 v33, v2  }
0xc0: {  	v27 =	vadd.s32 v28, v27;
	v28 =	vsel vm1, $0x0, v46;
	vm1 =	vlt.s32 v33, v42;
	v42 =	vld [tilespmem:$0x1FBB0];
	_ =	sdelay $0x3  }
0xc1: {  	vm0 =	vlt.s32 v25, v7  }
0xc2: {  	v7 =	vld [tilespmem:$0x1FC30];
	v26 =	vadd.s32 v28, v26;
	v28 =	vsel vm0, $0x0, v42  }
0xc3: {  	vm0 =	vlt.s32 v25, v48;
	v48 =	vld [tilespmem:$0x1FE10];
	v27 =	vadd.s32 v28, v27;
	v28 =	vsel vm1, $0x0, v12  }
0xc4: {  	vm1 =	vlt.s32 v33, v34;
	v26 =	vadd.s32 v28, v26;
	v28 =	vsel vm0, $0x0, v36;
	v36 =	vld [tilespmem:$0x1FF70]  }
0xc5: {  	v34 =	vmov v1;
	v27 =	vadd.s32 v28, v27;
	v28 =	vsel vm1, $0x0, v1;
	v1 =	vld [tilespmem:$0x1FC40];
	_ =	sdelay $0x3  }
0xc6: {  	vm0 =	vlt.s32 v25, v7;
	v26 =	vadd.s32 v28, v26  }
0xc7: {  	vm1 =	vlt.s32 v36, v16;
	v28 =	vsel vm0, $0x0, v1;
	vm0 =	vlt.s32 v25, v48  }
0xc8: {  	v25 =	vsel vm1, $0x0, v5;
	vm1 =	vlt.s32 v36, v10;
	v27 =	vadd.s32 v28, v27  }
0xc9: {  	v25 =	vadd.s32 v36, v25;
	v28 =	vsub.s32 v36, v35;
	v29 =	vsel vm0, $0x0, v30  }
0xca: {  	v10 =	vmovc v30;
	v30 =	vsel vm1, $0x0, v31;
	vm1 =	vlt.s32 v36, v6;
	vm2 =	vlt.s32 v28, $0x0  }
0xcb: {  	v27 =	vadd.s32 v29, v27;
	v25 =	vadd.s32 v30, v25;
	vm0 =	vlt.s32 v28, v5  }
0xcc: {  	v31 =	vsel vm1, $0x0, v45;
	vm1 =	vlt.s32 v28, v41;
	v29 =	vsel vm2, $0x0, v16  }
0xcd: {  	vm2 =	vlt.s32 v28, v47;
	v30 =	vsel vm0, $0x0, v50;
	v25 =	vadd.s32 v31, v25  }
0xce: {  	vm0 =	vlt.s32 v36, v51;
	v31 =	vsel vm1, $0x0, v62;
	v29 =	vadd.s32 v28, v29  }
0xcf: {  	vm1 =	vlt.s32 v36, v54;
	v29 =	vadd.s32 v30, v29;
	v30 =	vsel vm2, $0x0, v63  }
0xd0: {  	vm2 =	vlt.s32 v36, v24;
	v29 =	vadd.s32 v30, v29;
	v30 =	vsel vm0, $0x0, v44  }
0xd1: {  	vm0 =	vlt.s32 v28, v49;
	v25 =	vadd.s32 v30, v25;
	v29 =	vadd.s32 v31, v29  }
0xd2: {  	v30 =	vsel vm2, $0x0, v43;
	vm2 =	vlt.s32 v28, v20;
	v31 =	vsel vm1, $0x0, v4  }
0xd3: {  	vm1 =	vlt.s32 v28, v21;
	v25 =	vadd.s32 v30, v25;
	v30 =	vsel vm0, $0x0, v61  }
0xd4: {  	vm0 =	vlt.s32 v36, v3;
	v29 =	vadd.s32 v30, v29;
	v25 =	vadd.s32 v31, v25  }
0xd5: {  	v30 =	vsel vm2, $0x0, v60;
	vm2 =	vlt.s32 v36, v23;
	v31 =	vsel vm1, $0x0, v59  }
0xd6: {  	vm1 =	vlt.s32 v36, v8;
	v29 =	vadd.s32 v30, v29;
	v30 =	vsel vm0, $0x0, v9  }
0xd7: {  	vm0 =	vlt.s32 v28, v53;
	v25 =	vadd.s32 v30, v25;
	v29 =	vadd.s32 v31, v29  }
0xd8: {  	v20 =	vld [tilespmem:$0x1FE80];
	v30 =	vsel vm2, $0x0, v13;
	vm2 =	vlt.s32 v28, v14;
	v31 =	vsel vm1, $0x0, v0  }
0xd9: {  	v6 =	vmovc v51;
	vm1 =	vlt.s32 v28, v18;
	v25 =	vadd.s32 v30, v25;
	v30 =	vsel vm0, $0x0, v58  }
0xda: {  	v51 =	vmovc v0;
	v0 =	vld [tilespmem:$0x1FBC0];
	vm0 =	vlt.s32 v36, v11;
	v29 =	vadd.s32 v30, v29;
	v25 =	vadd.s32 v31, v25  }
0xdb: {  	v30 =	vsel vm2, $0x0, v57;
	vm2 =	vlt.s32 v36, v40;
	v31 =	vsel vm1, $0x0, v56  }
0xdc: {  	vm1 =	vlt.s32 v36, v15;
	v29 =	vadd.s32 v30, v29;
	v30 =	vsel vm0, $0x0, v22  }
0xdd: {  	vm0 =	vlt.s32 v28, v20;
	v22 =	vld [tilespmem:$0x1FBD0];
	v25 =	vadd.s32 v30, v25;
	v29 =	vadd.s32 v31, v29  }
0xde: {  	[tilespmem:$0x1FC00] =	vst v41;
	v41 =	vld [tilespmem:$0x1FEC0];
	v30 =	vsel vm2, $0x0, v17;
	vm2 =	vlt.s32 v28, v19;
	v31 =	vsel vm0, $0x0, v55  }
0xdf: {  	[tilespmem:$0x1FC10] =	vst v44;
	v44 =	vld [tilespmem:$0x1FBE0];
	vm0 =	vlt.s32 v36, v2;
	v25 =	vadd.s32 v30, v25;
	v30 =	vperm.xlane v0, v37  }
0xe0: {  	v55 =	vmovc v32;
	v29 =	vadd.s32 v31, v29;
	v31 =	vsel vm1, $0x0, v52;
	v32 =	vsel vm2, $0x0, v32  }
0xe1: {  	v12 =	vmovc v9;
	v9 =	vld [tilespmem:$0x1FC90];
	v0 =	vperm.xlane v0, v39;
	vm2 =	vlt.s32 v33, v35;
	v30 =	vadd.s32 v38, v30  }
0xe2: {  	v45 =	vmovc v2;
	v2 =	vld [tilespmem:$0x1FEB0];
	v25 =	vadd.s32 v31, v25;
	v29 =	vadd.s32 v32, v29;
	vm1 =	vlt.s32 v28, v22  }
0xe3: {  	v24 =	vmovc v49;
	v31 =	vsel vm0, $0x0, v46;
	v26 =	vsel vm2, v26, v27;
	v49 =	vsel vm1, $0x0, v42  }
0xe4: {  	vm0 =	vlt.s32 v36, v44;
	vm2 =	vlt.s32 v36, v41;
	v27 =	vadd.s32 v49, v29;
	v49 =	vld [tilespmem:$0x1FBF0]  }
0xe5: {  	s26 =	simm.s32 $0x4080;
	v25 =	vadd.s32 v31, v25;
	v0 =	vadd.s32 v38, v0;
	v29 =	vshll.u32 v26, $0x2  }
0xe6: {  	v31 =	vand.u32 $0x7, v26;
	vm1 =	vlt.s32 v28, v9;
	v29 =	vand.u32 $0xFFFFFFE0, v29;
	[tilespmem:s26], [sflag:$0x1] =	stream.indirect_vreg.gather [hbm4b:s1+s4], $0x80, v30, vm3, $0xb8;
	[tilespmem:$0x12080] =	vst v63  }
0xe7: {  	s31 =	simm.s32 $0x4880;
	v29 =	vor.u32 v31, v29;
	v31 =	vsel vm0, $0x0, v2;
	vm0 =	vlt.s32 v28, v7  }
0xe8: {  	v25 =	vadd.s32 v31, v25;
	v31 =	vsel vm0, $0x0, v1;
	[tilespmem:s31], [sflag:$0x1] =	stream.indirect_vreg.gather [hbm4b:s5+s4], $0x80, v30, vm3, $0xb8;
	v30 =	vperm.xlane v29, v37;
	[tilespmem:$0x12080] =	vst v63  }
0xe9: {  	v40 =	vmovc v52;
	s26 =	simm.s32 $0x5080;
	vm0 =	vlt.s32 v36, v35;
	v52 =	vsel vm1, $0x0, v49;
	vm1 =	vlt.s32 v28, v48  }
0xea: {  	v27 =	vadd.s32 v52, v27;
	[tilespmem:s26], [sflag:$0x1] =	stream.indirect_vreg.gather [hbm4b:s1+s4], $0x80, v0, vm3, $0xb8;
	v28 =	vadd.s32 v38, v30;
	v30 =	vsel vm2, $0x0, v34;
	[tilespmem:$0x12080] =	vst v63  }
0xeb: {  	s31 =	simm.s32 $0x5880;
	v25 =	vadd.s32 v30, v25;
	v27 =	vadd.s32 v31, v27;
	v30 =	vsel vm1, $0x0, v10  }
0xec: {  	[tilespmem:s31], [sflag:$0x1] =	stream.indirect_vreg.gather [hbm4b:s5+s4], $0x80, v0, vm3, $0xb8;
	v0 =	vadd.s32 v30, v27;
	v27 =	vperm.xlane v29, v39;
	[tilespmem:$0x12080] =	vst v63  }
0xed: {  	[tilespmem:$0x100] =	vst v26;
	v0 =	vsel vm0, v25, v0  }
0xee: {  	[tilespmem:$0x110] =	vst v0;
	v0 =	vadd.s32 v38, v27  }
0xef: {  	[tilespmem:s19], [sflag:$0x2] =	stream.indirect_vreg.gather [hbm4b:s1+s4], $0x80, v28, vm3, $0xb8;
	[tilespmem:$0x12080] =	vst v63  }
0xf0: {  	s26 =	simm.s32 $0x6880  }
0xf1: {  	[tilespmem:s26], [sflag:$0x2] =	stream.indirect_vreg.gather [hbm4b:s5+s4], $0x80, v28, vm3, $0xb8;
	[tilespmem:$0x12080] =	vst v63  }
0xf2: {  	s31 =	simm.s32 $0x7080  }
0xf3: {  	[tilespmem:s31], [sflag:$0x2] =	stream.indirect_vreg.gather [hbm4b:s1+s4], $0x80, v0, vm3, $0xb8;
	[tilespmem:$0x12080] =	vst v63  }
0xf4: {  	s26 =	simm.s32 $0x7880  }
0xf5: {  	v33 =	vld [tilespmem:$0x1FF80];
	[tilespmem:s26], [sflag:$0x2] =	stream.indirect_vreg.gather [hbm4b:s5+s4], $0x80, v0, vm3, $0xb8  }
0xf6: {  	v0 =	vld [tilespmem:$0x110];
	_ =	sdelay $0x1  }
0xf7: {  	v23 =	vmov v8;
	v8 =	vld [tilespmem:$0x1FEF0]  }
0xf8: {  	v30 =	vld [tilespmem:$0x1FCB0]  }
0xf9: {  	v14 =	vld [tilespmem:$0x1FF00]  }
0xfa: {  	[tilespmem:$0x1FCC0] =	vst v47;
	v48 =	vld [tilespmem:$0x1FCD0];
	vm0 =	vlt.s32 v33, v16;
	v25 =	vshll.u32 v0, $0x2  }
0xfb: {  	v31 =	vld [tilespmem:$0x1FCC0];
	v26 =	vsel vm0, $0x0, v5;
	v0 =	vand.u32 $0x7, v0;
	v25 =	vand.u32 $0xFFFFFFE0, v25  }
0xfc: {  	v2 =	vld [tilespmem:$0x1FC10];
	vm0 =	vlt.s32 v33, v8;
	v0 =	vor.u32 v0, v25;
	v25 =	vsub.s32 v33, v35  }
0xfd: {  	v1 =	vld [tilespmem:$0x1FC00];
	v26 =	vadd.s32 v33, v26;
	v27 =	vsel vm0, $0x0, v30;
	vm1 =	vlt.s32 v25, $0x0  }
0xfe: {  	v13 =	vld [tilespmem:$0x1FCF0];
	v26 =	vadd.s32 v27, v26;
	vm0 =	vlt.s32 v25, v5;
	v27 =	vsel vm1, $0x0, v16  }
0xff: {  	vm1 =	vlt.s32 v33, v14;
	v28 =	vsel vm0, $0x0, v50;
	v27 =	vadd.s32 v25, v27  }
0x100: {  	v32 =	vld [tilespmem:$0x1FF20];
	vm0 =	vlt.s32 v25, v31;
	v27 =	vadd.s32 v28, v27;
	v28 =	vsel vm1, $0x0, v48  }
0x101: {  	v10 =	vld [tilespmem:$0x1FD20];
	vm1 =	vlt.s32 v33, v6;
	v26 =	vadd.s32 v28, v26;
	v28 =	vsel vm0, $0x0, v63  }
0x102: {  	vm0 =	vlt.s32 v25, v1;
	v27 =	vadd.s32 v28, v27;
	v28 =	vsel vm1, $0x0, v2  }
0x103: {  	vm1 =	vlt.s32 v33, v13;
	v26 =	vadd.s32 v28, v26;
	v28 =	vsel vm0, $0x0, v62  }
0x104: {  	vm0 =	vlt.s32 v25, v24;
	v27 =	vadd.s32 v28, v27;
	v28 =	vsel vm1, $0x0, v43  }
0x105: {  	vm1 =	vlt.s32 v33, v54;
	v26 =	vadd.s32 v28, v26;
	v28 =	vsel vm0, $0x0, v61  }
0x106: {  	vm0 =	vlt.s32 v25, v10;
	v27 =	vadd.s32 v28, v27;
	v28 =	vsel vm1, $0x0, v32  }
0x107: {  	vm1 =	vlt.s32 v33, v3;
	v26 =	vadd.s32 v28, v26;
	v28 =	vsel vm0, $0x0, v60  }
0x108: {  	[tilespmem:$0x1FCE0] =	vst v63;
	v46 =	vmovc v63;
	v63 =	vmov v12;
	v27 =	vadd.s32 v28, v27;
	v28 =	vsel vm1, $0x0, v12;
	v12 =	vld [tilespmem:$0x1FC20]  }
0x109: {  	[tilespmem:$0x1FC70] =	vst v0;
	v0 =	vld [tilespmem:$0x1FD50];
	_ =	sdelay $0x1  }
0x10a: {  	v4 =	vmov v11;
	v11 =	vld [tilespmem:$0x1FD70]  }
0x10b: {  	[tilespmem:$0x1FDD0] =	vst v15;
	vm0 =	vlt.s32 v25, v21  }
0x10c: {  	[tilespmem:$0x1FC50] =	vst v54;
	v15 =	vld [tilespmem:$0x1FDC0];
	v26 =	vadd.s32 v28, v26;
	v28 =	vsel vm0, $0x0, v59;
	vm1 =	vlt.s32 v33, v12  }
0x10d: {  	v54 =	vmovc v3;
	v3 =	vmovc v53;
	vm0 =	vlt.s32 v25, v53;
	v53 =	vld [tilespmem:$0x1FD90];
	v27 =	vadd.s32 v28, v27;
	v28 =	vsel vm1, $0x0, v0  }
0x10e: {  	v47 =	vmovc v34;
	v34 =	vmovc v24;
	v24 =	vld [tilespmem:$0x1FDA0];
	vm1 =	vlt.s32 v33, v23;
	v26 =	vadd.s32 v28, v26;
	v28 =	vsel vm0, $0x0, v58  }
0x10f: {  	v52 =	vld [tilespmem:$0x1FEA0];
	vm0 =	vlt.s32 v25, v11;
	v27 =	vadd.s32 v28, v27;
	v28 =	vsel vm1, $0x0, v51  }
0x110: {  	v17 =	vmovc v18;
	v26 =	vadd.s32 v28, v26;
	v28 =	vsel vm0, $0x0, v57;
	vm0 =	vlt.s32 v25, v18;
	v18 =	vld [tilespmem:$0x1FDD0]  }
0x111: {  	vm1 =	vlt.s32 v33, v4  }
0x112: {  	v27 =	vadd.s32 v28, v27;
	v28 =	vsel vm1, $0x0, v53  }
0x113: {  	vm1 =	vlt.s32 v33, v24;
	v26 =	vadd.s32 v28, v26;
	v28 =	vsel vm0, $0x0, v56  }
0x114: {  	vm0 =	vlt.s32 v25, v20;
	v27 =	vadd.s32 v28, v27;
	v28 =	vsel vm1, $0x0, v15  }
0x115: {  	v26 =	vadd.s32 v28, v26;
	v28 =	vsel vm0, $0x0, v52;
	vm1 =	vlt.s32 v33, v18  }
0x116: {  	v20 =	vmov v40;
	v27 =	vadd.s32 v28, v27;
	v28 =	vsel vm1, $0x0, v40;
	v40 =	vld [tilespmem:$0x1FE00]  }
0x117: {  	vm0 =	vlt.s32 v25, v19;
	vm1 =	vlt.s32 v33, v45  }
0x118: {  	v7 =	vmovc v45;
	v45 =	vmovc v22;
	v26 =	vadd.s32 v28, v26;
	v28 =	vsel vm0, $0x0, v55;
	vm0 =	vlt.s32 v25, v22;
	v22 =	vld [tilespmem:$0x1FEB0];
	_ =	sdelay $0x2  }
0x119: {  	v27 =	vadd.s32 v28, v27;
	v28 =	vsel vm1, $0x0, v40  }
0x11a: {  	v36 =	vld [tilespmem:$0x1FF90];
	vm1 =	vlt.s32 v33, v44;
	v26 =	vadd.s32 v28, v26;
	v28 =	vsel vm0, $0x0, v42  }
0x11b: {  	v51 =	vld [tilespmem:$0x1FE10];
	vm0 =	vlt.s32 v25, v9;
	v27 =	vadd.s32 v28, v27;
	v28 =	vsel vm1, $0x0, v22  }
0x11c: {  	v9 =	vld [tilespmem:$0x1FC30];
	vm1 =	vlt.s32 v33, v41;
	v26 =	vadd.s32 v28, v26;
	v28 =	vsel vm0, $0x0, v49  }
0x11d: {  	v27 =	vadd.s32 v28, v27;
	v28 =	vsel vm1, $0x0, v47;
	v47 =	vld [tilespmem:$0x1FC40];
	_ =	sdelay $0x1  }
0x11e: {  	v55 =	vmov v41;
	v41 =	vld [tilespmem:$0x1FE20];
	_ =	sdelay $0x1  }
0x11f: {  	vm1 =	vlt.s32 v36, v16;
	vm0 =	vlt.s32 v25, v9  }
0x120: {  	v26 =	vadd.s32 v28, v26;
	v28 =	vsel vm0, $0x0, v47;
	vm0 =	vlt.s32 v25, v51  }
0x121: {  	v25 =	vsel vm1, $0x0, v5;
	vm1 =	vlt.s32 v36, v8;
	v27 =	vadd.s32 v28, v27  }
0x122: {  	v25 =	vadd.s32 v36, v25;
	v28 =	vsub.s32 v36, v35;
	v29 =	vsel vm0, $0x0, v41  }
0x123: {  	v30 =	vsel vm1, $0x0, v30;
	vm1 =	vlt.s32 v36, v14;
	vm2 =	vlt.s32 v28, $0x0  }
0x124: {  	v27 =	vadd.s32 v29, v27;
	v25 =	vadd.s32 v30, v25;
	vm0 =	vlt.s32 v28, v5  }
0x125: {  	v29 =	vsel vm2, $0x0, v16;
	vm2 =	vlt.s32 v28, v31;
	v30 =	vsel vm0, $0x0, v50  }
0x126: {  	v14 =	vmovc v6;
	v31 =	vsel vm1, $0x0, v48;
	vm0 =	vlt.s32 v36, v6;
	vm1 =	vlt.s32 v28, v1;
	v6 =	vld [tilespmem:$0x1FC50]  }
0x127: {  	v29 =	vadd.s32 v28, v29;
	v25 =	vadd.s32 v31, v25;
	v31 =	vsel vm1, $0x0, v62  }
0x128: {  	v29 =	vadd.s32 v30, v29;
	v30 =	vsel vm2, $0x0, v46;
	vm2 =	vlt.s32 v36, v13  }
0x129: {  	v29 =	vadd.s32 v30, v29;
	v30 =	vsel vm0, $0x0, v2;
	vm0 =	vlt.s32 v28, v34  }
0x12a: {  	v25 =	vadd.s32 v30, v25;
	v29 =	vadd.s32 v31, v29;
	v30 =	vsel vm2, $0x0, v43  }
0x12b: {  	vm2 =	vlt.s32 v28, v10;
	v25 =	vadd.s32 v30, v25;
	vm1 =	vlt.s32 v36, v6  }
0x12c: {  	v30 =	vsel vm0, $0x0, v61;
	vm0 =	vlt.s32 v36, v54;
	v31 =	vsel vm1, $0x0, v32  }
0x12d: {  	[tilespmem:$0x1FD00] =	vst v62;
	v62 =	vmovc v61;
	v61 =	vld [tilespmem:$0x1FC60];
	v29 =	vadd.s32 v30, v29;
	v30 =	vsel vm2, $0x0, v60;
	vm1 =	vlt.s32 v28, v21  }
0x12e: {  	vm2 =	vlt.s32 v36, v12;
	v25 =	vadd.s32 v31, v25;
	v29 =	vadd.s32 v30, v29  }
0x12f: {  	v30 =	vsel vm0, $0x0, v63;
	v31 =	vsel vm1, $0x0, v59;
	vm0 =	vlt.s32 v28, v3  }
0x130: {  	v8 =	vld [tilespmem:$0x1FE80];
	vm1 =	vlt.s32 v36, v23;
	v25 =	vadd.s32 v30, v25;
	v30 =	vsel vm2, $0x0, v0  }
0x131: {  	v29 =	vadd.s32 v31, v29;
	vm2 =	vlt.s32 v28, v11;
	v25 =	vadd.s32 v30, v25  }
0x132: {  	v30 =	vsel vm0, $0x0, v58;
	vm0 =	vlt.s32 v36, v4;
	v31 =	vsel vm1, $0x0, v61  }
0x133: {  	v0 =	vld [tilespmem:$0x1FC70];
	v29 =	vadd.s32 v30, v29;
	v30 =	vsel vm2, $0x0, v57;
	vm1 =	vlt.s32 v28, v17  }
0x134: {  	[tilespmem:$0x1FD10] =	vst v43;
	vm2 =	vlt.s32 v36, v24;
	v25 =	vadd.s32 v31, v25;
	v29 =	vadd.s32 v30, v29  }
0x135: {  	[tilespmem:$0x1FE30] =	vst v34;
	v30 =	vsel vm0, $0x0, v53;
	v31 =	vsel vm1, $0x0, v56;
	vm0 =	vlt.s32 v28, v8  }
0x136: {  	v43 =	vmovc v34;
	v34 =	vld [tilespmem:$0x1FC90];
	vm1 =	vlt.s32 v36, v18;
	v25 =	vadd.s32 v30, v25;
	v29 =	vadd.s32 v31, v29  }
0x137: {  	[tilespmem:$0x1FD60] =	vst v58;
	v58 =	vmovc v52;
	v30 =	vsel vm2, $0x0, v15;
	vm2 =	vlt.s32 v28, v19;
	v31 =	vsel vm0, $0x0, v52;
	v52 =	vld [tilespmem:$0x1FC80]  }
0x138: {  	vm0 =	vlt.s32 v36, v7;
	v25 =	vadd.s32 v30, v25;
	v30 =	vperm.xlane v0, v37  }
0x139: {  	v29 =	vadd.s32 v31, v29;
	v31 =	vsel vm1, $0x0, v20;
	v0 =	vperm.xlane v0, v39  }
0x13a: {  	vm1 =	vlt.s32 v28, v45;
	v25 =	vadd.s32 v31, v25;
	v30 =	vadd.s32 v38, v30  }
0x13b: {  	v31 =	vsel vm0, $0x0, v40;
	v40 =	vsel vm1, $0x0, v42;
	vm0 =	vlt.s32 v36, v44  }
0x13c: {  	[tilespmem:$0x1FD30] =	vst v60;
	vm1 =	vlt.s32 v28, v34;
	v60 =	vsel vm2, $0x0, v52;
	vm2 =	vlt.s32 v33, v35  }
0x13d: {  	v25 =	vadd.s32 v31, v25;
	v29 =	vadd.s32 v60, v29;
	v26 =	vsel vm2, v26, v27  }
0x13e: {  	[tilespmem:$0x1FD40] =	vst v21;
	s31 =	simm.s32 $0x8080;
	v10 =	vmovc v12;
	v12 =	vld [tilespmem:$0x1FCA0];
	v0 =	vadd.s32 v38, v0;
	v27 =	vadd.s32 v40, v29;
	v29 =	vshll.u32 v26, $0x2  }
0x13f: {  	v21 =	vmovc v45;
	v45 =	vsel vm1, $0x0, v49;
	v31 =	vand.u32 $0x7, v26;
	[tilespmem:s31], [sflag:$0x2] =	stream.indirect_vreg.gather [hbm4b:s1+s4], $0x80, v30, vm3, $0xb8;
	v29 =	vand.u32 $0xFFFFFFE0, v29;
	[tilespmem:$0x12080] =	vst v63  }
0x140: {  	s26 =	simm.s32 $0x8880;
	vm1 =	vlt.s32 v28, v51;
	vm2 =	vlt.s32 v36, v55;
	v29 =	vor.u32 v31, v29  }
0x141: {  	v31 =	vsel vm0, $0x0, v22;
	vm0 =	vlt.s32 v28, v9;
	[tilespmem:s26], [sflag:$0x2] =	stream.indirect_vreg.gather [hbm4b:s5+s4], $0x80, v30, vm3, $0xb8;
	v30 =	vperm.xlane v29, v37;
	[tilespmem:$0x12080] =	vst v63  }
0x142: {  	v27 =	vadd.s32 v45, v27;
	s31 =	simm.s32 $0x9080;
	v25 =	vadd.s32 v31, v25;
	v31 =	vsel vm0, $0x0, v47  }
0x143: {  	vm0 =	vlt.s32 v36, v35;
	[tilespmem:s31], [sflag:$0x2] =	stream.indirect_vreg.gather [hbm4b:s1+s4], $0x80, v0, vm3, $0xb8;
	v28 =	vadd.s32 v38, v30;
	v30 =	vsel vm2, $0x0, v12;
	[tilespmem:$0x12080] =	vst v63  }
0x144: {  	s26 =	simm.s32 $0x9880;
	v27 =	vadd.s32 v31, v27;
	v25 =	vadd.s32 v30, v25;
	v30 =	vsel vm1, $0x0, v41  }
0x145: {  	[tilespmem:s26], [sflag:$0x2] =	stream.indirect_vreg.gather [hbm4b:s5+s4], $0x80, v0, vm3, $0xb8;
	v0 =	vadd.s32 v30, v27;
	v27 =	vperm.xlane v29, v39;
	[tilespmem:$0x12080] =	vst v63  }
0x146: {  	[tilespmem:$0x180] =	vst v26;
	v0 =	vsel vm0, v25, v0  }
0x147: {  	[tilespmem:$0x190] =	vst v0;
	v0 =	vadd.s32 v38, v27  }
0x148: {  	[tilespmem:s28], [sflag:$0x3] =	stream.indirect_vreg.gather [hbm4b:s1+s4], $0x80, v28, vm3, $0xb8;
	[tilespmem:$0x12080] =	vst v63  }
0x149: {  	s31 =	simm.s32 $0xA880  }
0x14a: {  	[tilespmem:s31], [sflag:$0x3] =	stream.indirect_vreg.gather [hbm4b:s5+s4], $0x80, v28, vm3, $0xb8;
	[tilespmem:$0x12080] =	vst v63  }
0x14b: {  	s26 =	simm.s32 $0xB080  }
0x14c: {  	[tilespmem:s26], [sflag:$0x3] =	stream.indirect_vreg.gather [hbm4b:s1+s4], $0x80, v0, vm3, $0xb8;
	[tilespmem:$0x12080] =	vst v63  }
0x14d: {  	v33 =	vld [tilespmem:$0x1FFA0];
	s31 =	simm.s32 $0xB880  }
0x14e: {  	[tilespmem:s31], [sflag:$0x3] =	stream.indirect_vreg.gather [hbm4b:s5+s4], $0x80, v0, vm3, $0xb8;
	[tilespmem:$0x12080] =	vst v63  }
0x14f: {  	v0 =	vld [tilespmem:$0x190]  }
0x150: {  	v29 =	vld [tilespmem:$0x1FEF0]  }
0x151: {  	v30 =	vld [tilespmem:$0x1FCB0]  }
0x152: {  	vm0 =	vlt.s32 v33, v16  }
0x153: {  	v31 =	vld [tilespmem:$0x1FF00];
	v26 =	vsel vm0, $0x0, v5  }
0x154: {  	v48 =	vmov v4;
	v4 =	vld [tilespmem:$0x1FCC0];
	v26 =	vadd.s32 v33, v26;
	v25 =	vshll.u32 v0, $0x2  }
0x155: {  	v41 =	vld [tilespmem:$0x1FCD0];
	vm0 =	vlt.s32 v33, v29;
	v0 =	vand.u32 $0x7, v0;
	v25 =	vand.u32 $0xFFFFFFE0, v25  }
0x156: {  	v15 =	vld [tilespmem:$0x1FCE0];
	v27 =	vsel vm0, $0x0, v30;
	v0 =	vor.u32 v0, v25;
	v25 =	vsub.s32 v33, v35  }
0x157: {  	v26 =	vadd.s32 v27, v26;
	vm1 =	vlt.s32 v25, $0x0  }
0x158: {  	vm0 =	vlt.s32 v25, v5;
	v27 =	vsel vm1, $0x0, v16;
	vm1 =	vlt.s32 v33, v31  }
0x159: {  	v28 =	vsel vm0, $0x0, v50;
	vm0 =	vlt.s32 v25, v4;
	v27 =	vadd.s32 v25, v27  }
0x15a: {  	v46 =	vmovc v1;
	v1 =	vmovc v14;
	v27 =	vadd.s32 v28, v27;
	v28 =	vsel vm1, $0x0, v41;
	vm1 =	vlt.s32 v33, v14;
	v14 =	vld [tilespmem:$0x1FCF0]  }
0x15b: {  	v51 =	vmovc v46;
	v26 =	vadd.s32 v28, v26;
	v28 =	vsel vm0, $0x0, v15;
	vm0 =	vlt.s32 v25, v46;
	v46 =	vld [tilespmem:$0x1FD00]  }
0x15c: {  	v56 =	vmov v7;
	v7 =	vld [tilespmem:$0x1FD10];
	_ =	sdelay $0x1  }
0x15d: {  	v13 =	vmov v2  }
0x15e: {  	v27 =	vadd.s32 v28, v27;
	v28 =	vsel vm1, $0x0, v13  }
0x15f: {  	v18 =	vmovc v13;
	v13 =	vld [tilespmem:$0x1FD20];
	v26 =	vadd.s32 v28, v26;
	vm1 =	vlt.s32 v33, v14;
	v28 =	vsel vm0, $0x0, v46  }
0x160: {  	v24 =	vmovc v6;
	v27 =	vadd.s32 v28, v27;
	v28 =	vsel vm1, $0x0, v7;
	vm1 =	vlt.s32 v33, v6;
	v6 =	vld [tilespmem:$0x1FF20]  }
0x161: {  	v60 =	vmov v9;
	v9 =	vld [tilespmem:$0x1FD30]  }
0x162: {  	v45 =	vmov v47;
	v47 =	vld [tilespmem:$0x1FD40]  }
0x163: {  	vm0 =	vlt.s32 v25, v43  }
0x164: {  	v26 =	vadd.s32 v28, v26;
	v28 =	vsel vm0, $0x0, v62  }
0x165: {  	vm0 =	vlt.s32 v25, v13;
	v27 =	vadd.s32 v28, v27;
	v28 =	vsel vm1, $0x0, v6  }
0x166: {  	v2 =	vmovc v63;
	vm1 =	vlt.s32 v33, v54;
	v26 =	vadd.s32 v28, v26;
	v28 =	vsel vm0, $0x0, v9  }
0x167: {  	v63 =	vmovc v59;
	vm0 =	vlt.s32 v25, v47;
	v27 =	vadd.s32 v28, v27;
	v28 =	vsel vm1, $0x0, v2  }
0x168: {  	v43 =	vmovc v3;
	v26 =	vadd.s32 v28, v26;
	v28 =	vsel vm0, $0x0, v63;
	vm0 =	vlt.s32 v25, v3;
	v3 =	vld [tilespmem:$0x1FD50]  }
0x169: {  	v59 =	vmov v55;
	v55 =	vld [tilespmem:$0x1FD60];
	_ =	sdelay $0x2  }
0x16a: {  	vm1 =	vlt.s32 v33, v10  }
0x16b: {  	v27 =	vadd.s32 v28, v27;
	v28 =	vsel vm1, $0x0, v3  }
0x16c: {  	[tilespmem:$0x1FD80] =	vst v57;
	v2 =	vld [tilespmem:$0x1FD70];
	vm1 =	vlt.s32 v33, v23;
	v26 =	vadd.s32 v28, v26;
	v28 =	vsel vm0, $0x0, v55  }
0x16d: {  	v20 =	vmovc v48;
	v27 =	vadd.s32 v28, v27;
	v28 =	vsel vm1, $0x0, v61;
	vm1 =	vlt.s32 v33, v48;
	v48 =	vld [tilespmem:$0x1FD80]  }
0x16e: {  	v53 =	vmov v44;
	v44 =	vld [tilespmem:$0x1FD90]  }
0x16f: {  	v40 =	vmov v49;
	v49 =	vmov v50;
	v50 =	vld [tilespmem:$0x1FDB0];
	_ =	sdelay $0x1  }
0x170: {  	vm0 =	vlt.s32 v25, v2  }
0x171: {  	v32 =	vld [tilespmem:$0x1FDF0];
	v26 =	vadd.s32 v28, v26;
	v28 =	vsel vm0, $0x0, v48  }
0x172: {  	v19 =	vmovc v61;
	v61 =	vld [tilespmem:$0x1FDA0];
	vm0 =	vlt.s32 v25, v17;
	v27 =	vadd.s32 v28, v27;
	v28 =	vsel vm1, $0x0, v44  }
0x173: {  	v26 =	vadd.s32 v28, v26;
	v28 =	vsel vm0, $0x0, v50;
	vm0 =	vlt.s32 v25, v8;
	v8 =	vld [tilespmem:$0x1FDC0]  }
0x174: {  	v57 =	vmov v10;
	v10 =	vld [tilespmem:$0x1FDD0]  }
0x175: {  	[tilespmem:$0x1FE90] =	vst v0;
	v0 =	vld [tilespmem:$0x1FDE0];
	_ =	sdelay $0x1  }
0x176: {  	v11 =	vmov v22;
	v22 =	vld [tilespmem:$0x1FE00];
	vm1 =	vlt.s32 v33, v61  }
0x177: {  	v27 =	vadd.s32 v28, v27;
	v28 =	vsel vm1, $0x0, v8  }
0x178: {  	vm1 =	vlt.s32 v33, v10;
	v26 =	vadd.s32 v28, v26;
	v28 =	vsel vm0, $0x0, v58  }
0x179: {  	vm0 =	vlt.s32 v25, v0;
	v27 =	vadd.s32 v28, v27;
	v28 =	vsel vm1, $0x0, v32  }
0x17a: {  	vm1 =	vlt.s32 v33, v56;
	v26 =	vadd.s32 v28, v26;
	v28 =	vsel vm0, $0x0, v52  }
0x17b: {  	vm0 =	vlt.s32 v25, v21;
	v27 =	vadd.s32 v28, v27;
	v28 =	vsel vm1, $0x0, v22  }
0x17c: {  	vm1 =	vlt.s32 v33, v53;
	v26 =	vadd.s32 v28, v26;
	v28 =	vsel vm0, $0x0, v42  }
0x17d: {  	vm0 =	vlt.s32 v25, v34;
	v27 =	vadd.s32 v28, v27;
	v28 =	vsel vm1, $0x0, v11  }
0x17e: {  	v36 =	vld [tilespmem:$0x1FFB0];
	vm1 =	vlt.s32 v33, v59;
	v26 =	vadd.s32 v28, v26;
	v28 =	vsel vm0, $0x0, v40  }
0x17f: {  	v59 =	vmov v12;
	v27 =	vadd.s32 v28, v27;
	v28 =	vsel vm1, $0x0, v12;
	v12 =	vld [tilespmem:$0x1FE10]  }
0x180: {  	v23 =	vmov v53;
	v53 =	vmov v60;
	vm0 =	vlt.s32 v25, v60;
	v60 =	vld [tilespmem:$0x1FE20];
	_ =	sdelay $0x1  }
0x181: {  	v26 =	vadd.s32 v28, v26;
	v28 =	vsel vm0, $0x0, v45  }
0x182: {  	vm1 =	vlt.s32 v36, v16;
	v27 =	vadd.s32 v28, v27;
	v28 =	vsub.s32 v36, v35  }
0x183: {  	vm2 =	vlt.s32 v28, $0x0;
	vm0 =	vlt.s32 v25, v12;
	v25 =	vsel vm1, $0x0, v5  }
0x184: {  	vm1 =	vlt.s32 v36, v29;
	v25 =	vadd.s32 v36, v25;
	v29 =	vsel vm0, $0x0, v60  }
0x185: {  	v30 =	vsel vm1, $0x0, v30;
	vm0 =	vlt.s32 v28, v5;
	vm1 =	vlt.s32 v36, v31  }
0x186: {  	v27 =	vadd.s32 v29, v27;
	v25 =	vadd.s32 v30, v25;
	v29 =	vsel vm2, $0x0, v16  }
0x187: {  	vm2 =	vlt.s32 v28, v4;
	v30 =	vsel vm0, $0x0, v49;
	v31 =	vsel vm1, $0x0, v41  }
0x188: {  	vm0 =	vlt.s32 v36, v1;
	vm1 =	vlt.s32 v28, v51;
	v1 =	vld [tilespmem:$0x1FE30];
	v29 =	vadd.s32 v28, v29  }
0x189: {  	v25 =	vadd.s32 v31, v25;
	v29 =	vadd.s32 v30, v29;
	v30 =	vsel vm2, $0x0, v15  }
0x18a: {  	v31 =	vsel vm1, $0x0, v46;
	v29 =	vadd.s32 v30, v29;
	v30 =	vsel vm0, $0x0, v18  }
0x18b: {  	vm1 =	vlt.s32 v36, v24;
	v46 =	vld [tilespmem:$0x1FE50];
	vm2 =	vlt.s32 v36, v14;
	v25 =	vadd.s32 v30, v25  }
0x18c: {  	v18 =	vld [tilespmem:$0x1FE70];
	v29 =	vadd.s32 v31, v29;
	v30 =	vsel vm2, $0x0, v7;
	vm2 =	vlt.s32 v28, v13  }
0x18d: {  	v31 =	vsel vm1, $0x0, v6;
	v25 =	vadd.s32 v30, v25;
	vm0 =	vlt.s32 v28, v1  }
0x18e: {  	vm1 =	vlt.s32 v28, v47;
	v30 =	vsel vm0, $0x0, v62;
	v25 =	vadd.s32 v31, v25  }
0x18f: {  	vm0 =	vlt.s32 v36, v54;
	v29 =	vadd.s32 v30, v29;
	v30 =	vsel vm2, $0x0, v9  }
0x190: {  	v31 =	vsel vm1, $0x0, v63;
	vm2 =	vlt.s32 v36, v57;
	v29 =	vadd.s32 v30, v29  }
0x191: {  	v30 =	vsel vm0, $0x0, v46;
	vm0 =	vlt.s32 v28, v43;
	vm1 =	vlt.s32 v36, v18  }
0x192: {  	v25 =	vadd.s32 v30, v25;
	v29 =	vadd.s32 v31, v29;
	v30 =	vsel vm2, $0x0, v3  }
0x193: {  	vm2 =	vlt.s32 v28, v2;
	v31 =	vsel vm1, $0x0, v19;
	vm1 =	vlt.s32 v28, v17  }
0x194: {  	v25 =	vadd.s32 v30, v25;
	v30 =	vsel vm0, $0x0, v55;
	vm0 =	vlt.s32 v36, v20  }
0x195: {  	v51 =	vmovc v14;
	v29 =	vadd.s32 v30, v29;
	v25 =	vadd.s32 v31, v25;
	v30 =	vsel vm2, $0x0, v48  }
0x196: {  	v49 =	vmovc v54;
	v54 =	vmovc v61;
	vm2 =	vlt.s32 v36, v61;
	v61 =	vld [tilespmem:$0x1FE80];
	v29 =	vadd.s32 v30, v29;
	v30 =	vsel vm0, $0x0, v44  }
0x197: {  	v14 =	vmovc v17;
	v17 =	vmovc v0;
	v25 =	vadd.s32 v30, v25;
	v30 =	vsel vm2, $0x0, v8;
	vm2 =	vlt.s32 v28, v0;
	v0 =	vld [tilespmem:$0x1FE90]  }
0x198: {  	v41 =	vmov v2;
	v2 =	vld [tilespmem:$0x1FEA0];
	_ =	sdelay $0x1  }
0x199: {  	v58 =	vmovc v52;
	v1 =	vmov v8;
	v31 =	vsel vm1, $0x0, v50;
	vm1 =	vlt.s32 v36, v10;
	v8 =	vld [tilespmem:$0x1FEC0]  }
0x19a: {  	v29 =	vadd.s32 v31, v29;
	v25 =	vadd.s32 v30, v25;
	v50 =	vsel vm2, $0x0, v58  }
0x19b: {  	vm2 =	vlt.s32 v33, v35;
	vm0 =	vlt.s32 v28, v61;
	v30 =	vperm.xlane v0, v37  }
0x19c: {  	v26 =	vsel vm2, v26, v27;
	v31 =	vsel vm0, $0x0, v2;
	vm0 =	vlt.s32 v36, v56  }
0x19d: {  	v29 =	vadd.s32 v31, v29;
	v31 =	vsel vm1, $0x0, v32;
	v30 =	vadd.s32 v38, v30  }
0x19e: {  	v0 =	vperm.xlane v0, v39;
	vm1 =	vlt.s32 v28, v21;
	vm2 =	vlt.s32 v36, v8  }
0x19f: {  	[tilespmem:$0x1FE40] =	vst v62;
	v62 =	vmovc v3;
	v3 =	vld [tilespmem:$0x1FEB0];
	v25 =	vadd.s32 v31, v25;
	v29 =	vadd.s32 v50, v29;
	v31 =	vsel vm0, $0x0, v22  }
0x1a0: {  	v55 =	vsel vm1, $0x0, v42;
	vm0 =	vlt.s32 v36, v23;
	vm1 =	vlt.s32 v28, v34  }
0x1a1: {  	s26 =	simm.s32 $0xC080;
	v27 =	vadd.s32 v55, v29;
	v0 =	vadd.s32 v38, v0;
	v29 =	vshll.u32 v26, $0x2  }
0x1a2: {  	v25 =	vadd.s32 v31, v25;
	v31 =	vand.u32 $0x7, v26;
	v29 =	vand.u32 $0xFFFFFFE0, v29;
	[tilespmem:s26], [sflag:$0x3] =	stream.indirect_vreg.gather [hbm4b:s1+s4], $0x80, v30, vm3, $0xb8;
	[tilespmem:$0x12080] =	vst v63  }
0x1a3: {  	v58 =	vsel vm1, $0x0, v40;
	vm1 =	vlt.s32 v28, v12;
	v29 =	vor.u32 v31, v29  }
0x1a4: {  	v31 =	vsel vm0, $0x0, v3;
	vm0 =	vlt.s32 v28, v53;
	[tilespmem:s3], [sflag:$0x3] =	stream.indirect_vreg.gather [hbm4b:s5+s4], $0x80, v30, vm3, $0xb8;
	v30 =	vperm.xlane v29, v37;
	[tilespmem:$0x12080] =	vst v63  }
0x1a5: {  	v27 =	vadd.s32 v58, v27;
	v25 =	vadd.s32 v31, v25;
	v31 =	vsel vm0, $0x0, v45  }
0x1a6: {  	vm0 =	vlt.s32 v36, v35;
	[tilespmem:s2], [sflag:$0x3] =	stream.indirect_vreg.gather [hbm4b:s1+s4], $0x80, v0, vm3, $0xb8;
	v28 =	vadd.s32 v38, v30;
	v30 =	vsel vm2, $0x0, v59;
	[tilespmem:$0x12080] =	vst v63  }
0x1a7: {  	v27 =	vadd.s32 v31, v27;
	v25 =	vadd.s32 v30, v25;
	v30 =	vsel vm1, $0x0, v60  }
0x1a8: {  	[tilespmem:s6], [sflag:$0x3] =	stream.indirect_vreg.gather [hbm4b:s5+s4], $0x80, v0, vm3, $0xb8;
	v0 =	vadd.s32 v30, v27;
	v27 =	vperm.xlane v29, v39;
	[tilespmem:$0x12080] =	vst v63  }
0x1a9: {  	[tilespmem:$0x200] =	vst v26;
	v0 =	vsel vm0, v25, v0  }
0x1aa: {  	[tilespmem:$0x210] =	vst v0;
	v0 =	vadd.s32 v38, v27  }
0x1ab: {  	[tilespmem:s10], [sflag:$0x4] =	stream.indirect_vreg.gather [hbm4b:s1+s4], $0x80, v28, vm3, $0xb8;
	[tilespmem:$0x12080] =	vst v63  }
0x1ac: {  	_ = 	snop  }
0x1ad: {  	[tilespmem:s7], [sflag:$0x4] =	stream.indirect_vreg.gather [hbm4b:s5+s4], $0x80, v28, vm3, $0xb8;
	[tilespmem:$0x12080] =	vst v63  }
0x1ae: {  	_ = 	snop  }
0x1af: {  	[tilespmem:s12], [sflag:$0x4] =	stream.indirect_vreg.gather [hbm4b:s1+s4], $0x80, v0, vm3, $0xb8;
	[tilespmem:$0x12080] =	vst v63  }
0x1b0: {  	_ = 	snop  }
0x1b1: {  	[tilespmem:s13], [sflag:$0x4] =	stream.indirect_vreg.gather [hbm4b:s5+s4], $0x80, v0, vm3, $0xb8;
	[tilespmem:$0x12080] =	vst v63  }
0x1b2: {  	v0 =	vld [tilespmem:$0x210];
	_ =	sdelay $0x4  }
0x1b3: {  	v25 =	vshll.u32 v0, $0x2  }
0x1b4: {  	v0 =	vand.u32 $0x7, v0;
	v25 =	vand.u32 $0xFFFFFFE0, v25  }
0x1b5: {  	v0 =	vor.u32 v0, v25  }
0x1b6: {  	v25 =	vperm.xlane v0, v37;
	v0 =	vperm.xlane v0, v39;
	_ =	sdelay $0x1  }
0x1b7: {  	s30 =	rddreg [dreg:$0x5];
	[tilespmem:$0x1FE60] =	vst v63;
	v63 =	vadd.s32 v38, v0;
	v0 =	vlaneseq.u32  }
0x1b8: {  	s31 =	sadd.s32 $0xFFFFFFF0, s30;
	v28 =	vadd.s32 v38, v25;
	v25 =	vor.u32 s30, v0  }
0x1b9: {  	v26 =	vor.u32 s31, v0;
	v0 =	vimm.s32 $0x0;
	vm0 =	vlt.s32 v25, v16  }
0x1ba: {  	v0 =	vsel vm0, $0xFFFFFFFF, v0  }
0x1bb: {  	vm0 =	vlt.s32 v26, v24;
	[tilespmem:$0x1FED0] =	vst v0;
	v0 =	vimm.s32 $0x0  }
0x1bc: {  	v0 =	vsel vm0, $0xFFFFFFFF, v0  }
0x1bd: {  	[tilespmem:$0x1FF30] =	vst v0;
	v0 =	vld [tilespmem:$0x1FEF0];
	_ =	sdelay $0x1  }
0x1be: {  	v52 =	vmov v20  }
0x1bf: {  	v11 =	vmovc v44;
	v47 =	vmov v60;
	vm1 =	vmmov vm3;
	v27 =	vsub.s32 v25, v35  }
0x1c0: {  	v7 =	vmovc v24;
	vm4 =	vlt.s32 v26, v23;
	vm3 =	vlt.s32 v26, v8;
	vm11 =	vlt.s32 v26, v54  }
0x1c1: {  	vm6 =	vlt.s32 v26, v10;
	vm8 =	vlt.s32 v26, v52;
	v52 =	vmovc v0;
	vm13 =	vlt.s32 v26, v0;
	v0 =	vld [tilespmem:$0x1FF00]  }
0x1c2: {  	v13 =	vmovc v43;
	vm5 =	vlt.s32 v26, v56;
	vm12 =	vlt.s32 v26, v57;
	vm7 =	vlt.s32 v26, v18  }
0x1c3: {  	v9 =	vmovc v46;
	vm10 =	vlt.s32 v26, v51;
	vm9 =	vlt.s32 v26, v49;
	vm14 =	vlt.s32 v26, v16  }
0x1c4: {  	v2 =	vmovc v32;
	v37 =	vsub.s32 v26, v35;
	v18 =	vmov v1;
	v31 =	vsel vm11, $0x0, v1;
	v1 =	vld [tilespmem:$0x1FF20];
	[tilespmem:s14], [sflag:$0x4] =	stream.indirect_vreg.gather [hbm4b:s1+s4], $0x80, v28, vm1, $0xb8  }
0x1c5: {  	v20 =	vmovc v57;
	v48 =	vmovc v45;
	vm2 =	vlt.s32 v27, $0x0;
	v29 =	vsel vm5, $0x0, v22;
	v30 =	vsel vm6, $0x0, v2;
	v2 =	vld [tilespmem:$0x1FF30]  }
0x1c6: {  	vm5 =	vlt.s32 v37, v34;
	[tilespmem:s15], [sflag:$0x4] =	stream.indirect_vreg.gather [hbm4b:s5+s4], $0x80, v28, vm1, $0xb8;
	v15 =	vmov v0;
	vm15 =	vlt.s32 v26, v0;
	v0 =	vld [tilespmem:$0x1FF10]  }
0x1c7: {  	v50 =	vmovc v40;
	v58 =	vmovc v62;
	v32 =	vsel vm8, $0x0, v44;
	vm6 =	vlt.s32 v37, v21;
	vm8 =	vlt.s32 v37, v61  }
0x1c8: {  	v60 =	vmovc v19;
	v33 =	vsel vm7, $0x0, v19;
	vm7 =	vlt.s32 v37, v17;
	v36 =	vsel vm9, $0x0, v46;
	[tilespmem:s16], [sflag:$0x4] =	stream.indirect_vreg.gather [hbm4b:s1+s4], $0x80, v63, vm1, $0xb8;
	[tilespmem:$0x12080] =	vst v63  }
0x1c9: {  	v23 =	vmovc v51;
	v8 =	vmovc v49;
	vm9 =	vlt.s32 v37, v14;
	v34 =	vsel vm12, $0x0, v62;
	vm12 =	vlt.s32 v37, v43  }
0x1ca: {  	v10 =	vmovc v17;
	v46 =	vlaneseq.u32;
	v24 =	vmovc v41;
	vm11 =	vlt.s32 v37, v41;
	[tilespmem:s17], [sflag:$0x4] =	stream.indirect_vreg.gather [hbm4b:s5+s4], $0x80, v63, vm1, $0xb8;
	vm1 =	vnez.u8 v2;
	[tilespmem:$0x12080] =	vst v63  }
0x1cb: {  	[tilespmem:$0x1FEE0] =	vst v56;
	v28 =	vsel vm4, $0x0, v3;
	vm4 =	vlt.s32 v37, v53;
	v49 =	vmovc v1;
	v38 =	vsel vm1, $0x0, v1;
	v55 =	vmovc v0  }
0x1cc: {  	s29 =	simm.s32 $0x200;
	s26 =	simm.s32 $0x0;
	vm0 =	vlt.s32 v26, v0;
	v0 =	vsel vm3, $0x0, v59;
	vm3 =	vlt.s32 v37, v12;
	v59 =	vmovc v61;
	v61 =	vmovc v14  }
.LBB2_2:
0x1cd: {  	v14 =	vld [tilespmem:$0x1FC10]  }
0x1ce: {  	v6 =	vld [tilespmem:$0x1FD10]  }
0x1cf: {  	v12 =	vld [tilespmem:$0x1FD40]  }
0x1d0: {  	v19 =	vld [tilespmem:$0x1FCD0]  }
0x1d1: {  	v21 =	vld [tilespmem:$0x1FE30]  }
0x1d2: {  	v17 =	vld [tilespmem:$0x1FD20]  }
0x1d3: {  	v2 =	vld [tilespmem:$0x1FCB0]  }
0x1d4: {  	v22 =	vld [tilespmem:$0x1FC00]  }
0x1d5: {  	v4 =	vld [tilespmem:$0x1FB80]  }
0x1d6: {  	vm1 =	vlt.s32 v37, $0x0;
	v43 =	vsel vm14, $0x0, v5;
	v53 =	vld [tilespmem:$0x1FCC0]  }
0x1d7: {  	v45 =	vsel vm1, $0x0, v16;
	vm1 =	vlt.s32 v37, v5;
	v62 =	vadd.s32 v26, v43  }
0x1d8: {  	v3 =	vld [tilespmem:$0x1FCE0];
	v45 =	vadd.s32 v37, v45;
	v39 =	vsel vm0, $0x0, v14;
	v40 =	vsel vm10, $0x0, v6  }
0x1d9: {  	v1 =	vld [tilespmem:$0x1FD00];
	vm0 =	vlt.s32 v37, v12;
	v41 =	vsel vm15, $0x0, v19;
	vm10 =	vlt.s32 v37, v21  }
0x1da: {  	v43 =	vld [tilespmem:$0x1FE40];
	vm15 =	vlt.s32 v37, v17;
	v42 =	vsel vm13, $0x0, v2;
	vm13 =	vlt.s32 v37, v22  }
0x1db: {  	v44 =	vsel vm1, $0x0, v4;
	vm1 =	vlt.s32 v37, v53;
	v37 =	vadd.s32 v42, v62;
	v42 =	vld [tilespmem:$0x1FD30]  }
0x1dc: {  	v37 =	vadd.s32 v41, v37;
	v41 =	vld [tilespmem:$0x1FE60]  }
0x1dd: {  	v63 =	vadd.s32 v44, v45;
	v51 =	vsel vm1, $0x0, v3  }
0x1de: {  	v56 =	vsel vm13, $0x0, v1;
	v54 =	vadd.s32 v51, v63  }
0x1df: {  	v62 =	vsel vm10, $0x0, v43;
	v57 =	vadd.s32 v56, v54  }
0x1e0: {  	v37 =	vadd.s32 v39, v37;
	v63 =	vadd.s32 v62, v57;
	v44 =	vsel vm15, $0x0, v42  }
0x1e1: {  	v37 =	vadd.s32 v40, v37;
	v40 =	vld [tilespmem:$0x1FD60];
	v39 =	vadd.s32 v44, v63;
	v45 =	vsel vm0, $0x0, v41  }
0x1e2: {  	v51 =	vadd.s32 v45, v39;
	v39 =	vld [tilespmem:$0x1FD80]  }
0x1e3: {  	v37 =	vadd.s32 v38, v37;
	v38 =	vld [tilespmem:$0x1FDB0];
	_ =	sdelay $0x2  }
0x1e4: {  	v54 =	vsel vm12, $0x0, v40  }
0x1e5: {  	v36 =	vadd.s32 v36, v37;
	v37 =	vld [tilespmem:$0x1FEA0];
	v56 =	vadd.s32 v54, v51;
	v57 =	vsel vm11, $0x0, v39  }
0x1e6: {  	v63 =	vsel vm9, $0x0, v38;
	v54 =	vld [tilespmem:$0x1FC80];
	v62 =	vadd.s32 v57, v56  }
0x1e7: {  	v44 =	vadd.s32 v63, v62;
	v62 =	vld [tilespmem:$0x1FBB0];
	_ =	sdelay $0x1  }
0x1e8: {  	v34 =	vadd.s32 v34, v36  }
0x1e9: {  	v33 =	vadd.s32 v33, v34;
	v45 =	vsel vm8, $0x0, v37  }
0x1ea: {  	v32 =	vadd.s32 v32, v33;
	v56 =	vsel vm7, $0x0, v54;
	v51 =	vadd.s32 v45, v44  }
0x1eb: {  	v31 =	vadd.s32 v31, v32;
	v57 =	vadd.s32 v56, v51;
	v63 =	vsel vm6, $0x0, v62  }
0x1ec: {  	v30 =	vadd.s32 v30, v31;
	v44 =	vsel vm5, $0x0, v50;
	v31 =	vadd.s32 v63, v57  }
0x1ed: {  	v29 =	vadd.s32 v29, v30;
	v30 =	vadd.s32 v44, v31;
	v31 =	vsel vm4, $0x0, v48  }
0x1ee: {  	v28 =	vadd.s32 v28, v29;
	v29 =	vadd.s32 v31, v30;
	v30 =	vsel vm3, $0x0, v47  }
0x1ef: {  	vm0 =	vlt.s32 v26, v35;
	v0 =	vadd.s32 v0, v28;
	v26 =	vadd.s32 v30, v29  }
0x1f0: {  	s31 =	sshra.s32 s26, $0x2;
	v0 =	vsel vm0, v0, v26  }
0x1f1: {  	[tilespmem:s31+$0x280] =	vst v0;
	v0 =	vld [tilespmem:$0x1FED0];
	_ =	sdelay $0x2  }
0x1f2: {  	v26 =	vsel vm2, $0x0, v16;
	vm0 =	vlt.s32 v27, v5  }
0x1f3: {  	v26 =	vadd.s32 v27, v26;
	v28 =	vsel vm0, $0x0, v4;
	vm0 =	vlt.s32 v25, v52  }
0x1f4: {  	v26 =	vadd.s32 v28, v26;
	v28 =	vsel vm0, $0x0, v2;
	vm1 =	vnez.u8 v0  }
0x1f5: {  	vm0 =	vlt.s32 v25, v15;
	v0 =	vsel vm1, $0x0, v5;
	vm1 =	vlt.s32 v27, v53  }
0x1f6: {  	v0 =	vadd.s32 v25, v0;
	v29 =	vsel vm1, $0x0, v3;
	vm1 =	vlt.s32 v27, v22  }
0x1f7: {  	v26 =	vadd.s32 v29, v26;
	v0 =	vadd.s32 v28, v0;
	v28 =	vsel vm0, $0x0, v19  }
0x1f8: {  	v29 =	vsel vm1, $0x0, v1;
	vm0 =	vlt.s32 v25, v55;
	vm1 =	vlt.s32 v27, v21  }
0x1f9: {  	v26 =	vadd.s32 v29, v26;
	v0 =	vadd.s32 v28, v0;
	v28 =	vsel vm0, $0x0, v14  }
0x1fa: {  	v29 =	vsel vm1, $0x0, v43;
	vm0 =	vlt.s32 v25, v23;
	vm1 =	vlt.s32 v27, v17  }
0x1fb: {  	v26 =	vadd.s32 v29, v26;
	v0 =	vadd.s32 v28, v0;
	v28 =	vsel vm0, $0x0, v6  }
0x1fc: {  	v29 =	vsel vm1, $0x0, v42;
	vm0 =	vlt.s32 v25, v7;
	vm1 =	vlt.s32 v27, v12  }
0x1fd: {  	v45 =	vld [tilespmem:$0x1FDF0];
	v26 =	vadd.s32 v29, v26;
	v0 =	vadd.s32 v28, v0;
	v28 =	vsel vm0, $0x0, v49  }
0x1fe: {  	v51 =	vld [tilespmem:$0x1FEE0];
	v29 =	vsel vm1, $0x0, v41;
	vm0 =	vlt.s32 v25, v8;
	vm1 =	vlt.s32 v27, v13  }
0x1ff: {  	v12 =	vld [tilespmem:$0x1FE70];
	v26 =	vadd.s32 v29, v26;
	v0 =	vadd.s32 v28, v0;
	v28 =	vsel vm0, $0x0, v9  }
0x200: {  	v44 =	vld [tilespmem:$0x1FB70];
	v29 =	vsel vm1, $0x0, v40;
	vm0 =	vlt.s32 v25, v20;
	vm1 =	vlt.s32 v27, v24  }
0x201: {  	v43 =	vld [tilespmem:$0x1FBD0];
	v26 =	vadd.s32 v29, v26;
	v0 =	vadd.s32 v28, v0;
	v29 =	vsel vm1, $0x0, v39  }
0x202: {  	v41 =	vld [tilespmem:$0x1FDA0];
	v28 =	vsel vm0, $0x0, v58;
	vm1 =	vlt.s32 v27, v61;
	v26 =	vadd.s32 v29, v26  }
0x203: {  	v53 =	vld [tilespmem:$0x1FC90];
	v0 =	vadd.s32 v28, v0;
	v29 =	vsel vm1, $0x0, v38;
	vm1 =	vlt.s32 v27, v59  }
0x204: {  	v57 =	vld [tilespmem:$0x1FC30];
	vm0 =	vlt.s32 v25, v12;
	v26 =	vadd.s32 v29, v26;
	v29 =	vsel vm1, $0x0, v37  }
0x205: {  	v56 =	vld [tilespmem:$0x1FBE0];
	vm1 =	vlt.s32 v27, v10;
	v28 =	vsel vm0, $0x0, v60;
	vm0 =	vlt.s32 v25, v44  }
0x206: {  	v37 =	vld [tilespmem:$0x1FDD0];
	v26 =	vadd.s32 v29, v26;
	v29 =	vsel vm1, $0x0, v54;
	vm1 =	vlt.s32 v27, v43  }
0x207: {  	v63 =	vld [tilespmem:$0x1FE10];
	v0 =	vadd.s32 v28, v0;
	v28 =	vsel vm0, $0x0, v11;
	vm0 =	vlt.s32 v25, v41  }
0x208: {  	v54 =	vld [tilespmem:$0x1FE00];
	v26 =	vadd.s32 v29, v26;
	v29 =	vsel vm1, $0x0, v62;
	vm1 =	vlt.s32 v27, v53  }
0x209: {  	v62 =	vld [tilespmem:$0x1FEB0];
	v26 =	vadd.s32 v29, v26;
	v29 =	vsel vm1, $0x0, v50;
	vm1 =	vlt.s32 v27, v57  }
0x20a: {  	v30 =	vld [tilespmem:$0x1FEC0];
	v0 =	vadd.s32 v28, v0;
	v26 =	vadd.s32 v29, v26;
	v29 =	vsel vm1, $0x0, v48  }
0x20b: {  	v28 =	vsel vm0, $0x0, v18;
	vm0 =	vlt.s32 v25, v37;
	v26 =	vadd.s32 v29, v26;
	v29 =	vld [tilespmem:$0x1FCA0]  }
0x20c: {  	v0 =	vadd.s32 v28, v0;
	v28 =	vsel vm0, $0x0, v45;
	vm0 =	vlt.s32 v25, v51  }
0x20d: {  	v0 =	vadd.s32 v28, v0;
	v28 =	vsel vm0, $0x0, v54;
	vm0 =	vlt.s32 v25, v56  }
0x20e: {  	v0 =	vadd.s32 v28, v0;
	v28 =	vsel vm0, $0x0, v62  }
0x20f: {  	vm1 =	vlt.s32 v27, v63;
	vm0 =	vlt.s32 v25, v30;
	v0 =	vadd.s32 v28, v0  }
0x210: {  	s30 =	sadd.s32 $0x20, s30;
	v28 =	vsel vm1, $0x0, v47;
	v27 =	vsel vm0, $0x0, v29;
	vm0 =	vlt.s32 v25, v35  }
0x211: {  	v26 =	vadd.s32 v28, v26;
	v25 =	vor.u32 s30, v46;
	v0 =	vadd.s32 v27, v0  }
0x212: {  	s0 =	sadd.s32 $0xFFFFFFF0, s30;
	v1 =	vimm.s32 $0x0;
	v27 =	vsub.s32 v25, v35;
	v0 =	vsel vm0, v0, v26  }
0x213: {  	v26 =	vor.u32 s0, v46;
	vm0 =	vlt.s32 v25, v16;
	vm2 =	vlt.s32 v27, $0x0  }
0x214: {  	v1 =	vsel vm0, $0xFFFFFFFF, v1;
	vm1 =	vlt.s32 v26, v56;
	vm3 =	vlt.s32 v26, v30  }
0x215: {  	vm6 =	vlt.s32 v26, v41;
	vm4 =	vlt.s32 v26, v37;
	vm5 =	vlt.s32 v26, v51  }
0x216: {  	vm9 =	vlt.s32 v26, v20;
	vm7 =	vlt.s32 v26, v12;
	vm8 =	vlt.s32 v26, v44  }
0x217: {  	vm10 =	vlt.s32 v26, v23;
	vm11 =	vlt.s32 v26, v7;
	vm12 =	vlt.s32 v26, v8  }
0x218: {  	vm13 =	vlt.s32 v26, v52;
	vm15 =	vlt.s32 v26, v15;
	vm0 =	vlt.s32 v26, v55  }
0x219: {  	[tilespmem:s31+$0x290] =	vst v0;
	v37 =	vsub.s32 v26, v35;
	vm14 =	vlt.s32 v26, v16;
	v0 =	vsel vm3, $0x0, v29  }
0x21a: {  	p0 =	sne.s32 s29, $0x7600;
	v29 =	vsel vm5, $0x0, v54;
	v28 =	vsel vm1, $0x0, v62;
	vm3 =	vlt.s32 v37, v63  }
.Ltmp2:
0x21b: {  	v30 =	vsel vm4, $0x0, v45;
	vm5 =	vlt.s32 v37, v53;
	vm4 =	vlt.s32 v37, v57;
	(pc) =	sbr.rel @p0 .LBB2_2-.Ltmp2, $4  }
0x21c: {  	v32 =	vsel vm8, $0x0, v11;
	v31 =	vsel vm6, $0x0, v18;
	vm6 =	vlt.s32 v37, v43  }
0x21d: {  	v33 =	vsel vm7, $0x0, v60;
	vm8 =	vlt.s32 v37, v59;
	vm7 =	vlt.s32 v37, v10  }
0x21e: {  	v36 =	vsel vm12, $0x0, v9;
	v34 =	vsel vm9, $0x0, v58;
	vm9 =	vlt.s32 v37, v61  }
0x21f: {  	s26 =	smov.u32 s29;
	s29 =	sadd.s32 $0x200, s29;
	[tilespmem:$0x1FED0] =	vst v1;
	v38 =	vsel vm11, $0x0, v49;
	vm12 =	vlt.s32 v37, v13;
	vm11 =	vlt.s32 v37, v24  }
0x220: {  	v51 =	vld [tilespmem:$0x1FC10]  }
0x221: {  	v46 =	vld [tilespmem:$0x1FD40]  }
0x222: {  	v56 =	vld [tilespmem:$0x1FE30]  }
0x223: {  	v17 =	vld [tilespmem:$0x1FCB0]  }
0x224: {  	v53 =	vld [tilespmem:$0x1FD20]  }
0x225: {  	v1 =	vld [tilespmem:$0x1FB80]  }
0x226: {  	v62 =	vld [tilespmem:$0x1FCC0]  }
0x227: {  	v3 =	vld [tilespmem:$0x1FCE0]  }
0x228: {  	v57 =	vld [tilespmem:$0x1FC00]  }
0x229: {  	v42 =	vsel vm14, $0x0, v5;
	vm14 =	vlt.s32 v37, v5;
	v4 =	vld [tilespmem:$0x1FD00]  }
0x22a: {  	v39 =	vsel vm0, $0x0, v51;
	v41 =	vsel vm13, $0x0, v17;
	vm13 =	vlt.s32 v37, $0x0  }
0x22b: {  	vm0 =	vlt.s32 v37, v46;
	vm1 =	vlt.s32 v37, v56;
	v43 =	vsel vm13, $0x0, v16  }
0x22c: {  	v54 =	vld [tilespmem:$0x1FCD0];
	v44 =	vsel vm14, $0x0, v1;
	vm14 =	vlt.s32 v37, v62;
	v43 =	vadd.s32 v37, v43  }
0x22d: {  	v6 =	vld [tilespmem:$0x1FE40];
	v45 =	vsel vm14, $0x0, v3;
	vm14 =	vlt.s32 v37, v57;
	v12 =	vadd.s32 v44, v43  }
0x22e: {  	v2 =	vld [tilespmem:$0x1FD10];
	vm13 =	vlt.s32 v37, v53;
	v14 =	vsel vm14, $0x0, v4;
	v37 =	vadd.s32 v45, v12  }
0x22f: {  	v37 =	vadd.s32 v14, v37;
	v14 =	vld [tilespmem:$0x1FD30]  }
0x230: {  	v42 =	vadd.s32 v26, v42  }
0x231: {  	v40 =	vsel vm15, $0x0, v54;
	v41 =	vadd.s32 v41, v42  }
0x232: {  	v40 =	vadd.s32 v40, v41  }
0x233: {  	v21 =	vsel vm10, $0x0, v2;
	v19 =	vsel vm1, $0x0, v6;
	v39 =	vadd.s32 v39, v40  }
0x234: {  	v39 =	vadd.s32 v21, v39;
	v21 =	vld [tilespmem:$0x1FE60];
	v37 =	vadd.s32 v19, v37;
	v22 =	vsel vm13, $0x0, v14  }
0x235: {  	v37 =	vadd.s32 v22, v37;
	v22 =	vld [tilespmem:$0x1FD60]  }
0x236: {  	v38 =	vadd.s32 v38, v39;
	v39 =	vld [tilespmem:$0x1FD80];
	_ =	sdelay $0x1  }
0x237: {  	v36 =	vadd.s32 v36, v38;
	v38 =	vld [tilespmem:$0x1FDB0]  }
0x238: {  	v44 =	vsel vm0, $0x0, v21  }
0x239: {  	v37 =	vadd.s32 v44, v37;
	v45 =	vsel vm12, $0x0, v22  }
0x23a: {  	v63 =	vsel vm11, $0x0, v39;
	v37 =	vadd.s32 v45, v37  }
0x23b: {  	v12 =	vadd.s32 v63, v37;
	v37 =	vld [tilespmem:$0x1FEA0]  }
0x23c: {  	v34 =	vadd.s32 v34, v36;
	v36 =	vld [tilespmem:$0x1FC80];
	v19 =	vsel vm9, $0x0, v38  }
0x23d: {  	v40 =	vadd.s32 v19, v12;
	v19 =	vld [tilespmem:$0x1FBB0];
	_ =	sdelay $0x2  }
0x23e: {  	v33 =	vadd.s32 v33, v34;
	v41 =	vsel vm8, $0x0, v37  }
0x23f: {  	v32 =	vadd.s32 v32, v33;
	v43 =	vsel vm7, $0x0, v36;
	v42 =	vadd.s32 v41, v40  }
0x240: {  	v31 =	vadd.s32 v31, v32;
	v45 =	vsel vm6, $0x0, v19;
	v44 =	vadd.s32 v43, v42  }
0x241: {  	v30 =	vadd.s32 v30, v31;
	v12 =	vsel vm5, $0x0, v50;
	v63 =	vadd.s32 v45, v44  }
0x242: {  	v34 =	vsel vm4, $0x0, v48;
	v29 =	vadd.s32 v29, v30;
	v33 =	vadd.s32 v12, v63  }
0x243: {  	v28 =	vadd.s32 v28, v29;
	v41 =	vsel vm3, $0x0, v47;
	v40 =	vadd.s32 v34, v33  }
0x244: {  	vm0 =	vlt.s32 v26, v35;
	v0 =	vadd.s32 v0, v28;
	v42 =	vadd.s32 v41, v40  }
0x245: {  	v0 =	vsel vm0, v0, v42;
	vm0 =	vlt.s32 v27, v5  }
0x246: {  	v12 =	vld [tilespmem:$0x1FED0];
	v45 =	vsel vm0, $0x0, v1;
	vm0 =	vlt.s32 v27, v62  }
0x247: {  	v3 =	vsel vm0, $0x0, v3;
	vm0 =	vlt.s32 v27, v57  }
0x248: {  	v4 =	vsel vm0, $0x0, v4;
	vm0 =	vlt.s32 v25, v55  }
0x249: {  	v43 =	vsel vm2, $0x0, v16;
	v55 =	vsel vm0, $0x0, v51;
	vm0 =	vlt.s32 v27, v56  }
0x24a: {  	v16 =	vadd.s32 v27, v43;
	v56 =	vsel vm0, $0x0, v6;
	vm0 =	vlt.s32 v25, v23  }
0x24b: {  	vm1 =	vnez.u8 v12;
	v57 =	vsel vm0, $0x0, v2;
	vm0 =	vlt.s32 v27, v53  }
0x24c: {  	v12 =	vadd.s32 v45, v16;
	v63 =	vsel vm0, $0x0, v14;
	vm0 =	vlt.s32 v25, v7  }
0x24d: {  	v32 =	vld [tilespmem:$0x1FE70];
	v44 =	vsel vm1, $0x0, v5;
	v23 =	vsel vm0, $0x0, v49;
	vm0 =	vlt.s32 v27, v46  }
0x24e: {  	vm1 =	vlt.s32 v25, v52;
	v26 =	vsel vm0, $0x0, v21;
	vm0 =	vlt.s32 v25, v8  }
0x24f: {  	v52 =	vsel vm1, $0x0, v17;
	v28 =	vsel vm0, $0x0, v9;
	vm0 =	vlt.s32 v27, v13  }
0x250: {  	vm1 =	vlt.s32 v25, v15;
	v29 =	vsel vm0, $0x0, v22;
	vm0 =	vlt.s32 v25, v20  }
0x251: {  	v62 =	vadd.s32 v25, v44;
	v30 =	vsel vm0, $0x0, v58;
	vm0 =	vlt.s32 v27, v24  }
0x252: {  	v41 =	vld [tilespmem:$0x1FDA0];
	v54 =	vsel vm1, $0x0, v54;
	v31 =	vsel vm0, $0x0, v39;
	vm0 =	vlt.s32 v25, v32  }
0x253: {  	v45 =	vld [tilespmem:$0x1FDF0];
	v1 =	vadd.s32 v52, v62;
	v33 =	vsel vm0, $0x0, v60;
	vm0 =	vlt.s32 v27, v61  }
0x254: {  	v12 =	vadd.s32 v3, v12;
	v1 =	vadd.s32 v54, v1;
	v34 =	vsel vm0, $0x0, v38;
	v38 =	vld [tilespmem:$0x1FB70]  }
0x255: {  	v4 =	vadd.s32 v4, v12;
	v44 =	vld [tilespmem:$0x1FDD0];
	v1 =	vadd.s32 v55, v1  }
0x256: {  	v51 =	vld [tilespmem:$0x1FEE0];
	v4 =	vadd.s32 v56, v4;
	v1 =	vadd.s32 v57, v1  }
0x257: {  	v52 =	vld [tilespmem:$0x1FE00];
	v2 =	vadd.s32 v63, v4;
	v1 =	vadd.s32 v23, v1  }
0x258: {  	v53 =	vld [tilespmem:$0x1FC90];
	v2 =	vadd.s32 v26, v2;
	v1 =	vadd.s32 v28, v1  }
0x259: {  	v49 =	vld [tilespmem:$0x1FBD0];
	v2 =	vadd.s32 v29, v2;
	v1 =	vadd.s32 v30, v1;
	vm0 =	vlt.s32 v25, v38  }
0x25a: {  	v56 =	vld [tilespmem:$0x1FEB0];
	v2 =	vadd.s32 v31, v2;
	v39 =	vsel vm0, $0x0, v11;
	vm0 =	vlt.s32 v27, v59  }
0x25b: {  	v55 =	vld [tilespmem:$0x1FBE0];
	v1 =	vadd.s32 v33, v1;
	v40 =	vsel vm0, $0x0, v37;
	vm0 =	vlt.s32 v25, v41  }
0x25c: {  	v57 =	vld [tilespmem:$0x1FC30];
	v2 =	vadd.s32 v34, v2;
	v42 =	vsel vm0, $0x0, v18;
	vm0 =	vlt.s32 v27, v10  }
0x25d: {  	v60 =	vld [tilespmem:$0x1FCA0];
	v1 =	vadd.s32 v39, v1;
	v43 =	vsel vm0, $0x0, v36;
	vm0 =	vlt.s32 v25, v44  }
0x25e: {  	v59 =	vld [tilespmem:$0x1FEC0];
	v2 =	vadd.s32 v40, v2;
	v46 =	vsel vm0, $0x0, v45;
	vm0 =	vlt.s32 v27, v49  }
0x25f: {  	v61 =	vld [tilespmem:$0x1FE10];
	v1 =	vadd.s32 v42, v1;
	v3 =	vsel vm0, $0x0, v19;
	vm0 =	vlt.s32 v25, v51  }
0x260: {  	v2 =	vadd.s32 v43, v2;
	v6 =	vsel vm0, $0x0, v52;
	vm0 =	vlt.s32 v27, v53  }
0x261: {  	v1 =	vadd.s32 v46, v1;
	v54 =	vsel vm0, $0x0, v50;
	vm0 =	vlt.s32 v25, v55  }
0x262: {  	v2 =	vadd.s32 v3, v2;
	v4 =	vsel vm0, $0x0, v56;
	vm0 =	vlt.s32 v27, v57  }
0x263: {  	v63 =	vld [tilespmem:$0x1FFC0];
	v1 =	vadd.s32 v6, v1;
	v58 =	vsel vm0, $0x0, v48;
	vm0 =	vlt.s32 v25, v59  }
0x264: {  	v2 =	vadd.s32 v54, v2;
	v3 =	vsel vm0, $0x0, v60;
	vm0 =	vlt.s32 v27, v61  }
0x265: {  	v1 =	vadd.s32 v4, v1;
	v2 =	vadd.s32 v58, v2;
	v62 =	vsel vm0, $0x0, v47  }
0x266: {  	s0 =	sshra.s32 s26, $0x2;
	v38 =	vld [tilespmem:$0x1FFE0];
	vm0 =	vlt.s32 v25, v35;
	v1 =	vadd.s32 v3, v1;
	v2 =	vadd.s32 v62, v2  }
0x267: {  	[tilespmem:s0+$0x280] =	vst v0;
	v37 =	vld [tilespmem:$0x1FFD0];
	v1 =	vsel vm0, v1, v2  }
0x268: {  	s26 =	simm.s32 $0x0;
	s29 =	simm.s32 $0x410;
	s31 =	simm.s32 $0x2880;
	vm3 =	vnez.u8 v63;
	v39 =	vld [tilespmem:$0x1FFF0];
	[tilespmem:s0+$0x290] =	vst v1  }
.LBB2_4:
0x269: {  	_ =	swait.ge [sflag:s18], $0x4000  }
0x26a: {  	[sflag:s18] =	ssyncset.done $0x0  }
0x26b: {  	s0 =	sadd.s32 s26, s8;
	[sflag:s18] =	ssyncadd.s32 $0xFFFFC000  }
0x26c: {  	[hbm4b:s0+s4] =	stream.linear.scatter [tilespmem:s11], [sflag:$0x5], $0x4000, $0x38;
	[tilespmem:$0x12080] =	vst v63  }
0x26d: {  	_ =	swait.ge [sflag:s20], $0x4000  }
0x26e: {  	[sflag:s20] =	ssyncset.done $0x0  }
0x26f: {  	s30 =	sadd.s32 $0x800, s0;
	[sflag:s20] =	ssyncadd.s32 $0xFFFFC000  }
0x270: {  	[hbm4b:s30+s4] =	stream.linear.scatter [tilespmem:s19], [sflag:$0x6], $0x4000, $0x38;
	[tilespmem:$0x12080] =	vst v63  }
0x271: {  	_ =	swait.ge [sflag:s21], $0x4000  }
0x272: {  	[sflag:s21] =	ssyncset.done $0x0  }
0x273: {  	p0 =	seq.s32 s26, $0x1E000;
	s30 =	sadd.s32 $0x1000, s0;
	[sflag:s21] =	ssyncadd.s32 $0xFFFFC000  }
0x274: {  	[hbm4b:s30+s4] =	stream.linear.scatter [tilespmem:s28], [sflag:$0x7], $0x4000, $0x38;
	[tilespmem:$0x12080] =	vst v63  }
.Ltmp3:
0x275: {  	_ = 	snop;
	(pc) =	sbr.rel @p0 .LBB2_6-.Ltmp3, $4  }
0x276: {  	_ =	swait.ge [sflag:s22], $0x4000  }
0x277: {  	[sflag:s22] =	ssyncset.done $0x0  }
0x278: {  	s0 =	sadd.s32 $0x1800, s0;
	[sflag:s22] =	ssyncadd.s32 $0xFFFFC000  }
0x279: {  	[hbm4b:s0+s4] =	stream.linear.scatter [tilespmem:s10], [sflag:$0x8], $0x4000, $0x38;
	[tilespmem:$0x12080] =	vst v63  }
0x27a: {  	_ =	swait.ge [sflag:s23], $0x4000  }
0x27b: {  	[sflag:s23] =	ssyncset.done $0x0  }
0x27c: {  	[sflag:s23] =	ssyncadd.s32 $0xFFFFC000  }
0x27d: {  	v0 =	vld [tilespmem:s29+$0xFFFFFE70];
	_ =	sdelay $0x4  }
0x27e: {  	v1 =	vshll.u32 v0, $0x2  }
0x27f: {  	v0 =	vand.u32 $0x7, v0;
	v1 =	vand.u32 $0xFFFFFFE0, v1  }
0x280: {  	v0 =	vor.u32 v0, v1  }
0x281: {  	v1 =	vperm.xlane v0, v37;
	_ =	sdelay $0x1  }
0x282: {  	v1 =	vadd.s32 v38, v1;
	_ =	sdelay $0x1  }
0x283: {  	v0 =	vperm.xlane v0, v39;
	_ =	sdelay $0x1  }
0x284: {  	v0 =	vadd.s32 v38, v0  }
0x285: {  	[tilespmem:s11], [sflag:$0x1] =	stream.indirect_vreg.gather [hbm4b:s1+s4], $0x80, v1, vm3, $0xb8;
	[tilespmem:$0x12080] =	vst v63  }
0x286: {  	_ = 	snop  }
0x287: {  	[tilespmem:s31], [sflag:$0x1] =	stream.indirect_vreg.gather [hbm4b:s5+s4], $0x80, v1, vm3, $0xb8;
	[tilespmem:$0x12080] =	vst v63  }
0x288: {  	s0 =	simm.s32 $0x3080  }
0x289: {  	[tilespmem:s0], [sflag:$0x1] =	stream.indirect_vreg.gather [hbm4b:s1+s4], $0x80, v0, vm3, $0xb8;
	[tilespmem:$0x12080] =	vst v63  }
0x28a: {  	s30 =	simm.s32 $0x3880  }
0x28b: {  	[tilespmem:s30], [sflag:$0x1] =	stream.indirect_vreg.gather [hbm4b:s5+s4], $0x80, v0, vm3, $0xb8;
	[tilespmem:$0x12080] =	vst v63  }
0x28c: {  	v0 =	vld [tilespmem:s29+$0xFFFFFE80];
	_ =	sdelay $0x4  }
0x28d: {  	v54 =	vshll.u32 v0, $0x2  }
0x28e: {  	v0 =	vand.u32 $0x7, v0;
	v1 =	vand.u32 $0xFFFFFFE0, v54  }
0x28f: {  	v0 =	vor.u32 v0, v1  }
0x290: {  	v1 =	vperm.xlane v0, v37;
	_ =	sdelay $0x1  }
0x291: {  	v1 =	vadd.s32 v38, v1;
	_ =	sdelay $0x1  }
0x292: {  	v0 =	vperm.xlane v0, v39;
	_ =	sdelay $0x1  }
0x293: {  	s30 =	simm.s32 $0x4080;
	v0 =	vadd.s32 v38, v0  }
0x294: {  	[tilespmem:s30], [sflag:$0x1] =	stream.indirect_vreg.gather [hbm4b:s1+s4], $0x80, v1, vm3, $0xb8;
	[tilespmem:$0x12080] =	vst v63  }
0x295: {  	s30 =	simm.s32 $0x4880  }
0x296: {  	[tilespmem:s30], [sflag:$0x1] =	stream.indirect_vreg.gather [hbm4b:s5+s4], $0x80, v1, vm3, $0xb8;
	[tilespmem:$0x12080] =	vst v63  }
0x297: {  	s30 =	simm.s32 $0x5080  }
0x298: {  	[tilespmem:s30], [sflag:$0x1] =	stream.indirect_vreg.gather [hbm4b:s1+s4], $0x80, v0, vm3, $0xb8;
	[tilespmem:$0x12080] =	vst v63  }
0x299: {  	s30 =	simm.s32 $0x5880  }
0x29a: {  	[tilespmem:s30], [sflag:$0x1] =	stream.indirect_vreg.gather [hbm4b:s5+s4], $0x80, v0, vm3, $0xb8;
	[tilespmem:$0x12080] =	vst v63  }
0x29b: {  	_ =	swait.ge [sflag:s24], $0x4000  }
0x29c: {  	[sflag:s24] =	ssyncset.done $0x0  }
0x29d: {  	[sflag:s24] =	ssyncadd.s32 $0xFFFFC000  }
0x29e: {  	v55 =	vld [tilespmem:s29+$0xFFFFFEF0];
	_ =	sdelay $0x4  }
0x29f: {  	v56 =	vshll.u32 v55, $0x2  }
0x2a0: {  	v0 =	vand.u32 $0x7, v55;
	v1 =	vand.u32 $0xFFFFFFE0, v56  }
0x2a1: {  	v0 =	vor.u32 v0, v1  }
0x2a2: {  	v1 =	vperm.xlane v0, v37;
	_ =	sdelay $0x1  }
0x2a3: {  	v1 =	vadd.s32 v38, v1;
	_ =	sdelay $0x1  }
0x2a4: {  	v0 =	vperm.xlane v0, v39;
	_ =	sdelay $0x1  }
0x2a5: {  	v0 =	vadd.s32 v38, v0  }
0x2a6: {  	[tilespmem:s19], [sflag:$0x2] =	stream.indirect_vreg.gather [hbm4b:s1+s4], $0x80, v1, vm3, $0xb8;
	[tilespmem:$0x12080] =	vst v63  }
0x2a7: {  	s30 =	simm.s32 $0x6880  }
0x2a8: {  	[tilespmem:s30], [sflag:$0x2] =	stream.indirect_vreg.gather [hbm4b:s5+s4], $0x80, v1, vm3, $0xb8;
	[tilespmem:$0x12080] =	vst v63  }
0x2a9: {  	s30 =	simm.s32 $0x7080  }
0x2aa: {  	[tilespmem:s30], [sflag:$0x2] =	stream.indirect_vreg.gather [hbm4b:s1+s4], $0x80, v0, vm3, $0xb8;
	[tilespmem:$0x12080] =	vst v63  }
0x2ab: {  	s30 =	simm.s32 $0x7880  }
0x2ac: {  	[tilespmem:s30], [sflag:$0x2] =	stream.indirect_vreg.gather [hbm4b:s5+s4], $0x80, v0, vm3, $0xb8;
	[tilespmem:$0x12080] =	vst v63  }
0x2ad: {  	v0 =	vld [tilespmem:s29+$0xFFFFFF00];
	_ =	sdelay $0x4  }
0x2ae: {  	v57 =	vshll.u32 v0, $0x2  }
0x2af: {  	v0 =	vand.u32 $0x7, v0;
	v1 =	vand.u32 $0xFFFFFFE0, v57  }
0x2b0: {  	v0 =	vor.u32 v0, v1  }
0x2b1: {  	v1 =	vperm.xlane v0, v37;
	_ =	sdelay $0x1  }
0x2b2: {  	v1 =	vadd.s32 v38, v1;
	_ =	sdelay $0x1  }
0x2b3: {  	v0 =	vperm.xlane v0, v39;
	_ =	sdelay $0x1  }
0x2b4: {  	s30 =	simm.s32 $0x8080;
	v0 =	vadd.s32 v38, v0  }
0x2b5: {  	[tilespmem:s30], [sflag:$0x2] =	stream.indirect_vreg.gather [hbm4b:s1+s4], $0x80, v1, vm3, $0xb8;
	[tilespmem:$0x12080] =	vst v63  }
0x2b6: {  	s30 =	simm.s32 $0x8880  }
0x2b7: {  	[tilespmem:s30], [sflag:$0x2] =	stream.indirect_vreg.gather [hbm4b:s5+s4], $0x80, v1, vm3, $0xb8;
	[tilespmem:$0x12080] =	vst v63  }
0x2b8: {  	s30 =	simm.s32 $0x9080  }
0x2b9: {  	[tilespmem:s30], [sflag:$0x2] =	stream.indirect_vreg.gather [hbm4b:s1+s4], $0x80, v0, vm3, $0xb8;
	[tilespmem:$0x12080] =	vst v63  }
0x2ba: {  	s30 =	simm.s32 $0x9880  }
0x2bb: {  	[tilespmem:s30], [sflag:$0x2] =	stream.indirect_vreg.gather [hbm4b:s5+s4], $0x80, v0, vm3, $0xb8;
	[tilespmem:$0x12080] =	vst v63  }
0x2bc: {  	_ =	swait.ge [sflag:s25], $0x4000  }
0x2bd: {  	[sflag:s25] =	ssyncset.done $0x0  }
0x2be: {  	[sflag:s25] =	ssyncadd.s32 $0xFFFFC000  }
0x2bf: {  	v58 =	vld [tilespmem:s29+$0xFFFFFF70];
	_ =	sdelay $0x4  }
0x2c0: {  	v59 =	vshll.u32 v58, $0x2  }
0x2c1: {  	v0 =	vand.u32 $0x7, v58;
	v1 =	vand.u32 $0xFFFFFFE0, v59  }
0x2c2: {  	v0 =	vor.u32 v0, v1  }
0x2c3: {  	v1 =	vperm.xlane v0, v37;
	_ =	sdelay $0x1  }
0x2c4: {  	v1 =	vadd.s32 v38, v1;
	_ =	sdelay $0x1  }
0x2c5: {  	v0 =	vperm.xlane v0, v39;
	_ =	sdelay $0x1  }
0x2c6: {  	v0 =	vadd.s32 v38, v0  }
0x2c7: {  	[tilespmem:s28], [sflag:$0x3] =	stream.indirect_vreg.gather [hbm4b:s1+s4], $0x80, v1, vm3, $0xb8;
	[tilespmem:$0x12080] =	vst v63  }
0x2c8: {  	s30 =	simm.s32 $0xA880  }
0x2c9: {  	[tilespmem:s30], [sflag:$0x3] =	stream.indirect_vreg.gather [hbm4b:s5+s4], $0x80, v1, vm3, $0xb8;
	[tilespmem:$0x12080] =	vst v63  }
0x2ca: {  	s30 =	simm.s32 $0xB080  }
0x2cb: {  	[tilespmem:s30], [sflag:$0x3] =	stream.indirect_vreg.gather [hbm4b:s1+s4], $0x80, v0, vm3, $0xb8;
	[tilespmem:$0x12080] =	vst v63  }
0x2cc: {  	s30 =	simm.s32 $0xB880  }
0x2cd: {  	[tilespmem:s30], [sflag:$0x3] =	stream.indirect_vreg.gather [hbm4b:s5+s4], $0x80, v0, vm3, $0xb8;
	[tilespmem:$0x12080] =	vst v63  }
0x2ce: {  	v0 =	vld [tilespmem:s29+$0xFFFFFF80];
	_ =	sdelay $0x4  }
0x2cf: {  	v60 =	vshll.u32 v0, $0x2  }
0x2d0: {  	v0 =	vand.u32 $0x7, v0;
	v1 =	vand.u32 $0xFFFFFFE0, v60  }
0x2d1: {  	v0 =	vor.u32 v0, v1  }
0x2d2: {  	v1 =	vperm.xlane v0, v37;
	_ =	sdelay $0x1  }
0x2d3: {  	v1 =	vadd.s32 v38, v1;
	_ =	sdelay $0x1  }
0x2d4: {  	v0 =	vperm.xlane v0, v39;
	_ =	sdelay $0x1  }
0x2d5: {  	s30 =	simm.s32 $0xC080;
	v0 =	vadd.s32 v38, v0  }
0x2d6: {  	[tilespmem:s30], [sflag:$0x3] =	stream.indirect_vreg.gather [hbm4b:s1+s4], $0x80, v1, vm3, $0xb8;
	[tilespmem:$0x12080] =	vst v63  }
0x2d7: {  	_ = 	snop  }
0x2d8: {  	[tilespmem:s3], [sflag:$0x3] =	stream.indirect_vreg.gather [hbm4b:s5+s4], $0x80, v1, vm3, $0xb8;
	[tilespmem:$0x12080] =	vst v63  }
0x2d9: {  	_ = 	snop  }
0x2da: {  	[tilespmem:s2], [sflag:$0x3] =	stream.indirect_vreg.gather [hbm4b:s1+s4], $0x80, v0, vm3, $0xb8;
	[tilespmem:$0x12080] =	vst v63  }
0x2db: {  	_ = 	snop  }
0x2dc: {  	[tilespmem:s6], [sflag:$0x3] =	stream.indirect_vreg.gather [hbm4b:s5+s4], $0x80, v0, vm3, $0xb8;
	[tilespmem:$0x12080] =	vst v63  }
0x2dd: {  	_ =	swait.ge [sflag:s9], $0x4000  }
0x2de: {  	[sflag:s9] =	ssyncset.done $0x0  }
0x2df: {  	[sflag:s9] =	ssyncadd.s32 $0xFFFFC000  }
0x2e0: {  	v61 =	vld [tilespmem:s29+$0xFFFFFFF0];
	_ =	sdelay $0x4  }
0x2e1: {  	v62 =	vshll.u32 v61, $0x2  }
0x2e2: {  	v0 =	vand.u32 $0x7, v61;
	v1 =	vand.u32 $0xFFFFFFE0, v62  }
0x2e3: {  	v0 =	vor.u32 v0, v1  }
0x2e4: {  	v1 =	vperm.xlane v0, v37;
	_ =	sdelay $0x1  }
0x2e5: {  	v1 =	vadd.s32 v38, v1;
	_ =	sdelay $0x1  }
0x2e6: {  	v0 =	vperm.xlane v0, v39;
	_ =	sdelay $0x1  }
0x2e7: {  	v0 =	vadd.s32 v38, v0  }
0x2e8: {  	[tilespmem:s10], [sflag:$0x4] =	stream.indirect_vreg.gather [hbm4b:s1+s4], $0x80, v1, vm3, $0xb8;
	[tilespmem:$0x12080] =	vst v63  }
0x2e9: {  	_ = 	snop  }
0x2ea: {  	[tilespmem:s7], [sflag:$0x4] =	stream.indirect_vreg.gather [hbm4b:s5+s4], $0x80, v1, vm3, $0xb8;
	[tilespmem:$0x12080] =	vst v63  }
0x2eb: {  	_ = 	snop  }
0x2ec: {  	[tilespmem:s12], [sflag:$0x4] =	stream.indirect_vreg.gather [hbm4b:s1+s4], $0x80, v0, vm3, $0xb8;
	[tilespmem:$0x12080] =	vst v63  }
0x2ed: {  	_ = 	snop  }
0x2ee: {  	[tilespmem:s13], [sflag:$0x4] =	stream.indirect_vreg.gather [hbm4b:s5+s4], $0x80, v0, vm3, $0xb8;
	[tilespmem:$0x12080] =	vst v63  }
0x2ef: {  	v0 =	vld [tilespmem:s29+$0x0];
	_ =	sdelay $0x4  }
0x2f0: {  	v63 =	vshll.u32 v0, $0x2  }
0x2f1: {  	v0 =	vand.u32 $0x7, v0;
	v1 =	vand.u32 $0xFFFFFFE0, v63  }
0x2f2: {  	v0 =	vor.u32 v0, v1  }
0x2f3: {  	v1 =	vperm.xlane v0, v37;
	_ =	sdelay $0x1  }
0x2f4: {  	v1 =	vadd.s32 v38, v1;
	_ =	sdelay $0x2  }
0x2f5: {  	v0 =	vperm.xlane v0, v39  }
0x2f6: {  	s26 =	sadd.s32 $0x2000, s26  }
0x2f7: {  	v0 =	vadd.s32 v38, v0;
	[tilespmem:s14], [sflag:$0x4] =	stream.indirect_vreg.gather [hbm4b:s1+s4], $0x80, v1, vm3, $0xb8;
	[tilespmem:$0x12080] =	vst v63  }
0x2f8: {  	p0 =	sne.s32 s26, $0x20000  }
0x2f9: {  	[tilespmem:s15], [sflag:$0x4] =	stream.indirect_vreg.gather [hbm4b:s5+s4], $0x80, v1, vm3, $0xb8;
	[tilespmem:$0x12080] =	vst v63  }
.Ltmp4:
0x2fa: {  	_ = 	snop;
	(pc) =	sbr.rel @p0 .LBB2_4-.Ltmp4, $4  }
.Ltmp5:
0x2fb: {  	_ = 	snop;
	(pc) =	sbr.rel @!p0 .LBB2_6-.Ltmp5, $4  }
0x2fc: {  	[tilespmem:s16], [sflag:$0x4] =	stream.indirect_vreg.gather [hbm4b:s1+s4], $0x80, v0, vm3, $0xb8;
	[tilespmem:$0x12080] =	vst v63  }
0x2fd: {  	s29 =	sadd.s32 $0x200, s29  }
0x2fe: {  	[tilespmem:s17], [sflag:$0x4] =	stream.indirect_vreg.gather [hbm4b:s5+s4], $0x80, v0, vm3, $0xb8;
	[tilespmem:$0x12080] =	vst v63  }
0x2ff: {  	_ = 	snop  }
.LBB2_7:
0x300: {  	_ =	sfence.sel $0x180000  }
0x301: {  	[bflag:$0x0] =	sbarrier.arrive $0xFFFF  }
0x302: {  	_ =	strace $0x90000047  }
0x303: {  	s0 =	stileid.u32;
	[bflag:$0x2] =	sbarrier.arrive $0xFFFF  }
0x304: {  	p0 =	sne.s32 s0, $0x0;
	s0 =	rddreg [dreg:$0x3]  }
0x305: {  	s0 =	sadd.s32 @!p0 $0x100000, s0  }
0x306: {  	[sflag:s0] =	ssyncadd.tile.s32 @!p0 $0x1;
	_ =	shalt  }
.Lfunc_end2:
_tile_overlayer_lowered:
.L_overlay_start_2:
0x307: {  	(tag) =	ssettag $0x2  }
0x308: {  	s0 =	rddreg [dreg:$0x0];
	s2 =	stileid.u32  }
0x309: {  	s1 =	rddreg [dreg:$0x1];
	p0 =	sne.s32 s2, $0x0  }
0x30a: {  	s3 =	rddreg [dreg:$0x2];
	[bflag:$0x3] =	sbarrier.arrive $0xFFFF;
	s2 =	simm.s32 @!p0 $0x1C09  }
0x30b: {  	[timem:s3], [sflag:s2] =	dma.local @!p0 [hbm:s0], s1  }
0x30c: {  	s0 =	simm.s32 @!p0 $0x9  }
0x30d: {  	_ =	swait.ge @!p0 [sflag:s0], s1  }
0x30e: {  	s1 =	ssub.s32 @!p0 $0x0, s1;
	[sflag:s0] =	ssyncset.done @!p0 $0x0  }
0x30f: {  	[sflag:s0] =	ssyncadd.s32 @!p0 s1  }
0x310: {  	[bflag:$0x3] =	sbarrier.arrive $0xFFFF  }
0x311: {  	_ =	shalt  }

</sc_bundles>
